<compile_context>
chip_gen: v7x
topology: tpu7x:2x2x1
jax: 0.10.2.dev20260603
libtpu: 0.0.44.dev20260713+nightly
codegen_flags: <defaults>
</compile_context>

<pallas_src>
import functools

import jax
import jax.numpy as jnp
from jax import lax
from jax.experimental import pallas as pl
from jax.experimental.pallas import tpu as pltpu
from jax.experimental.pallas import tpu_sc as plsc

R = 128
N = 8192
K = 1024
L = 16
NC = 2
NS = 16
W = NC * NS
RPW = R // W
NV = N // L
BLK = N // L
UNROLL = 4

I32MAX = 0x7FFFFFFF


def _srl(x, n):
    return lax.shift_right_logical(x, n)


def _body(attn_hbm, inp_hbm, oattn_hbm, oinp_hbm,
          attn_v, inp_v, skey_v, ckey_a, cidx_a, ckey_b, cidx_b,
          hist256, hist256b, hist32, hist32b, histbase, binsum, stag_a, stag_i):
    cid = lax.axis_index("c")
    sid = lax.axis_index("s")
    wid = sid * NC + cid
    lanes = lax.broadcasted_iota(jnp.int32, (L,), 0)
    zeros = jnp.zeros((L,), jnp.int32)
    ones = jnp.ones((L,), jnp.int32)
    lanebase = lanes * 256

    def z0(j, _):
        hist256[pl.ds(j * L, L)] = zeros
        hist256b[pl.ds(j * L, L)] = zeros
        return 0
    lax.fori_loop(0, 256, z0, 0)

    def z1(j, _):
        hist32[pl.ds(j * L, L)] = zeros
        hist32b[pl.ds(j * L, L)] = zeros
        return 0
    lax.fori_loop(0, 64, z1, 0)

    def byte_scan(tbl, threshold, save_binsum):
        def grp(j, carry):
            cum_carry, cntv = carry
            acc = zeros
            for l in range(L):
                sl = l * 256 + j * L
                acc = acc + tbl[pl.ds(sl, L)]
                tbl[pl.ds(sl, L)] = zeros
            inc = plsc.cumsum(acc) + cum_carry
            if save_binsum:
                binsum[pl.ds(j * L, L)] = inc
            cntv = cntv + jnp.where(inc < threshold, 1, 0)
            return (jnp.max(inc), cntv)
        _, cntv = lax.fori_loop(0, 16, grp, (jnp.int32(0), zeros))
        return jnp.sum(cntv)

    def do_row(i, _carry):
        r = wid * RPW + i
        pltpu.sync_copy(attn_hbm.at[r], attn_v)
        pltpu.sync_copy(inp_hbm.at[r], inp_v)

        PRED = 64
        def key_hist(t4, _):
            for u in range(UNROLL):
                t = t4 * UNROLL + u
                x = attn_v[pl.ds(t * L, L)]
                uu = lax.bitcast_convert_type(x, jnp.int32)
                sk = jnp.where(uu < 0, uu & I32MAX, ~uu)
                skey_v[pl.ds(t * L, L)] = sk
                d = (_srl(sk, 24) & 0xFF) ^ 0x80
                slot = lanebase + d
                plsc.addupdate_scatter(hist256, [slot], ones)
                slot2 = lanebase + (_srl(sk, 16) & 0xFF)
                plsc.addupdate_scatter(hist256b, [slot2], ones, mask=d == PRED)
            return 0
        lax.fori_loop(0, NV // UNROLL, key_hist, 0)

        p1 = byte_scan(hist256, jnp.int32(K), True)
        bm1 = plsc.load_gather(binsum, [zeros + jnp.maximum(p1 - 1, 0)])
        below1 = jnp.where(p1 == 0, jnp.int32(0), jnp.max(bm1))

        @pl.when(p1 != PRED)
        def _fallback():
            def zb(j, _):
                hist256b[pl.ds(j * L, L)] = zeros
                return 0
            lax.fori_loop(0, 256, zb, 0)

            def hist2(t4, _):
                for u in range(UNROLL):
                    t = t4 * UNROLL + u
                    sk = skey_v[pl.ds(t * L, L)]
                    d1 = (_srl(sk, 24) & 0xFF) ^ 0x80
                    m = d1 == p1
                    slot = lanebase + (_srl(sk, 16) & 0xFF)
                    plsc.addupdate_scatter(hist256b, [slot], ones, mask=m)
                return 0
            lax.fori_loop(0, NV // UNROLL, hist2, 0)

        p2 = byte_scan(hist256b, K - below1, False)

        skey_ub = (
            lax.shift_left((p1 ^ 0x80), 24)
            | lax.shift_left(p2, 16)
            | jnp.int32(0xFFFF))

        def compact(t4, off):
            for u in range(UNROLL):
                t = t4 * UNROLL + u
                pos = lanes * BLK + t
                s = plsc.load_gather(skey_v, [pos])
                m = s <= skey_ub
                plsc.store_scatter(ckey_a, [off], s, mask=m)
                plsc.store_scatter(cidx_a, [off], pos, mask=m)
                plsc.addupdate_scatter(
                    hist32, [(s & 0x3F) * L + lanes], ones, mask=m)
                off = off + jnp.where(m, 1, 0)
            return off
        off_fin = lax.fori_loop(0, BLK // UNROLL, compact, lanes * BLK)
        cnt = off_fin - lanes * BLK
        ncand = jnp.sum(cnt)
        cmax = jnp.max(cnt)
        c1 = (ncand + (L - 1)) // L

        SHIFTS = (0, 6, 11, 16, 21, 26)
        MASKS = (0x3F, 0x1F, 0x1F, 0x1F, 0x1F, 0x3F)
        NBINS = (64, 32, 32, 32, 32, 64)
        FLIPS = (0, 0, 0, 0, 0, 0x20)
        LAST = 5
        hists = (hist32, hist32b)

        def scan_tbl(tbl, nb):
            def s(j, carry):
                v = tbl[pl.ds(j * L, L)]
                tbl[pl.ds(j * L, L)] = zeros
                inc = plsc.cumsum(v)
                histbase[pl.ds(j * L, L)] = inc - v + carry
                return carry + jnp.max(inc)
            lax.fori_loop(0, nb, s, jnp.int32(0))

        def sort_pass(p, src_k, src_i, dst_k, dst_i, span, stride, msk_cnt):
            tbl = hists[p % 2]
            sh, msk, flip = SHIFTS[p], MASKS[p], FLIPS[p]
            if p > 0:
                def hist_step(t, _):
                    pos = lanes * stride + t
                    k = plsc.load_gather(src_k, [pos])
                    d = (_srl(k, sh) & msk) ^ flip
                    plsc.addupdate_scatter(tbl, [d * L + lanes], ones)
                    return 0
                lax.fori_loop(0, span, hist_step, 0)
            scan_tbl(tbl, NBINS[p])

            def perm_step(t, _):
                pos = lanes * stride + t
                k = plsc.load_gather(src_k, [pos])
                v = plsc.load_gather(src_i, [pos])
                d = (_srl(k, sh) & msk) ^ flip
                slot = d * L + lanes
                o = plsc.load_gather(histbase, [slot])
                m = None if msk_cnt is None else (t < msk_cnt)
                plsc.store_scatter(histbase, [slot], o + 1, mask=m)
                if p == LAST:
                    mo = o < K if m is None else (m & (o < K))
                    va = plsc.load_gather(attn_v, [v])
                    vi = plsc.load_gather(inp_v, [v])
                    plsc.store_scatter(stag_a, [o], va, mask=mo)
                    plsc.store_scatter(stag_i, [o], vi, mask=mo)
                else:
                    plsc.store_scatter(dst_k, [o], k, mask=m)
                    plsc.store_scatter(dst_i, [o], v, mask=m)
                return 0
            lax.fori_loop(0, span, perm_step, 0)

        sort_pass(0, ckey_a, cidx_a, ckey_b, cidx_b, cmax, BLK, cnt)

        padpos = ncand + lanes
        padm = padpos < c1 * L
        plsc.store_scatter(
            ckey_b, [padpos], jnp.full((L,), I32MAX, jnp.int32), mask=padm)
        plsc.store_scatter(cidx_b, [padpos], zeros, mask=padm)

        bufs = ((ckey_b, cidx_b), (ckey_a, cidx_a))
        for p in range(1, LAST + 1):
            src_k, src_i = bufs[(p - 1) % 2]
            dst_k, dst_i = bufs[p % 2]
            sort_pass(p, src_k, src_i, dst_k, dst_i, c1, c1, None)

        pltpu.sync_copy(stag_a, oattn_hbm.at[r])
        pltpu.sync_copy(stag_i, oinp_hbm.at[r])
        return 0

    lax.fori_loop(0, RPW, do_row, 0)


@functools.partial(jax.jit, static_argnames=("interpret",))
def _run(attn, inputs, interpret=False):
    mesh = plsc.VectorSubcoreMesh(
        core_axis_name="c", subcore_axis_name="s",
        num_cores=NC, num_subcores=NS)
    f = pl.kernel(
        _body,
        out_type=(
            jax.ShapeDtypeStruct((R, K), jnp.float32),
            jax.ShapeDtypeStruct((R, K), jnp.float32),
        ),
        mesh=mesh,
        scratch_types=[
            pltpu.VMEM((N,), jnp.float32),
            pltpu.VMEM((N,), jnp.float32),
            pltpu.VMEM((N,), jnp.int32),
            pltpu.VMEM((N,), jnp.int32),
            pltpu.VMEM((N,), jnp.int32),
            pltpu.VMEM((N,), jnp.int32),
            pltpu.VMEM((N,), jnp.int32),
            pltpu.VMEM((256 * L,), jnp.int32),
            pltpu.VMEM((256 * L,), jnp.int32),
            pltpu.VMEM((64 * L,), jnp.int32),
            pltpu.VMEM((64 * L,), jnp.int32),
            pltpu.VMEM((64 * L,), jnp.int32),
            pltpu.VMEM((256,), jnp.int32),
            pltpu.VMEM((K,), jnp.float32),
            pltpu.VMEM((K,), jnp.float32),
        ],
        compiler_params=pltpu.CompilerParams(needs_layout_passes=False),
        interpret=interpret,
    )
    return f(attn, inputs)


def kernel(attn, inputs):
    return _run(attn, inputs)

# --- scband reference (transcript-rebuilt; emitter-appended) ---
"""Pipeline reference for scband-select-features-64656437674590 (READ-ONLY COPY).

The authoritative reference and input builder live on the scoring server;
editing this copy changes nothing except your own understanding.
"""

import jax, jax.numpy as jnp
import numpy as np

TOP = 1024
DIM = 1

def setup_inputs(seed: int = 0) -> dict:
    key = jax.random.key(seed)
    k1, k2 = jax.random.split(key)
    attn = jax.random.normal(k1, (128, 8192), dtype=jnp.float32)
    inputs = jax.random.normal(k2, (128, 8192), dtype=jnp.float32)
    return {"attn": attn, "inputs": inputs}

def reference(attn, inputs):
    # torch.topk(attn, k=top, dim=1) -> jax.lax.top_k operates on the last axis,
    # which coincides with dim=1 here for 2D inputs.
    top_attn, top_ind = jax.lax.top_k(attn, TOP)
    # torch.gather(inputs, dim=1, index=top_ind) -> take_along_axis
    top_inp = jnp.take_along_axis(inputs, top_ind, axis=DIM).astype(jnp.float32)
    # return_index=False path: (top_attn, top_inp)
    return (top_attn, top_inp)

if __name__ == "__main__":
    import jax
    _d = setup_inputs()
    print(jax.jit(kernel)(*tuple(_d.values())))

</pallas_src>

<mosaic_0001>
#map = affine_map<(d0, d1) -> (0, 0)>
module attributes {stable_mosaic.version = 14 : i64} {
  func.func @_body(%arg0: i32, %arg1: i32, %arg2: memref<128x8192xf32, #tpu.memory_space<hbm>>, %arg3: memref<128x8192xf32, #tpu.memory_space<hbm>>, %arg4: memref<128x1024xf32, #tpu.memory_space<hbm>>, %arg5: memref<128x1024xf32, #tpu.memory_space<hbm>>, %arg6: memref<8192xf32, #tpu.memory_space<vmem>>, %arg7: memref<8192xf32, #tpu.memory_space<vmem>>, %arg8: memref<8192xi32, #tpu.memory_space<vmem>>, %arg9: memref<8192xi32, #tpu.memory_space<vmem>>, %arg10: memref<8192xi32, #tpu.memory_space<vmem>>, %arg11: memref<8192xi32, #tpu.memory_space<vmem>>, %arg12: memref<8192xi32, #tpu.memory_space<vmem>>, %arg13: memref<4096xi32, #tpu.memory_space<vmem>>, %arg14: memref<4096xi32, #tpu.memory_space<vmem>>, %arg15: memref<1024xi32, #tpu.memory_space<vmem>>, %arg16: memref<1024xi32, #tpu.memory_space<vmem>>, %arg17: memref<1024xi32, #tpu.memory_space<vmem>>, %arg18: memref<256xi32, #tpu.memory_space<vmem>>, %arg19: memref<1024xf32, #tpu.memory_space<vmem>>, %arg20: memref<1024xf32, #tpu.memory_space<vmem>>) attributes {dimension_semantics = [#tpu.dimension_semantics<core_parallel>, #tpu.dimension_semantics<subcore_parallel>], iteration_bounds = array<i64: 2, 16>, scalar_prefetch = 0 : i64, scratch_operands = 15 : i64, tpu.core_type = #tpu.core_type<sc_vector_subcore>, window_params = [{transform_indices = #map}, {transform_indices = #map}, {transform_indices = #map}, {transform_indices = #map}]} {
    %mul3A = arith.constant 2 : i32
    %mul3A_0 = arith.muli %arg1, %mul3A : i32
    %add3A = arith.addi %mul3A_0, %arg0 : i32
    %iota3A = tpu.iota {dimensions = array<i32: 0>} : vector<16xi32>
    %broadcast_in_dim3A = arith.constant 0 : i32
    %broadcast_in_dim3A_1 = vector.broadcast %broadcast_in_dim3A : i32 to vector<16xi32>
    %broadcast_in_dim3A_2 = arith.constant 1 : i32
    %broadcast_in_dim3A_3 = vector.broadcast %broadcast_in_dim3A_2 : i32 to vector<16xi32>
    %mul3A_4 = arith.constant 256 : i32
    %mul3A_5 = vector.broadcast %mul3A_4 : i32 to vector<16xi32>
    %mul3A_6 = arith.muli %iota3A, %mul3A_5 : vector<16xi32>
    %scan3A = arith.constant 0 : i32
    %scan3A_7 = arith.constant 0 : i32
    %scan3A_8 = arith.constant 256 : i32
    %scan3A_9 = arith.addi %scan3A_7, %scan3A_8 : i32
    %scan3A_10 = arith.constant 1 : i32
    %scan3A_11 = scf.for %scan3A_27 = %scan3A_7 to %scan3A_9 step %scan3A_10 iter_args(%scan3A_28 = %scan3A) -> (i32)  : i32 {
      %mul3A_29 = arith.constant 16 : i32
      %mul3A_30 = arith.muli %scan3A_27, %mul3A_29 : i32
      %swap3A = arith.index_cast %mul3A_30 : i32 to index
      %swap3A_31 = tpu.vector_load %arg13[%swap3A] {strides = array<i32>} : memref<4096xi32, #tpu.memory_space<vmem>>, vector<16xi32>,
      tpu.vector_store %arg13[%swap3A], %broadcast_in_dim3A_1 {strides = array<i32>} : memref<4096xi32, #tpu.memory_space<vmem>>, vector<16xi32>,
      %mul3A_32 = arith.constant 16 : i32
      %mul3A_33 = arith.muli %scan3A_27, %mul3A_32 : i32
      %swap3A_34 = arith.index_cast %mul3A_33 : i32 to index
      %swap3A_35 = tpu.vector_load %arg14[%swap3A_34] {strides = array<i32>} : memref<4096xi32, #tpu.memory_space<vmem>>, vector<16xi32>,
      tpu.vector_store %arg14[%swap3A_34], %broadcast_in_dim3A_1 {strides = array<i32>} : memref<4096xi32, #tpu.memory_space<vmem>>, vector<16xi32>,
      %scan3A_36 = arith.constant 0 : i32
      scf.yield %scan3A_36 : i32
    }
    %scan3A_12 = arith.constant 256 : i32
    %scan3A_13 = arith.constant 0 : i32
    %scan3A_14 = arith.constant 0 : i32
    %scan3A_15 = arith.constant 64 : i32
    %scan3A_16 = arith.addi %scan3A_14, %scan3A_15 : i32
    %scan3A_17 = arith.constant 1 : i32
    %scan3A_18 = scf.for %scan3A_27 = %scan3A_14 to %scan3A_16 step %scan3A_17 iter_args(%scan3A_28 = %scan3A_13) -> (i32)  : i32 {
      %mul3A_29 = arith.constant 16 : i32
      %mul3A_30 = arith.muli %scan3A_27, %mul3A_29 : i32
      %swap3A = arith.index_cast %mul3A_30 : i32 to index
      %swap3A_31 = tpu.vector_load %arg15[%swap3A] {strides = array<i32>} : memref<1024xi32, #tpu.memory_space<vmem>>, vector<16xi32>,
      tpu.vector_store %arg15[%swap3A], %broadcast_in_dim3A_1 {strides = array<i32>} : memref<1024xi32, #tpu.memory_space<vmem>>, vector<16xi32>,
      %mul3A_32 = arith.constant 16 : i32
      %mul3A_33 = arith.muli %scan3A_27, %mul3A_32 : i32
      %swap3A_34 = arith.index_cast %mul3A_33 : i32 to index
      %swap3A_35 = tpu.vector_load %arg16[%swap3A_34] {strides = array<i32>} : memref<1024xi32, #tpu.memory_space<vmem>>, vector<16xi32>,
      tpu.vector_store %arg16[%swap3A_34], %broadcast_in_dim3A_1 {strides = array<i32>} : memref<1024xi32, #tpu.memory_space<vmem>>, vector<16xi32>,
      %scan3A_36 = arith.constant 0 : i32
      scf.yield %scan3A_36 : i32
    }
    %scan3A_19 = arith.constant 64 : i32
    %scan3A_20 = arith.constant 0 : i32
    %scan3A_21 = arith.constant 0 : i32
    %scan3A_22 = arith.constant 4 : i32
    %scan3A_23 = arith.addi %scan3A_21, %scan3A_22 : i32
    %scan3A_24 = arith.constant 1 : i32
    %scan3A_25 = scf.for %scan3A_27 = %scan3A_21 to %scan3A_23 step %scan3A_24 iter_args(%scan3A_28 = %scan3A_20) -> (i32)  : i32 {
      %mul3A_29 = arith.constant 4 : i32
      %mul3A_30 = arith.muli %add3A, %mul3A_29 : i32
      %add3A_31 = arith.addi %mul3A_30, %scan3A_27 : i32
      "tpu.region"() ({
        %run_scoped3A = tpu.sem_alloc : memref<!tpu.dma_semaphore, #tpu.memory_space<semaphore_mem>>
        %dma_start3A = arith.constant 0 : i32
        %dma_start3A_311 = tpu.memref_slice %arg2[%add3A_31, %dma_start3A] : memref<128x8192xf32, #tpu.memory_space<hbm>> -> memref<1x8192xf32, #tpu.memory_space<hbm>>
        %dma_start3A_312 = tpu.memref_squeeze %dma_start3A_311 : memref<1x8192xf32, #tpu.memory_space<hbm>> -> memref<8192xf32, #tpu.memory_space<hbm>>
        %dma_start3A_313 = arith.constant 0 : i32
        %dma_start3A_314 = tpu.memref_slice %arg2[%add3A_31, %dma_start3A_313] : memref<128x8192xf32, #tpu.memory_space<hbm>> -> memref<1x8192xf32, #tpu.memory_space<hbm>>
        %dma_start3A_315 = tpu.memref_squeeze %dma_start3A_314 : memref<1x8192xf32, #tpu.memory_space<hbm>> -> memref<8192xf32, #tpu.memory_space<hbm>>
        tpu.enqueue_dma source(%dma_start3A_315 : memref<8192xf32, #tpu.memory_space<hbm>>) target(%arg6 : memref<8192xf32, #tpu.memory_space<vmem>>) target_semaphore(%run_scoped3A : memref<!tpu.dma_semaphore, #tpu.memory_space<semaphore_mem>>)
        %dma_wait3A = arith.constant 0 : i32
        %dma_wait3A_316 = tpu.memref_slice %arg2[%add3A_31, %dma_wait3A] : memref<128x8192xf32, #tpu.memory_space<hbm>> -> memref<1x8192xf32, #tpu.memory_space<hbm>>
        %dma_wait3A_317 = tpu.memref_squeeze %dma_wait3A_316 : memref<1x8192xf32, #tpu.memory_space<hbm>> -> memref<8192xf32, #tpu.memory_space<hbm>>
        %dma_wait3A_318 = arith.constant 0 : i32
        %dma_wait3A_319 = tpu.memref_slice %arg2[%add3A_31, %dma_wait3A_318] : memref<128x8192xf32, #tpu.memory_space<hbm>> -> memref<1x8192xf32, #tpu.memory_space<hbm>>
        %dma_wait3A_320 = tpu.memref_squeeze %dma_wait3A_319 : memref<1x8192xf32, #tpu.memory_space<hbm>> -> memref<8192xf32, #tpu.memory_space<hbm>>
        tpu.wait_dma2 semaphore(%run_scoped3A : memref<!tpu.dma_semaphore, #tpu.memory_space<semaphore_mem>>) src(%dma_wait3A_320 : memref<8192xf32, #tpu.memory_space<hbm>>) dst(%arg6 : memref<8192xf32, #tpu.memory_space<vmem>>)
        tpu.yield
      }) : () -> ()
      "tpu.region"() ({
        %run_scoped3A = tpu.sem_alloc : memref<!tpu.dma_semaphore, #tpu.memory_space<semaphore_mem>>
        %dma_start3A = arith.constant 0 : i32
        %dma_start3A_311 = tpu.memref_slice %arg3[%add3A_31, %dma_start3A] : memref<128x8192xf32, #tpu.memory_space<hbm>> -> memref<1x8192xf32, #tpu.memory_space<hbm>>
        %dma_start3A_312 = tpu.memref_squeeze %dma_start3A_311 : memref<1x8192xf32, #tpu.memory_space<hbm>> -> memref<8192xf32, #tpu.memory_space<hbm>>
        %dma_start3A_313 = arith.constant 0 : i32
        %dma_start3A_314 = tpu.memref_slice %arg3[%add3A_31, %dma_start3A_313] : memref<128x8192xf32, #tpu.memory_space<hbm>> -> memref<1x8192xf32, #tpu.memory_space<hbm>>
        %dma_start3A_315 = tpu.memref_squeeze %dma_start3A_314 : memref<1x8192xf32, #tpu.memory_space<hbm>> -> memref<8192xf32, #tpu.memory_space<hbm>>
        tpu.enqueue_dma source(%dma_start3A_315 : memref<8192xf32, #tpu.memory_space<hbm>>) target(%arg7 : memref<8192xf32, #tpu.memory_space<vmem>>) target_semaphore(%run_scoped3A : memref<!tpu.dma_semaphore, #tpu.memory_space<semaphore_mem>>)
        %dma_wait3A = arith.constant 0 : i32
        %dma_wait3A_316 = tpu.memref_slice %arg3[%add3A_31, %dma_wait3A] : memref<128x8192xf32, #tpu.memory_space<hbm>> -> memref<1x8192xf32, #tpu.memory_space<hbm>>
        %dma_wait3A_317 = tpu.memref_squeeze %dma_wait3A_316 : memref<1x8192xf32, #tpu.memory_space<hbm>> -> memref<8192xf32, #tpu.memory_space<hbm>>
        %dma_wait3A_318 = arith.constant 0 : i32
        %dma_wait3A_319 = tpu.memref_slice %arg3[%add3A_31, %dma_wait3A_318] : memref<128x8192xf32, #tpu.memory_space<hbm>> -> memref<1x8192xf32, #tpu.memory_space<hbm>>
        %dma_wait3A_320 = tpu.memref_squeeze %dma_wait3A_319 : memref<1x8192xf32, #tpu.memory_space<hbm>> -> memref<8192xf32, #tpu.memory_space<hbm>>
        tpu.wait_dma2 semaphore(%run_scoped3A : memref<!tpu.dma_semaphore, #tpu.memory_space<semaphore_mem>>) src(%dma_wait3A_320 : memref<8192xf32, #tpu.memory_space<hbm>>) dst(%arg7 : memref<8192xf32, #tpu.memory_space<vmem>>)
        tpu.yield
      }) : () -> ()
      %scan3A_32 = arith.constant 0 : i32
      %scan3A_33 = arith.constant 0 : i32
      %scan3A_34 = arith.constant 128 : i32
      %scan3A_35 = arith.addi %scan3A_33, %scan3A_34 : i32
      %scan3A_36 = arith.constant 1 : i32
      %scan3A_37 = scf.for %scan3A_311 = %scan3A_33 to %scan3A_35 step %scan3A_36 iter_args(%scan3A_312 = %scan3A_32) -> (i32)  : i32 {
        %mul3A_313 = arith.constant 4 : i32
        %mul3A_314 = arith.muli %scan3A_311, %mul3A_313 : i32
        %add3A_315 = arith.constant 0 : i32
        %add3A_316 = arith.addi %mul3A_314, %add3A_315 : i32
        %mul3A_317 = arith.constant 16 : i32
        %mul3A_318 = arith.muli %add3A_316, %mul3A_317 : i32
        %get3A = arith.index_cast %mul3A_318 : i32 to index
        %get3A_319 = tpu.vector_load %arg6[%get3A] {strides = array<i32>} : memref<8192xf32, #tpu.memory_space<vmem>>, vector<16xf32>,
        %bitcast_convert_type3A = tpu.bitcast %get3A_319 : vector<16xf32> -> vector<16xi32>
        %lt3A_320 = arith.constant 0 : i32
        %lt3A_321 = vector.broadcast %lt3A_320 : i32 to vector<16xi32>
        %lt3A_322 = arith.cmpi slt, %bitcast_convert_type3A, %lt3A_321 : vector<16xi32>
        %and3A_323 = arith.constant 2147483647 : i32
        %and3A_324 = vector.broadcast %and3A_323 : i32 to vector<16xi32>
        %and3A_325 = arith.andi %bitcast_convert_type3A, %and3A_324 : vector<16xi32>
        %not3A = arith.constant dense<-1> : vector<16xi32>
        %not3A_326 = arith.xori %bitcast_convert_type3A, %not3A : vector<16xi32>
        %select_n3A_327 = arith.select %lt3A_322, %and3A_325, %not3A_326 : vector<16xi1>, vector<16xi32>
        %mul3A_328 = arith.constant 16 : i32
        %mul3A_329 = arith.muli %add3A_316, %mul3A_328 : i32
        %swap3A = arith.index_cast %mul3A_329 : i32 to index
        %swap3A_330 = tpu.vector_load %arg8[%swap3A] {strides = array<i32>} : memref<8192xi32, #tpu.memory_space<vmem>>, vector<16xi32>,
        tpu.vector_store %arg8[%swap3A], %select_n3A_327 {strides = array<i32>} : memref<8192xi32, #tpu.memory_space<vmem>>, vector<16xi32>,
        %shift_right_logical3A = arith.constant 24 : i32
        %shift_right_logical3A_331 = vector.broadcast %shift_right_logical3A : i32 to vector<16xi32>
        %shift_right_logical3A_332 = arith.shrui %select_n3A_327, %shift_right_logical3A_331 : vector<16xi32>
        %and3A_333 = arith.constant 255 : i32
        %and3A_334 = vector.broadcast %and3A_333 : i32 to vector<16xi32>
        %and3A_335 = arith.andi %shift_right_logical3A_332, %and3A_334 : vector<16xi32>
        %xor3A_336 = arith.constant 128 : i32
        %xor3A_337 = vector.broadcast %xor3A_336 : i32 to vector<16xi32>
        %xor3A_338 = arith.xori %and3A_335, %xor3A_337 : vector<16xi32>
        %add3A_339 = arith.addi %mul3A_6, %xor3A_338 : vector<16xi32>
        tpu.vector_store_idx %arg13[%add3A_339], %broadcast_in_dim3A_3 {add = true} : memref<4096xi32, #tpu.memory_space<vmem>>[vector<16xi32>], vector<16xi32>,
        %shift_right_logical3A_340 = arith.constant 16 : i32
        %shift_right_logical3A_341 = vector.broadcast %shift_right_logical3A_340 : i32 to vector<16xi32>
        %shift_right_logical3A_342 = arith.shrui %select_n3A_327, %shift_right_logical3A_341 : vector<16xi32>
        %and3A_343 = arith.constant 255 : i32
        %and3A_344 = vector.broadcast %and3A_343 : i32 to vector<16xi32>
        %and3A_345 = arith.andi %shift_right_logical3A_342, %and3A_344 : vector<16xi32>
        %add3A_346 = arith.addi %mul3A_6, %and3A_345 : vector<16xi32>
        %eq3A_347 = arith.constant 64 : i32
        %eq3A_348 = vector.broadcast %eq3A_347 : i32 to vector<16xi32>
        %eq3A_349 = arith.cmpi eq, %xor3A_338, %eq3A_348 : vector<16xi32>
        tpu.vector_store_idx %arg14[%add3A_346], %broadcast_in_dim3A_3 masked %eq3A_349 {add = true} : memref<4096xi32, #tpu.memory_space<vmem>>[vector<16xi32>], vector<16xi32>, vector<16xi1>
        %mul3A_350 = arith.constant 4 : i32
        %mul3A_351 = arith.muli %scan3A_311, %mul3A_350 : i32
        %add3A_352 = arith.constant 1 : i32
        %add3A_353 = arith.addi %mul3A_351, %add3A_352 : i32
        %mul3A_354 = arith.constant 16 : i32
        %mul3A_355 = arith.muli %add3A_353, %mul3A_354 : i32
        %get3A_356 = arith.index_cast %mul3A_355 : i32 to index
        %get3A_357 = tpu.vector_load %arg6[%get3A_356] {strides = array<i32>} : memref<8192xf32, #tpu.memory_space<vmem>>, vector<16xf32>,
        %bitcast_convert_type3A_358 = tpu.bitcast %get3A_357 : vector<16xf32> -> vector<16xi32>
        %lt3A_359 = arith.constant 0 : i32
        %lt3A_360 = vector.broadcast %lt3A_359 : i32 to vector<16xi32>
        %lt3A_361 = arith.cmpi slt, %bitcast_convert_type3A_358, %lt3A_360 : vector<16xi32>
        %and3A_362 = arith.constant 2147483647 : i32
        %and3A_363 = vector.broadcast %and3A_362 : i32 to vector<16xi32>
        %and3A_364 = arith.andi %bitcast_convert_type3A_358, %and3A_363 : vector<16xi32>
        %not3A_365 = arith.constant dense<-1> : vector<16xi32>
        %not3A_366 = arith.xori %bitcast_convert_type3A_358, %not3A_365 : vector<16xi32>
        %select_n3A_367 = arith.select %lt3A_361, %and3A_364, %not3A_366 : vector<16xi1>, vector<16xi32>
        %mul3A_368 = arith.constant 16 : i32
        %mul3A_369 = arith.muli %add3A_353, %mul3A_368 : i32
        %swap3A_370 = arith.index_cast %mul3A_369 : i32 to index
        %swap3A_371 = tpu.vector_load %arg8[%swap3A_370] {strides = array<i32>} : memref<8192xi32, #tpu.memory_space<vmem>>, vector<16xi32>,
        tpu.vector_store %arg8[%swap3A_370], %select_n3A_367 {strides = array<i32>} : memref<8192xi32, #tpu.memory_space<vmem>>, vector<16xi32>,
        %shift_right_logical3A_372 = arith.constant 24 : i32
        %shift_right_logical3A_373 = vector.broadcast %shift_right_logical3A_372 : i32 to vector<16xi32>
        %shift_right_logical3A_374 = arith.shrui %select_n3A_367, %shift_right_logical3A_373 : vector<16xi32>
        %and3A_375 = arith.constant 255 : i32
        %and3A_376 = vector.broadcast %and3A_375 : i32 to vector<16xi32>
        %and3A_377 = arith.andi %shift_right_logical3A_374, %and3A_376 : vector<16xi32>
        %xor3A_378 = arith.constant 128 : i32
        %xor3A_379 = vector.broadcast %xor3A_378 : i32 to vector<16xi32>
        %xor3A_380 = arith.xori %and3A_377, %xor3A_379 : vector<16xi32>
        %add3A_381 = arith.addi %mul3A_6, %xor3A_380 : vector<16xi32>
        tpu.vector_store_idx %arg13[%add3A_381], %broadcast_in_dim3A_3 {add = true} : memref<4096xi32, #tpu.memory_space<vmem>>[vector<16xi32>], vector<16xi32>,
        %shift_right_logical3A_382 = arith.constant 16 : i32
        %shift_right_logical3A_383 = vector.broadcast %shift_right_logical3A_382 : i32 to vector<16xi32>
        %shift_right_logical3A_384 = arith.shrui %select_n3A_367, %shift_right_logical3A_383 : vector<16xi32>
        %and3A_385 = arith.constant 255 : i32
        %and3A_386 = vector.broadcast %and3A_385 : i32 to vector<16xi32>
        %and3A_387 = arith.andi %shift_right_logical3A_384, %and3A_386 : vector<16xi32>
        %add3A_388 = arith.addi %mul3A_6, %and3A_387 : vector<16xi32>
        %eq3A_389 = arith.constant 64 : i32
        %eq3A_390 = vector.broadcast %eq3A_389 : i32 to vector<16xi32>
        %eq3A_391 = arith.cmpi eq, %xor3A_380, %eq3A_390 : vector<16xi32>
        tpu.vector_store_idx %arg14[%add3A_388], %broadcast_in_dim3A_3 masked %eq3A_391 {add = true} : memref<4096xi32, #tpu.memory_space<vmem>>[vector<16xi32>], vector<16xi32>, vector<16xi1>
        %mul3A_392 = arith.constant 4 : i32
        %mul3A_393 = arith.muli %scan3A_311, %mul3A_392 : i32
        %add3A_394 = arith.constant 2 : i32
        %add3A_395 = arith.addi %mul3A_393, %add3A_394 : i32
        %mul3A_396 = arith.constant 16 : i32
        %mul3A_397 = arith.muli %add3A_395, %mul3A_396 : i32
        %get3A_398 = arith.index_cast %mul3A_397 : i32 to index
        %get3A_399 = tpu.vector_load %arg6[%get3A_398] {strides = array<i32>} : memref<8192xf32, #tpu.memory_space<vmem>>, vector<16xf32>,
        %bitcast_convert_type3A_400 = tpu.bitcast %get3A_399 : vector<16xf32> -> vector<16xi32>
        %lt3A_401 = arith.constant 0 : i32
        %lt3A_402 = vector.broadcast %lt3A_401 : i32 to vector<16xi32>
        %lt3A_403 = arith.cmpi slt, %bitcast_convert_type3A_400, %lt3A_402 : vector<16xi32>
        %and3A_404 = arith.constant 2147483647 : i32
        %and3A_405 = vector.broadcast %and3A_404 : i32 to vector<16xi32>
        %and3A_406 = arith.andi %bitcast_convert_type3A_400, %and3A_405 : vector<16xi32>
        %not3A_407 = arith.constant dense<-1> : vector<16xi32>
        %not3A_408 = arith.xori %bitcast_convert_type3A_400, %not3A_407 : vector<16xi32>
        %select_n3A_409 = arith.select %lt3A_403, %and3A_406, %not3A_408 : vector<16xi1>, vector<16xi32>
        %mul3A_410 = arith.constant 16 : i32
        %mul3A_411 = arith.muli %add3A_395, %mul3A_410 : i32
        %swap3A_412 = arith.index_cast %mul3A_411 : i32 to index
        %swap3A_413 = tpu.vector_load %arg8[%swap3A_412] {strides = array<i32>} : memref<8192xi32, #tpu.memory_space<vmem>>, vector<16xi32>,
        tpu.vector_store %arg8[%swap3A_412], %select_n3A_409 {strides = array<i32>} : memref<8192xi32, #tpu.memory_space<vmem>>, vector<16xi32>,
        %shift_right_logical3A_414 = arith.constant 24 : i32
        %shift_right_logical3A_415 = vector.broadcast %shift_right_logical3A_414 : i32 to vector<16xi32>
        %shift_right_logical3A_416 = arith.shrui %select_n3A_409, %shift_right_logical3A_415 : vector<16xi32>
        %and3A_417 = arith.constant 255 : i32
        %and3A_418 = vector.broadcast %and3A_417 : i32 to vector<16xi32>
        %and3A_419 = arith.andi %shift_right_logical3A_416, %and3A_418 : vector<16xi32>
        %xor3A_420 = arith.constant 128 : i32
        %xor3A_421 = vector.broadcast %xor3A_420 : i32 to vector<16xi32>
        %xor3A_422 = arith.xori %and3A_419, %xor3A_421 : vector<16xi32>
        %add3A_423 = arith.addi %mul3A_6, %xor3A_422 : vector<16xi32>
        tpu.vector_store_idx %arg13[%add3A_423], %broadcast_in_dim3A_3 {add = true} : memref<4096xi32, #tpu.memory_space<vmem>>[vector<16xi32>], vector<16xi32>,
        %shift_right_logical3A_424 = arith.constant 16 : i32
        %shift_right_logical3A_425 = vector.broadcast %shift_right_logical3A_424 : i32 to vector<16xi32>
        %shift_right_logical3A_426 = arith.shrui %select_n3A_409, %shift_right_logical3A_425 : vector<16xi32>
        %and3A_427 = arith.constant 255 : i32
        %and3A_428 = vector.broadcast %and3A_427 : i32 to vector<16xi32>
        %and3A_429 = arith.andi %shift_right_logical3A_426, %and3A_428 : vector<16xi32>
        %add3A_430 = arith.addi %mul3A_6, %and3A_429 : vector<16xi32>
        %eq3A_431 = arith.constant 64 : i32
        %eq3A_432 = vector.broadcast %eq3A_431 : i32 to vector<16xi32>
        %eq3A_433 = arith.cmpi eq, %xor3A_422, %eq3A_432 : vector<16xi32>
        tpu.vector_store_idx %arg14[%add3A_430], %broadcast_in_dim3A_3 masked %eq3A_433 {add = true} : memref<4096xi32, #tpu.memory_space<vmem>>[vector<16xi32>], vector<16xi32>, vector<16xi1>
        %mul3A_434 = arith.constant 4 : i32
        %mul3A_435 = arith.muli %scan3A_311, %mul3A_434 : i32
        %add3A_436 = arith.constant 3 : i32
        %add3A_437 = arith.addi %mul3A_435, %add3A_436 : i32
        %mul3A_438 = arith.constant 16 : i32
        %mul3A_439 = arith.muli %add3A_437, %mul3A_438 : i32
        %get3A_440 = arith.index_cast %mul3A_439 : i32 to index
        %get3A_441 = tpu.vector_load %arg6[%get3A_440] {strides = array<i32>} : memref<8192xf32, #tpu.memory_space<vmem>>, vector<16xf32>,
        %bitcast_convert_type3A_442 = tpu.bitcast %get3A_441 : vector<16xf32> -> vector<16xi32>
        %lt3A_443 = arith.constant 0 : i32
        %lt3A_444 = vector.broadcast %lt3A_443 : i32 to vector<16xi32>
        %lt3A_445 = arith.cmpi slt, %bitcast_convert_type3A_442, %lt3A_444 : vector<16xi32>
        %and3A_446 = arith.constant 2147483647 : i32
        %and3A_447 = vector.broadcast %and3A_446 : i32 to vector<16xi32>
        %and3A_448 = arith.andi %bitcast_convert_type3A_442, %and3A_447 : vector<16xi32>
        %not3A_449 = arith.constant dense<-1> : vector<16xi32>
        %not3A_450 = arith.xori %bitcast_convert_type3A_442, %not3A_449 : vector<16xi32>
        %select_n3A_451 = arith.select %lt3A_445, %and3A_448, %not3A_450 : vector<16xi1>, vector<16xi32>
        %mul3A_452 = arith.constant 16 : i32
        %mul3A_453 = arith.muli %add3A_437, %mul3A_452 : i32
        %swap3A_454 = arith.index_cast %mul3A_453 : i32 to index
        %swap3A_455 = tpu.vector_load %arg8[%swap3A_454] {strides = array<i32>} : memref<8192xi32, #tpu.memory_space<vmem>>, vector<16xi32>,
        tpu.vector_store %arg8[%swap3A_454], %select_n3A_451 {strides = array<i32>} : memref<8192xi32, #tpu.memory_space<vmem>>, vector<16xi32>,
        %shift_right_logical3A_456 = arith.constant 24 : i32
        %shift_right_logical3A_457 = vector.broadcast %shift_right_logical3A_456 : i32 to vector<16xi32>
        %shift_right_logical3A_458 = arith.shrui %select_n3A_451, %shift_right_logical3A_457 : vector<16xi32>
        %and3A_459 = arith.constant 255 : i32
        %and3A_460 = vector.broadcast %and3A_459 : i32 to vector<16xi32>
        %and3A_461 = arith.andi %shift_right_logical3A_458, %and3A_460 : vector<16xi32>
        %xor3A_462 = arith.constant 128 : i32
        %xor3A_463 = vector.broadcast %xor3A_462 : i32 to vector<16xi32>
        %xor3A_464 = arith.xori %and3A_461, %xor3A_463 : vector<16xi32>
        %add3A_465 = arith.addi %mul3A_6, %xor3A_464 : vector<16xi32>
        tpu.vector_store_idx %arg13[%add3A_465], %broadcast_in_dim3A_3 {add = true} : memref<4096xi32, #tpu.memory_space<vmem>>[vector<16xi32>], vector<16xi32>,
        %shift_right_logical3A_466 = arith.constant 16 : i32
        %shift_right_logical3A_467 = vector.broadcast %shift_right_logical3A_466 : i32 to vector<16xi32>
        %shift_right_logical3A_468 = arith.shrui %select_n3A_451, %shift_right_logical3A_467 : vector<16xi32>
        %and3A_469 = arith.constant 255 : i32
        %and3A_470 = vector.broadcast %and3A_469 : i32 to vector<16xi32>
        %and3A_471 = arith.andi %shift_right_logical3A_468, %and3A_470 : vector<16xi32>
        %add3A_472 = arith.addi %mul3A_6, %and3A_471 : vector<16xi32>
        %eq3A_473 = arith.constant 64 : i32
        %eq3A_474 = vector.broadcast %eq3A_473 : i32 to vector<16xi32>
        %eq3A_475 = arith.cmpi eq, %xor3A_464, %eq3A_474 : vector<16xi32>
        tpu.vector_store_idx %arg14[%add3A_472], %broadcast_in_dim3A_3 masked %eq3A_475 {add = true} : memref<4096xi32, #tpu.memory_space<vmem>>[vector<16xi32>], vector<16xi32>, vector<16xi1>
        %scan3A_476 = arith.constant 0 : i32
        scf.yield %scan3A_476 : i32
      }
      %scan3A_38 = arith.constant 128 : i32
      %scan3A_39 = arith.constant 1024 : i32
      %scan3A_40 = arith.constant 0 : i32
      %scan3A_41 = arith.constant 0 : i32
      %scan3A_42 = arith.constant 16 : i32
      %scan3A_43 = arith.addi %scan3A_41, %scan3A_42 : i32
      %scan3A_44 = arith.constant 1 : i32
      %scan3A_45:2 = scf.for %scan3A_311 = %scan3A_41 to %scan3A_43 step %scan3A_44 iter_args(%scan3A_312 = %scan3A_40, %scan3A_313 = %broadcast_in_dim3A_1) -> (i32, vector<16xi32>)  : i32 {
        %mul3A_314 = arith.constant 16 : i32
        %mul3A_315 = arith.muli %scan3A_311, %mul3A_314 : i32
        %add3A_316 = arith.constant 0 : i32
        %add3A_317 = arith.addi %add3A_316, %mul3A_315 : i32
        %get3A = arith.index_cast %add3A_317 : i32 to index
        %get3A_318 = tpu.vector_load %arg13[%get3A] {strides = array<i32>} : memref<4096xi32, #tpu.memory_space<vmem>>, vector<16xi32>,
        %add3A_319 = arith.addi %broadcast_in_dim3A_1, %get3A_318 : vector<16xi32>
        %swap3A = arith.index_cast %add3A_317 : i32 to index
        %swap3A_320 = tpu.vector_load %arg13[%swap3A] {strides = array<i32>} : memref<4096xi32, #tpu.memory_space<vmem>>, vector<16xi32>,
        tpu.vector_store %arg13[%swap3A], %broadcast_in_dim3A_1 {strides = array<i32>} : memref<4096xi32, #tpu.memory_space<vmem>>, vector<16xi32>,
        %mul3A_321 = arith.constant 16 : i32
        %mul3A_322 = arith.muli %scan3A_311, %mul3A_321 : i32
        %add3A_323 = arith.constant 256 : i32
        %add3A_324 = arith.addi %add3A_323, %mul3A_322 : i32
        %get3A_325 = arith.index_cast %add3A_324 : i32 to index
        %get3A_326 = tpu.vector_load %arg13[%get3A_325] {strides = array<i32>} : memref<4096xi32, #tpu.memory_space<vmem>>, vector<16xi32>,
        %add3A_327 = arith.addi %add3A_319, %get3A_326 : vector<16xi32>
        %swap3A_328 = arith.index_cast %add3A_324 : i32 to index
        %swap3A_329 = tpu.vector_load %arg13[%swap3A_328] {strides = array<i32>} : memref<4096xi32, #tpu.memory_space<vmem>>, vector<16xi32>,
        tpu.vector_store %arg13[%swap3A_328], %broadcast_in_dim3A_1 {strides = array<i32>} : memref<4096xi32, #tpu.memory_space<vmem>>, vector<16xi32>,
        %mul3A_330 = arith.constant 16 : i32
        %mul3A_331 = arith.muli %scan3A_311, %mul3A_330 : i32
        %add3A_332 = arith.constant 512 : i32
        %add3A_333 = arith.addi %add3A_332, %mul3A_331 : i32
        %get3A_334 = arith.index_cast %add3A_333 : i32 to index
        %get3A_335 = tpu.vector_load %arg13[%get3A_334] {strides = array<i32>} : memref<4096xi32, #tpu.memory_space<vmem>>, vector<16xi32>,
        %add3A_336 = arith.addi %add3A_327, %get3A_335 : vector<16xi32>
        %swap3A_337 = arith.index_cast %add3A_333 : i32 to index
        %swap3A_338 = tpu.vector_load %arg13[%swap3A_337] {strides = array<i32>} : memref<4096xi32, #tpu.memory_space<vmem>>, vector<16xi32>,
        tpu.vector_store %arg13[%swap3A_337], %broadcast_in_dim3A_1 {strides = array<i32>} : memref<4096xi32, #tpu.memory_space<vmem>>, vector<16xi32>,
        %mul3A_339 = arith.constant 16 : i32
        %mul3A_340 = arith.muli %scan3A_311, %mul3A_339 : i32
        %add3A_341 = arith.constant 768 : i32
        %add3A_342 = arith.addi %add3A_341, %mul3A_340 : i32
        %get3A_343 = arith.index_cast %add3A_342 : i32 to index
        %get3A_344 = tpu.vector_load %arg13[%get3A_343] {strides = array<i32>} : memref<4096xi32, #tpu.memory_space<vmem>>, vector<16xi32>,
        %add3A_345 = arith.addi %add3A_336, %get3A_344 : vector<16xi32>
        %swap3A_346 = arith.index_cast %add3A_342 : i32 to index
        %swap3A_347 = tpu.vector_load %arg13[%swap3A_346] {strides = array<i32>} : memref<4096xi32, #tpu.memory_space<vmem>>, vector<16xi32>,
        tpu.vector_store %arg13[%swap3A_346], %broadcast_in_dim3A_1 {strides = array<i32>} : memref<4096xi32, #tpu.memory_space<vmem>>, vector<16xi32>,
        %mul3A_348 = arith.constant 16 : i32
        %mul3A_349 = arith.muli %scan3A_311, %mul3A_348 : i32
        %add3A_350 = arith.constant 1024 : i32
        %add3A_351 = arith.addi %add3A_350, %mul3A_349 : i32
        %get3A_352 = arith.index_cast %add3A_351 : i32 to index
        %get3A_353 = tpu.vector_load %arg13[%get3A_352] {strides = array<i32>} : memref<4096xi32, #tpu.memory_space<vmem>>, vector<16xi32>,
        %add3A_354 = arith.addi %add3A_345, %get3A_353 : vector<16xi32>
        %swap3A_355 = arith.index_cast %add3A_351 : i32 to index
        %swap3A_356 = tpu.vector_load %arg13[%swap3A_355] {strides = array<i32>} : memref<4096xi32, #tpu.memory_space<vmem>>, vector<16xi32>,
        tpu.vector_store %arg13[%swap3A_355], %broadcast_in_dim3A_1 {strides = array<i32>} : memref<4096xi32, #tpu.memory_space<vmem>>, vector<16xi32>,
        %mul3A_357 = arith.constant 16 : i32
        %mul3A_358 = arith.muli %scan3A_311, %mul3A_357 : i32
        %add3A_359 = arith.constant 1280 : i32
        %add3A_360 = arith.addi %add3A_359, %mul3A_358 : i32
        %get3A_361 = arith.index_cast %add3A_360 : i32 to index
        %get3A_362 = tpu.vector_load %arg13[%get3A_361] {strides = array<i32>} : memref<4096xi32, #tpu.memory_space<vmem>>, vector<16xi32>,
        %add3A_363 = arith.addi %add3A_354, %get3A_362 : vector<16xi32>
        %swap3A_364 = arith.index_cast %add3A_360 : i32 to index
        %swap3A_365 = tpu.vector_load %arg13[%swap3A_364] {strides = array<i32>} : memref<4096xi32, #tpu.memory_space<vmem>>, vector<16xi32>,
        tpu.vector_store %arg13[%swap3A_364], %broadcast_in_dim3A_1 {strides = array<i32>} : memref<4096xi32, #tpu.memory_space<vmem>>, vector<16xi32>,
        %mul3A_366 = arith.constant 16 : i32
        %mul3A_367 = arith.muli %scan3A_311, %mul3A_366 : i32
        %add3A_368 = arith.constant 1536 : i32
        %add3A_369 = arith.addi %add3A_368, %mul3A_367 : i32
        %get3A_370 = arith.index_cast %add3A_369 : i32 to index
        %get3A_371 = tpu.vector_load %arg13[%get3A_370] {strides = array<i32>} : memref<4096xi32, #tpu.memory_space<vmem>>, vector<16xi32>,
        %add3A_372 = arith.addi %add3A_363, %get3A_371 : vector<16xi32>
        %swap3A_373 = arith.index_cast %add3A_369 : i32 to index
        %swap3A_374 = tpu.vector_load %arg13[%swap3A_373] {strides = array<i32>} : memref<4096xi32, #tpu.memory_space<vmem>>, vector<16xi32>,
        tpu.vector_store %arg13[%swap3A_373], %broadcast_in_dim3A_1 {strides = array<i32>} : memref<4096xi32, #tpu.memory_space<vmem>>, vector<16xi32>,
        %mul3A_375 = arith.constant 16 : i32
        %mul3A_376 = arith.muli %scan3A_311, %mul3A_375 : i32
        %add3A_377 = arith.constant 1792 : i32
        %add3A_378 = arith.addi %add3A_377, %mul3A_376 : i32
        %get3A_379 = arith.index_cast %add3A_378 : i32 to index
        %get3A_380 = tpu.vector_load %arg13[%get3A_379] {strides = array<i32>} : memref<4096xi32, #tpu.memory_space<vmem>>, vector<16xi32>,
        %add3A_381 = arith.addi %add3A_372, %get3A_380 : vector<16xi32>
        %swap3A_382 = arith.index_cast %add3A_378 : i32 to index
        %swap3A_383 = tpu.vector_load %arg13[%swap3A_382] {strides = array<i32>} : memref<4096xi32, #tpu.memory_space<vmem>>, vector<16xi32>,
        tpu.vector_store %arg13[%swap3A_382], %broadcast_in_dim3A_1 {strides = array<i32>} : memref<4096xi32, #tpu.memory_space<vmem>>, vector<16xi32>,
        %mul3A_384 = arith.constant 16 : i32
        %mul3A_385 = arith.muli %scan3A_311, %mul3A_384 : i32
        %add3A_386 = arith.constant 2048 : i32
        %add3A_387 = arith.addi %add3A_386, %mul3A_385 : i32
        %get3A_388 = arith.index_cast %add3A_387 : i32 to index
        %get3A_389 = tpu.vector_load %arg13[%get3A_388] {strides = array<i32>} : memref<4096xi32, #tpu.memory_space<vmem>>, vector<16xi32>,
        %add3A_390 = arith.addi %add3A_381, %get3A_389 : vector<16xi32>
        %swap3A_391 = arith.index_cast %add3A_387 : i32 to index
        %swap3A_392 = tpu.vector_load %arg13[%swap3A_391] {strides = array<i32>} : memref<4096xi32, #tpu.memory_space<vmem>>, vector<16xi32>,
        tpu.vector_store %arg13[%swap3A_391], %broadcast_in_dim3A_1 {strides = array<i32>} : memref<4096xi32, #tpu.memory_space<vmem>>, vector<16xi32>,
        %mul3A_393 = arith.constant 16 : i32
        %mul3A_394 = arith.muli %scan3A_311, %mul3A_393 : i32
        %add3A_395 = arith.constant 2304 : i32
        %add3A_396 = arith.addi %add3A_395, %mul3A_394 : i32
        %get3A_397 = arith.index_cast %add3A_396 : i32 to index
        %get3A_398 = tpu.vector_load %arg13[%get3A_397] {strides = array<i32>} : memref<4096xi32, #tpu.memory_space<vmem>>, vector<16xi32>,
        %add3A_399 = arith.addi %add3A_390, %get3A_398 : vector<16xi32>
        %swap3A_400 = arith.index_cast %add3A_396 : i32 to index
        %swap3A_401 = tpu.vector_load %arg13[%swap3A_400] {strides = array<i32>} : memref<4096xi32, #tpu.memory_space<vmem>>, vector<16xi32>,
        tpu.vector_store %arg13[%swap3A_400], %broadcast_in_dim3A_1 {strides = array<i32>} : memref<4096xi32, #tpu.memory_space<vmem>>, vector<16xi32>,
        %mul3A_402 = arith.constant 16 : i32
        %mul3A_403 = arith.muli %scan3A_311, %mul3A_402 : i32
        %add3A_404 = arith.constant 2560 : i32
        %add3A_405 = arith.addi %add3A_404, %mul3A_403 : i32
        %get3A_406 = arith.index_cast %add3A_405 : i32 to index
        %get3A_407 = tpu.vector_load %arg13[%get3A_406] {strides = array<i32>} : memref<4096xi32, #tpu.memory_space<vmem>>, vector<16xi32>,
        %add3A_408 = arith.addi %add3A_399, %get3A_407 : vector<16xi32>
        %swap3A_409 = arith.index_cast %add3A_405 : i32 to index
        %swap3A_410 = tpu.vector_load %arg13[%swap3A_409] {strides = array<i32>} : memref<4096xi32, #tpu.memory_space<vmem>>, vector<16xi32>,
        tpu.vector_store %arg13[%swap3A_409], %broadcast_in_dim3A_1 {strides = array<i32>} : memref<4096xi32, #tpu.memory_space<vmem>>, vector<16xi32>,
        %mul3A_411 = arith.constant 16 : i32
        %mul3A_412 = arith.muli %scan3A_311, %mul3A_411 : i32
        %add3A_413 = arith.constant 2816 : i32
        %add3A_414 = arith.addi %add3A_413, %mul3A_412 : i32
        %get3A_415 = arith.index_cast %add3A_414 : i32 to index
        %get3A_416 = tpu.vector_load %arg13[%get3A_415] {strides = array<i32>} : memref<4096xi32, #tpu.memory_space<vmem>>, vector<16xi32>,
        %add3A_417 = arith.addi %add3A_408, %get3A_416 : vector<16xi32>
        %swap3A_418 = arith.index_cast %add3A_414 : i32 to index
        %swap3A_419 = tpu.vector_load %arg13[%swap3A_418] {strides = array<i32>} : memref<4096xi32, #tpu.memory_space<vmem>>, vector<16xi32>,
        tpu.vector_store %arg13[%swap3A_418], %broadcast_in_dim3A_1 {strides = array<i32>} : memref<4096xi32, #tpu.memory_space<vmem>>, vector<16xi32>,
        %mul3A_420 = arith.constant 16 : i32
        %mul3A_421 = arith.muli %scan3A_311, %mul3A_420 : i32
        %add3A_422 = arith.constant 3072 : i32
        %add3A_423 = arith.addi %add3A_422, %mul3A_421 : i32
        %get3A_424 = arith.index_cast %add3A_423 : i32 to index
        %get3A_425 = tpu.vector_load %arg13[%get3A_424] {strides = array<i32>} : memref<4096xi32, #tpu.memory_space<vmem>>, vector<16xi32>,
        %add3A_426 = arith.addi %add3A_417, %get3A_425 : vector<16xi32>
        %swap3A_427 = arith.index_cast %add3A_423 : i32 to index
        %swap3A_428 = tpu.vector_load %arg13[%swap3A_427] {strides = array<i32>} : memref<4096xi32, #tpu.memory_space<vmem>>, vector<16xi32>,
        tpu.vector_store %arg13[%swap3A_427], %broadcast_in_dim3A_1 {strides = array<i32>} : memref<4096xi32, #tpu.memory_space<vmem>>, vector<16xi32>,
        %mul3A_429 = arith.constant 16 : i32
        %mul3A_430 = arith.muli %scan3A_311, %mul3A_429 : i32
        %add3A_431 = arith.constant 3328 : i32
        %add3A_432 = arith.addi %add3A_431, %mul3A_430 : i32
        %get3A_433 = arith.index_cast %add3A_432 : i32 to index
        %get3A_434 = tpu.vector_load %arg13[%get3A_433] {strides = array<i32>} : memref<4096xi32, #tpu.memory_space<vmem>>, vector<16xi32>,
        %add3A_435 = arith.addi %add3A_426, %get3A_434 : vector<16xi32>
        %swap3A_436 = arith.index_cast %add3A_432 : i32 to index
        %swap3A_437 = tpu.vector_load %arg13[%swap3A_436] {strides = array<i32>} : memref<4096xi32, #tpu.memory_space<vmem>>, vector<16xi32>,
        tpu.vector_store %arg13[%swap3A_436], %broadcast_in_dim3A_1 {strides = array<i32>} : memref<4096xi32, #tpu.memory_space<vmem>>, vector<16xi32>,
        %mul3A_438 = arith.constant 16 : i32
        %mul3A_439 = arith.muli %scan3A_311, %mul3A_438 : i32
        %add3A_440 = arith.constant 3584 : i32
        %add3A_441 = arith.addi %add3A_440, %mul3A_439 : i32
        %get3A_442 = arith.index_cast %add3A_441 : i32 to index
        %get3A_443 = tpu.vector_load %arg13[%get3A_442] {strides = array<i32>} : memref<4096xi32, #tpu.memory_space<vmem>>, vector<16xi32>,
        %add3A_444 = arith.addi %add3A_435, %get3A_443 : vector<16xi32>
        %swap3A_445 = arith.index_cast %add3A_441 : i32 to index
        %swap3A_446 = tpu.vector_load %arg13[%swap3A_445] {strides = array<i32>} : memref<4096xi32, #tpu.memory_space<vmem>>, vector<16xi32>,
        tpu.vector_store %arg13[%swap3A_445], %broadcast_in_dim3A_1 {strides = array<i32>} : memref<4096xi32, #tpu.memory_space<vmem>>, vector<16xi32>,
        %mul3A_447 = arith.constant 16 : i32
        %mul3A_448 = arith.muli %scan3A_311, %mul3A_447 : i32
        %add3A_449 = arith.constant 3840 : i32
        %add3A_450 = arith.addi %add3A_449, %mul3A_448 : i32
        %get3A_451 = arith.index_cast %add3A_450 : i32 to index
        %get3A_452 = tpu.vector_load %arg13[%get3A_451] {strides = array<i32>} : memref<4096xi32, #tpu.memory_space<vmem>>, vector<16xi32>,
        %add3A_453 = arith.addi %add3A_444, %get3A_452 : vector<16xi32>
        %swap3A_454 = arith.index_cast %add3A_450 : i32 to index
        %swap3A_455 = tpu.vector_load %arg13[%swap3A_454] {strides = array<i32>} : memref<4096xi32, #tpu.memory_space<vmem>>, vector<16xi32>,
        tpu.vector_store %arg13[%swap3A_454], %broadcast_in_dim3A_1 {strides = array<i32>} : memref<4096xi32, #tpu.memory_space<vmem>>, vector<16xi32>,
        %broadcast_in_dim3A_456 = arith.constant true
        %broadcast_in_dim3A_457 = vector.broadcast %broadcast_in_dim3A_456 : i1 to vector<16xi1>
        %masked_cumsum3A = tpu.scan <sum>, %add3A_453 masked %broadcast_in_dim3A_457 : vector<16xi32>, vector<16xi1> -> vector<16xi32>
        %add3A_458 = vector.broadcast %scan3A_312 : i32 to vector<16xi32>
        %add3A_459 = arith.addi %masked_cumsum3A, %add3A_458 : vector<16xi32>
        %mul3A_460 = arith.constant 16 : i32
        %mul3A_461 = arith.muli %scan3A_311, %mul3A_460 : i32
        %swap3A_462 = arith.index_cast %mul3A_461 : i32 to index
        %swap3A_463 = tpu.vector_load %arg18[%swap3A_462] {strides = array<i32>} : memref<256xi32, #tpu.memory_space<vmem>>, vector<16xi32>,
        tpu.vector_store %arg18[%swap3A_462], %add3A_459 {strides = array<i32>} : memref<256xi32, #tpu.memory_space<vmem>>, vector<16xi32>,
        %lt3A_464 = vector.broadcast %scan3A_39 : i32 to vector<16xi32>
        %lt3A_465 = arith.cmpi slt, %add3A_459, %lt3A_464 : vector<16xi32>
        %jit3A_466 = arith.constant 1 : i32
        %jit3A_467 = arith.constant 0 : i32
        %broadcast_in_dim3A_468 = vector.broadcast %jit3A_466 : i32 to vector<16xi32>
        %broadcast_in_dim3A_469 = vector.broadcast %jit3A_467 : i32 to vector<16xi32>
        %select_n3A_470 = arith.select %lt3A_465, %broadcast_in_dim3A_468, %broadcast_in_dim3A_469 : vector<16xi1>, vector<16xi32>
        %add3A_471 = arith.addi %scan3A_313, %select_n3A_470 : vector<16xi32>
        %reduce_max3A_472 = arith.constant true
        %reduce_max3A_473 = vector.broadcast %reduce_max3A_472 : i1 to vector<16xi1>
        %reduce_max3A_474 = arith.constant -2147483648 : i32
        %reduce_max3A_475 = vector.broadcast %reduce_max3A_474 : i32 to vector<16xi32>
        %reduce_max3A_476 = arith.xori %add3A_459, %reduce_max3A_475 : vector<16xi32>
        %reduce_max3A_477 = tpu.scan <max>, %reduce_max3A_476 masked %reduce_max3A_473 : vector<16xi32>, vector<16xi1> -> vector<16xi32>
        %reduce_max3A_478 = arith.xori %reduce_max3A_477, %reduce_max3A_475 : vector<16xi32>
        %reduce_max3A_479 = vector.extract %reduce_max3A_478[15] : i32 from vector<16xi32>
        scf.yield %reduce_max3A_479, %add3A_471 : i32, vector<16xi32>
      }
      %scan3A_46 = arith.constant 16 : i32
      %reduce_sum3A = arith.constant true
      %reduce_sum3A_47 = vector.broadcast %reduce_sum3A : i1 to vector<16xi1>
      %reduce_sum3A_48 = tpu.scan <sum>, %scan3A_45#1 masked %reduce_sum3A_47 : vector<16xi32>, vector<16xi1> -> vector<16xi32>
      %reduce_sum3A_49 = vector.extract %reduce_sum3A_48[15] : i32 from vector<16xi32>
      %sub3A = arith.constant 1 : i32
      %sub3A_50 = arith.subi %reduce_sum3A_49, %sub3A : i32
      %max3A = arith.constant 0 : i32
      %max3A_51 = arith.maxsi %sub3A_50, %max3A : i32
      %add3A_52 = vector.broadcast %max3A_51 : i32 to vector<16xi32>
      %add3A_53 = arith.addi %broadcast_in_dim3A_1, %add3A_52 : vector<16xi32>
      %gather3A = tpu.vector_load_idx %arg18[%add3A_53] : memref<256xi32, #tpu.memory_space<vmem>>[vector<16xi32>], vector<16xi32>,
      %eq3A = arith.constant 0 : i32
      %eq3A_54 = arith.cmpi eq, %reduce_sum3A_49, %eq3A : i32
      %reduce_max3A = arith.constant true
      %reduce_max3A_55 = vector.broadcast %reduce_max3A : i1 to vector<16xi1>
      %reduce_max3A_56 = arith.constant -2147483648 : i32
      %reduce_max3A_57 = vector.broadcast %reduce_max3A_56 : i32 to vector<16xi32>
      %reduce_max3A_58 = arith.xori %gather3A, %reduce_max3A_57 : vector<16xi32>
      %reduce_max3A_59 = tpu.scan <max>, %reduce_max3A_58 masked %reduce_max3A_55 : vector<16xi32>, vector<16xi1> -> vector<16xi32>
      %reduce_max3A_60 = arith.xori %reduce_max3A_59, %reduce_max3A_57 : vector<16xi32>
      %reduce_max3A_61 = vector.extract %reduce_max3A_60[15] : i32 from vector<16xi32>
      %jit3A = arith.constant 0 : i32
      %select_n3A = arith.select %eq3A_54, %jit3A, %reduce_max3A_61 : i32
      %ne3A = arith.constant 64 : i32
      %ne3A_62 = arith.cmpi ne, %reduce_sum3A_49, %ne3A : i32
      %convert_element_type3A = arith.extui %ne3A_62 : i1 to i32
      %cond3A = arith.constant 0 : i32
      %cond3A_63 = arith.cmpi ne, %convert_element_type3A, %cond3A : i32
      scf.if %cond3A_63 {
        %scan3A_311 = arith.constant 0 : i32
        %scan3A_312 = arith.constant 0 : i32
        %scan3A_313 = arith.constant 256 : i32
        %scan3A_314 = arith.addi %scan3A_312, %scan3A_313 : i32
        %scan3A_315 = arith.constant 1 : i32
        %scan3A_316 = scf.for %scan3A_325 = %scan3A_312 to %scan3A_314 step %scan3A_315 iter_args(%scan3A_326 = %scan3A_311) -> (i32)  : i32 {
          %mul3A_327 = arith.constant 16 : i32
          %mul3A_328 = arith.muli %scan3A_325, %mul3A_327 : i32
          %swap3A = arith.index_cast %mul3A_328 : i32 to index
          %swap3A_329 = tpu.vector_load %arg14[%swap3A] {strides = array<i32>} : memref<4096xi32, #tpu.memory_space<vmem>>, vector<16xi32>,
          tpu.vector_store %arg14[%swap3A], %broadcast_in_dim3A_1 {strides = array<i32>} : memref<4096xi32, #tpu.memory_space<vmem>>, vector<16xi32>,
          %scan3A_330 = arith.constant 0 : i32
          scf.yield %scan3A_330 : i32
        }
        %scan3A_317 = arith.constant 256 : i32
        %scan3A_318 = arith.constant 0 : i32
        %scan3A_319 = arith.constant 0 : i32
        %scan3A_320 = arith.constant 128 : i32
        %scan3A_321 = arith.addi %scan3A_319, %scan3A_320 : i32
        %scan3A_322 = arith.constant 1 : i32
        %scan3A_323 = scf.for %scan3A_325 = %scan3A_319 to %scan3A_321 step %scan3A_322 iter_args(%scan3A_326 = %scan3A_318) -> (i32)  : i32 {
          %mul3A_327 = arith.constant 4 : i32
          %mul3A_328 = arith.muli %scan3A_325, %mul3A_327 : i32
          %add3A_329 = arith.constant 0 : i32
          %add3A_330 = arith.addi %mul3A_328, %add3A_329 : i32
          %mul3A_331 = arith.constant 16 : i32
          %mul3A_332 = arith.muli %add3A_330, %mul3A_331 : i32
          %get3A = arith.index_cast %mul3A_332 : i32 to index
          %get3A_333 = tpu.vector_load %arg8[%get3A] {strides = array<i32>} : memref<8192xi32, #tpu.memory_space<vmem>>, vector<16xi32>,
          %shift_right_logical3A = arith.constant 24 : i32
          %shift_right_logical3A_334 = vector.broadcast %shift_right_logical3A : i32 to vector<16xi32>
          %shift_right_logical3A_335 = arith.shrui %get3A_333, %shift_right_logical3A_334 : vector<16xi32>
          %and3A_336 = arith.constant 255 : i32
          %and3A_337 = vector.broadcast %and3A_336 : i32 to vector<16xi32>
          %and3A_338 = arith.andi %shift_right_logical3A_335, %and3A_337 : vector<16xi32>
          %xor3A_339 = arith.constant 128 : i32
          %xor3A_340 = vector.broadcast %xor3A_339 : i32 to vector<16xi32>
          %xor3A_341 = arith.xori %and3A_338, %xor3A_340 : vector<16xi32>
          %eq3A_342 = vector.broadcast %reduce_sum3A_49 : i32 to vector<16xi32>
          %eq3A_343 = arith.cmpi eq, %xor3A_341, %eq3A_342 : vector<16xi32>
          %shift_right_logical3A_344 = arith.constant 16 : i32
          %shift_right_logical3A_345 = vector.broadcast %shift_right_logical3A_344 : i32 to vector<16xi32>
          %shift_right_logical3A_346 = arith.shrui %get3A_333, %shift_right_logical3A_345 : vector<16xi32>
          %and3A_347 = arith.constant 255 : i32
          %and3A_348 = vector.broadcast %and3A_347 : i32 to vector<16xi32>
          %and3A_349 = arith.andi %shift_right_logical3A_346, %and3A_348 : vector<16xi32>
          %add3A_350 = arith.addi %mul3A_6, %and3A_349 : vector<16xi32>
          tpu.vector_store_idx %arg14[%add3A_350], %broadcast_in_dim3A_3 masked %eq3A_343 {add = true} : memref<4096xi32, #tpu.memory_space<vmem>>[vector<16xi32>], vector<16xi32>, vector<16xi1>
          %mul3A_351 = arith.constant 4 : i32
          %mul3A_352 = arith.muli %scan3A_325, %mul3A_351 : i32
          %add3A_353 = arith.constant 1 : i32
          %add3A_354 = arith.addi %mul3A_352, %add3A_353 : i32
          %mul3A_355 = arith.constant 16 : i32
          %mul3A_356 = arith.muli %add3A_354, %mul3A_355 : i32
          %get3A_357 = arith.index_cast %mul3A_356 : i32 to index
          %get3A_358 = tpu.vector_load %arg8[%get3A_357] {strides = array<i32>} : memref<8192xi32, #tpu.memory_space<vmem>>, vector<16xi32>,
          %shift_right_logical3A_359 = arith.constant 24 : i32
          %shift_right_logical3A_360 = vector.broadcast %shift_right_logical3A_359 : i32 to vector<16xi32>
          %shift_right_logical3A_361 = arith.shrui %get3A_358, %shift_right_logical3A_360 : vector<16xi32>
          %and3A_362 = arith.constant 255 : i32
          %and3A_363 = vector.broadcast %and3A_362 : i32 to vector<16xi32>
          %and3A_364 = arith.andi %shift_right_logical3A_361, %and3A_363 : vector<16xi32>
          %xor3A_365 = arith.constant 128 : i32
          %xor3A_366 = vector.broadcast %xor3A_365 : i32 to vector<16xi32>
          %xor3A_367 = arith.xori %and3A_364, %xor3A_366 : vector<16xi32>
          %eq3A_368 = vector.broadcast %reduce_sum3A_49 : i32 to vector<16xi32>
          %eq3A_369 = arith.cmpi eq, %xor3A_367, %eq3A_368 : vector<16xi32>
          %shift_right_logical3A_370 = arith.constant 16 : i32
          %shift_right_logical3A_371 = vector.broadcast %shift_right_logical3A_370 : i32 to vector<16xi32>
          %shift_right_logical3A_372 = arith.shrui %get3A_358, %shift_right_logical3A_371 : vector<16xi32>
          %and3A_373 = arith.constant 255 : i32
          %and3A_374 = vector.broadcast %and3A_373 : i32 to vector<16xi32>
          %and3A_375 = arith.andi %shift_right_logical3A_372, %and3A_374 : vector<16xi32>
          %add3A_376 = arith.addi %mul3A_6, %and3A_375 : vector<16xi32>
          tpu.vector_store_idx %arg14[%add3A_376], %broadcast_in_dim3A_3 masked %eq3A_369 {add = true} : memref<4096xi32, #tpu.memory_space<vmem>>[vector<16xi32>], vector<16xi32>, vector<16xi1>
          %mul3A_377 = arith.constant 4 : i32
          %mul3A_378 = arith.muli %scan3A_325, %mul3A_377 : i32
          %add3A_379 = arith.constant 2 : i32
          %add3A_380 = arith.addi %mul3A_378, %add3A_379 : i32
          %mul3A_381 = arith.constant 16 : i32
          %mul3A_382 = arith.muli %add3A_380, %mul3A_381 : i32
          %get3A_383 = arith.index_cast %mul3A_382 : i32 to index
          %get3A_384 = tpu.vector_load %arg8[%get3A_383] {strides = array<i32>} : memref<8192xi32, #tpu.memory_space<vmem>>, vector<16xi32>,
          %shift_right_logical3A_385 = arith.constant 24 : i32
          %shift_right_logical3A_386 = vector.broadcast %shift_right_logical3A_385 : i32 to vector<16xi32>
          %shift_right_logical3A_387 = arith.shrui %get3A_384, %shift_right_logical3A_386 : vector<16xi32>
          %and3A_388 = arith.constant 255 : i32
          %and3A_389 = vector.broadcast %and3A_388 : i32 to vector<16xi32>
          %and3A_390 = arith.andi %shift_right_logical3A_387, %and3A_389 : vector<16xi32>
          %xor3A_391 = arith.constant 128 : i32
          %xor3A_392 = vector.broadcast %xor3A_391 : i32 to vector<16xi32>
          %xor3A_393 = arith.xori %and3A_390, %xor3A_392 : vector<16xi32>
          %eq3A_394 = vector.broadcast %reduce_sum3A_49 : i32 to vector<16xi32>
          %eq3A_395 = arith.cmpi eq, %xor3A_393, %eq3A_394 : vector<16xi32>
          %shift_right_logical3A_396 = arith.constant 16 : i32
          %shift_right_logical3A_397 = vector.broadcast %shift_right_logical3A_396 : i32 to vector<16xi32>
          %shift_right_logical3A_398 = arith.shrui %get3A_384, %shift_right_logical3A_397 : vector<16xi32>
          %and3A_399 = arith.constant 255 : i32
          %and3A_400 = vector.broadcast %and3A_399 : i32 to vector<16xi32>
          %and3A_401 = arith.andi %shift_right_logical3A_398, %and3A_400 : vector<16xi32>
          %add3A_402 = arith.addi %mul3A_6, %and3A_401 : vector<16xi32>
          tpu.vector_store_idx %arg14[%add3A_402], %broadcast_in_dim3A_3 masked %eq3A_395 {add = true} : memref<4096xi32, #tpu.memory_space<vmem>>[vector<16xi32>], vector<16xi32>, vector<16xi1>
          %mul3A_403 = arith.constant 4 : i32
          %mul3A_404 = arith.muli %scan3A_325, %mul3A_403 : i32
          %add3A_405 = arith.constant 3 : i32
          %add3A_406 = arith.addi %mul3A_404, %add3A_405 : i32
          %mul3A_407 = arith.constant 16 : i32
          %mul3A_408 = arith.muli %add3A_406, %mul3A_407 : i32
          %get3A_409 = arith.index_cast %mul3A_408 : i32 to index
          %get3A_410 = tpu.vector_load %arg8[%get3A_409] {strides = array<i32>} : memref<8192xi32, #tpu.memory_space<vmem>>, vector<16xi32>,
          %shift_right_logical3A_411 = arith.constant 24 : i32
          %shift_right_logical3A_412 = vector.broadcast %shift_right_logical3A_411 : i32 to vector<16xi32>
          %shift_right_logical3A_413 = arith.shrui %get3A_410, %shift_right_logical3A_412 : vector<16xi32>
          %and3A_414 = arith.constant 255 : i32
          %and3A_415 = vector.broadcast %and3A_414 : i32 to vector<16xi32>
          %and3A_416 = arith.andi %shift_right_logical3A_413, %and3A_415 : vector<16xi32>
          %xor3A_417 = arith.constant 128 : i32
          %xor3A_418 = vector.broadcast %xor3A_417 : i32 to vector<16xi32>
          %xor3A_419 = arith.xori %and3A_416, %xor3A_418 : vector<16xi32>
          %eq3A_420 = vector.broadcast %reduce_sum3A_49 : i32 to vector<16xi32>
          %eq3A_421 = arith.cmpi eq, %xor3A_419, %eq3A_420 : vector<16xi32>
          %shift_right_logical3A_422 = arith.constant 16 : i32
          %shift_right_logical3A_423 = vector.broadcast %shift_right_logical3A_422 : i32 to vector<16xi32>
          %shift_right_logical3A_424 = arith.shrui %get3A_410, %shift_right_logical3A_423 : vector<16xi32>
          %and3A_425 = arith.constant 255 : i32
          %and3A_426 = vector.broadcast %and3A_425 : i32 to vector<16xi32>
          %and3A_427 = arith.andi %shift_right_logical3A_424, %and3A_426 : vector<16xi32>
          %add3A_428 = arith.addi %mul3A_6, %and3A_427 : vector<16xi32>
          tpu.vector_store_idx %arg14[%add3A_428], %broadcast_in_dim3A_3 masked %eq3A_421 {add = true} : memref<4096xi32, #tpu.memory_space<vmem>>[vector<16xi32>], vector<16xi32>, vector<16xi1>
          %scan3A_429 = arith.constant 0 : i32
          scf.yield %scan3A_429 : i32
        }
        %scan3A_324 = arith.constant 128 : i32
      } else {
      }
      %sub3A_64 = arith.constant 1024 : i32
      %sub3A_65 = arith.subi %sub3A_64, %select_n3A : i32
      %scan3A_66 = arith.constant 0 : i32
      %scan3A_67 = arith.constant 0 : i32
      %scan3A_68 = arith.constant 16 : i32
      %scan3A_69 = arith.addi %scan3A_67, %scan3A_68 : i32
      %scan3A_70 = arith.constant 1 : i32
      %scan3A_71:2 = scf.for %scan3A_311 = %scan3A_67 to %scan3A_69 step %scan3A_70 iter_args(%scan3A_312 = %scan3A_66, %scan3A_313 = %broadcast_in_dim3A_1) -> (i32, vector<16xi32>)  : i32 {
        %mul3A_314 = arith.constant 16 : i32
        %mul3A_315 = arith.muli %scan3A_311, %mul3A_314 : i32
        %add3A_316 = arith.constant 0 : i32
        %add3A_317 = arith.addi %add3A_316, %mul3A_315 : i32
        %get3A = arith.index_cast %add3A_317 : i32 to index
        %get3A_318 = tpu.vector_load %arg14[%get3A] {strides = array<i32>} : memref<4096xi32, #tpu.memory_space<vmem>>, vector<16xi32>,
        %add3A_319 = arith.addi %broadcast_in_dim3A_1, %get3A_318 : vector<16xi32>
        %swap3A = arith.index_cast %add3A_317 : i32 to index
        %swap3A_320 = tpu.vector_load %arg14[%swap3A] {strides = array<i32>} : memref<4096xi32, #tpu.memory_space<vmem>>, vector<16xi32>,
        tpu.vector_store %arg14[%swap3A], %broadcast_in_dim3A_1 {strides = array<i32>} : memref<4096xi32, #tpu.memory_space<vmem>>, vector<16xi32>,
        %mul3A_321 = arith.constant 16 : i32
        %mul3A_322 = arith.muli %scan3A_311, %mul3A_321 : i32
        %add3A_323 = arith.constant 256 : i32
        %add3A_324 = arith.addi %add3A_323, %mul3A_322 : i32
        %get3A_325 = arith.index_cast %add3A_324 : i32 to index
        %get3A_326 = tpu.vector_load %arg14[%get3A_325] {strides = array<i32>} : memref<4096xi32, #tpu.memory_space<vmem>>, vector<16xi32>,
        %add3A_327 = arith.addi %add3A_319, %get3A_326 : vector<16xi32>
        %swap3A_328 = arith.index_cast %add3A_324 : i32 to index
        %swap3A_329 = tpu.vector_load %arg14[%swap3A_328] {strides = array<i32>} : memref<4096xi32, #tpu.memory_space<vmem>>, vector<16xi32>,
        tpu.vector_store %arg14[%swap3A_328], %broadcast_in_dim3A_1 {strides = array<i32>} : memref<4096xi32, #tpu.memory_space<vmem>>, vector<16xi32>,
        %mul3A_330 = arith.constant 16 : i32
        %mul3A_331 = arith.muli %scan3A_311, %mul3A_330 : i32
        %add3A_332 = arith.constant 512 : i32
        %add3A_333 = arith.addi %add3A_332, %mul3A_331 : i32
        %get3A_334 = arith.index_cast %add3A_333 : i32 to index
        %get3A_335 = tpu.vector_load %arg14[%get3A_334] {strides = array<i32>} : memref<4096xi32, #tpu.memory_space<vmem>>, vector<16xi32>,
        %add3A_336 = arith.addi %add3A_327, %get3A_335 : vector<16xi32>
        %swap3A_337 = arith.index_cast %add3A_333 : i32 to index
        %swap3A_338 = tpu.vector_load %arg14[%swap3A_337] {strides = array<i32>} : memref<4096xi32, #tpu.memory_space<vmem>>, vector<16xi32>,
        tpu.vector_store %arg14[%swap3A_337], %broadcast_in_dim3A_1 {strides = array<i32>} : memref<4096xi32, #tpu.memory_space<vmem>>, vector<16xi32>,
        %mul3A_339 = arith.constant 16 : i32
        %mul3A_340 = arith.muli %scan3A_311, %mul3A_339 : i32
        %add3A_341 = arith.constant 768 : i32
        %add3A_342 = arith.addi %add3A_341, %mul3A_340 : i32
        %get3A_343 = arith.index_cast %add3A_342 : i32 to index
        %get3A_344 = tpu.vector_load %arg14[%get3A_343] {strides = array<i32>} : memref<4096xi32, #tpu.memory_space<vmem>>, vector<16xi32>,
        %add3A_345 = arith.addi %add3A_336, %get3A_344 : vector<16xi32>
        %swap3A_346 = arith.index_cast %add3A_342 : i32 to index
        %swap3A_347 = tpu.vector_load %arg14[%swap3A_346] {strides = array<i32>} : memref<4096xi32, #tpu.memory_space<vmem>>, vector<16xi32>,
        tpu.vector_store %arg14[%swap3A_346], %broadcast_in_dim3A_1 {strides = array<i32>} : memref<4096xi32, #tpu.memory_space<vmem>>, vector<16xi32>,
        %mul3A_348 = arith.constant 16 : i32
        %mul3A_349 = arith.muli %scan3A_311, %mul3A_348 : i32
        %add3A_350 = arith.constant 1024 : i32
        %add3A_351 = arith.addi %add3A_350, %mul3A_349 : i32
        %get3A_352 = arith.index_cast %add3A_351 : i32 to index
        %get3A_353 = tpu.vector_load %arg14[%get3A_352] {strides = array<i32>} : memref<4096xi32, #tpu.memory_space<vmem>>, vector<16xi32>,
        %add3A_354 = arith.addi %add3A_345, %get3A_353 : vector<16xi32>
        %swap3A_355 = arith.index_cast %add3A_351 : i32 to index
        %swap3A_356 = tpu.vector_load %arg14[%swap3A_355] {strides = array<i32>} : memref<4096xi32, #tpu.memory_space<vmem>>, vector<16xi32>,
        tpu.vector_store %arg14[%swap3A_355], %broadcast_in_dim3A_1 {strides = array<i32>} : memref<4096xi32, #tpu.memory_space<vmem>>, vector<16xi32>,
        %mul3A_357 = arith.constant 16 : i32
        %mul3A_358 = arith.muli %scan3A_311, %mul3A_357 : i32
        %add3A_359 = arith.constant 1280 : i32
        %add3A_360 = arith.addi %add3A_359, %mul3A_358 : i32
        %get3A_361 = arith.index_cast %add3A_360 : i32 to index
        %get3A_362 = tpu.vector_load %arg14[%get3A_361] {strides = array<i32>} : memref<4096xi32, #tpu.memory_space<vmem>>, vector<16xi32>,
        %add3A_363 = arith.addi %add3A_354, %get3A_362 : vector<16xi32>
        %swap3A_364 = arith.index_cast %add3A_360 : i32 to index
        %swap3A_365 = tpu.vector_load %arg14[%swap3A_364] {strides = array<i32>} : memref<4096xi32, #tpu.memory_space<vmem>>, vector<16xi32>,
        tpu.vector_store %arg14[%swap3A_364], %broadcast_in_dim3A_1 {strides = array<i32>} : memref<4096xi32, #tpu.memory_space<vmem>>, vector<16xi32>,
        %mul3A_366 = arith.constant 16 : i32
        %mul3A_367 = arith.muli %scan3A_311, %mul3A_366 : i32
        %add3A_368 = arith.constant 1536 : i32
        %add3A_369 = arith.addi %add3A_368, %mul3A_367 : i32
        %get3A_370 = arith.index_cast %add3A_369 : i32 to index
        %get3A_371 = tpu.vector_load %arg14[%get3A_370] {strides = array<i32>} : memref<4096xi32, #tpu.memory_space<vmem>>, vector<16xi32>,
        %add3A_372 = arith.addi %add3A_363, %get3A_371 : vector<16xi32>
        %swap3A_373 = arith.index_cast %add3A_369 : i32 to index
        %swap3A_374 = tpu.vector_load %arg14[%swap3A_373] {strides = array<i32>} : memref<4096xi32, #tpu.memory_space<vmem>>, vector<16xi32>,
        tpu.vector_store %arg14[%swap3A_373], %broadcast_in_dim3A_1 {strides = array<i32>} : memref<4096xi32, #tpu.memory_space<vmem>>, vector<16xi32>,
        %mul3A_375 = arith.constant 16 : i32
        %mul3A_376 = arith.muli %scan3A_311, %mul3A_375 : i32
        %add3A_377 = arith.constant 1792 : i32
        %add3A_378 = arith.addi %add3A_377, %mul3A_376 : i32
        %get3A_379 = arith.index_cast %add3A_378 : i32 to index
        %get3A_380 = tpu.vector_load %arg14[%get3A_379] {strides = array<i32>} : memref<4096xi32, #tpu.memory_space<vmem>>, vector<16xi32>,
        %add3A_381 = arith.addi %add3A_372, %get3A_380 : vector<16xi32>
        %swap3A_382 = arith.index_cast %add3A_378 : i32 to index
        %swap3A_383 = tpu.vector_load %arg14[%swap3A_382] {strides = array<i32>} : memref<4096xi32, #tpu.memory_space<vmem>>, vector<16xi32>,
        tpu.vector_store %arg14[%swap3A_382], %broadcast_in_dim3A_1 {strides = array<i32>} : memref<4096xi32, #tpu.memory_space<vmem>>, vector<16xi32>,
        %mul3A_384 = arith.constant 16 : i32
        %mul3A_385 = arith.muli %scan3A_311, %mul3A_384 : i32
        %add3A_386 = arith.constant 2048 : i32
        %add3A_387 = arith.addi %add3A_386, %mul3A_385 : i32
        %get3A_388 = arith.index_cast %add3A_387 : i32 to index
        %get3A_389 = tpu.vector_load %arg14[%get3A_388] {strides = array<i32>} : memref<4096xi32, #tpu.memory_space<vmem>>, vector<16xi32>,
        %add3A_390 = arith.addi %add3A_381, %get3A_389 : vector<16xi32>
        %swap3A_391 = arith.index_cast %add3A_387 : i32 to index
        %swap3A_392 = tpu.vector_load %arg14[%swap3A_391] {strides = array<i32>} : memref<4096xi32, #tpu.memory_space<vmem>>, vector<16xi32>,
        tpu.vector_store %arg14[%swap3A_391], %broadcast_in_dim3A_1 {strides = array<i32>} : memref<4096xi32, #tpu.memory_space<vmem>>, vector<16xi32>,
        %mul3A_393 = arith.constant 16 : i32
        %mul3A_394 = arith.muli %scan3A_311, %mul3A_393 : i32
        %add3A_395 = arith.constant 2304 : i32
        %add3A_396 = arith.addi %add3A_395, %mul3A_394 : i32
        %get3A_397 = arith.index_cast %add3A_396 : i32 to index
        %get3A_398 = tpu.vector_load %arg14[%get3A_397] {strides = array<i32>} : memref<4096xi32, #tpu.memory_space<vmem>>, vector<16xi32>,
        %add3A_399 = arith.addi %add3A_390, %get3A_398 : vector<16xi32>
        %swap3A_400 = arith.index_cast %add3A_396 : i32 to index
        %swap3A_401 = tpu.vector_load %arg14[%swap3A_400] {strides = array<i32>} : memref<4096xi32, #tpu.memory_space<vmem>>, vector<16xi32>,
        tpu.vector_store %arg14[%swap3A_400], %broadcast_in_dim3A_1 {strides = array<i32>} : memref<4096xi32, #tpu.memory_space<vmem>>, vector<16xi32>,
        %mul3A_402 = arith.constant 16 : i32
        %mul3A_403 = arith.muli %scan3A_311, %mul3A_402 : i32
        %add3A_404 = arith.constant 2560 : i32
        %add3A_405 = arith.addi %add3A_404, %mul3A_403 : i32
        %get3A_406 = arith.index_cast %add3A_405 : i32 to index
        %get3A_407 = tpu.vector_load %arg14[%get3A_406] {strides = array<i32>} : memref<4096xi32, #tpu.memory_space<vmem>>, vector<16xi32>,
        %add3A_408 = arith.addi %add3A_399, %get3A_407 : vector<16xi32>
        %swap3A_409 = arith.index_cast %add3A_405 : i32 to index
        %swap3A_410 = tpu.vector_load %arg14[%swap3A_409] {strides = array<i32>} : memref<4096xi32, #tpu.memory_space<vmem>>, vector<16xi32>,
        tpu.vector_store %arg14[%swap3A_409], %broadcast_in_dim3A_1 {strides = array<i32>} : memref<4096xi32, #tpu.memory_space<vmem>>, vector<16xi32>,
        %mul3A_411 = arith.constant 16 : i32
        %mul3A_412 = arith.muli %scan3A_311, %mul3A_411 : i32
        %add3A_413 = arith.constant 2816 : i32
        %add3A_414 = arith.addi %add3A_413, %mul3A_412 : i32
        %get3A_415 = arith.index_cast %add3A_414 : i32 to index
        %get3A_416 = tpu.vector_load %arg14[%get3A_415] {strides = array<i32>} : memref<4096xi32, #tpu.memory_space<vmem>>, vector<16xi32>,
        %add3A_417 = arith.addi %add3A_408, %get3A_416 : vector<16xi32>
        %swap3A_418 = arith.index_cast %add3A_414 : i32 to index
        %swap3A_419 = tpu.vector_load %arg14[%swap3A_418] {strides = array<i32>} : memref<4096xi32, #tpu.memory_space<vmem>>, vector<16xi32>,
        tpu.vector_store %arg14[%swap3A_418], %broadcast_in_dim3A_1 {strides = array<i32>} : memref<4096xi32, #tpu.memory_space<vmem>>, vector<16xi32>,
        %mul3A_420 = arith.constant 16 : i32
        %mul3A_421 = arith.muli %scan3A_311, %mul3A_420 : i32
        %add3A_422 = arith.constant 3072 : i32
        %add3A_423 = arith.addi %add3A_422, %mul3A_421 : i32
        %get3A_424 = arith.index_cast %add3A_423 : i32 to index
        %get3A_425 = tpu.vector_load %arg14[%get3A_424] {strides = array<i32>} : memref<4096xi32, #tpu.memory_space<vmem>>, vector<16xi32>,
        %add3A_426 = arith.addi %add3A_417, %get3A_425 : vector<16xi32>
        %swap3A_427 = arith.index_cast %add3A_423 : i32 to index
        %swap3A_428 = tpu.vector_load %arg14[%swap3A_427] {strides = array<i32>} : memref<4096xi32, #tpu.memory_space<vmem>>, vector<16xi32>,
        tpu.vector_store %arg14[%swap3A_427], %broadcast_in_dim3A_1 {strides = array<i32>} : memref<4096xi32, #tpu.memory_space<vmem>>, vector<16xi32>,
        %mul3A_429 = arith.constant 16 : i32
        %mul3A_430 = arith.muli %scan3A_311, %mul3A_429 : i32
        %add3A_431 = arith.constant 3328 : i32
        %add3A_432 = arith.addi %add3A_431, %mul3A_430 : i32
        %get3A_433 = arith.index_cast %add3A_432 : i32 to index
        %get3A_434 = tpu.vector_load %arg14[%get3A_433] {strides = array<i32>} : memref<4096xi32, #tpu.memory_space<vmem>>, vector<16xi32>,
        %add3A_435 = arith.addi %add3A_426, %get3A_434 : vector<16xi32>
        %swap3A_436 = arith.index_cast %add3A_432 : i32 to index
        %swap3A_437 = tpu.vector_load %arg14[%swap3A_436] {strides = array<i32>} : memref<4096xi32, #tpu.memory_space<vmem>>, vector<16xi32>,
        tpu.vector_store %arg14[%swap3A_436], %broadcast_in_dim3A_1 {strides = array<i32>} : memref<4096xi32, #tpu.memory_space<vmem>>, vector<16xi32>,
        %mul3A_438 = arith.constant 16 : i32
        %mul3A_439 = arith.muli %scan3A_311, %mul3A_438 : i32
        %add3A_440 = arith.constant 3584 : i32
        %add3A_441 = arith.addi %add3A_440, %mul3A_439 : i32
        %get3A_442 = arith.index_cast %add3A_441 : i32 to index
        %get3A_443 = tpu.vector_load %arg14[%get3A_442] {strides = array<i32>} : memref<4096xi32, #tpu.memory_space<vmem>>, vector<16xi32>,
        %add3A_444 = arith.addi %add3A_435, %get3A_443 : vector<16xi32>
        %swap3A_445 = arith.index_cast %add3A_441 : i32 to index
        %swap3A_446 = tpu.vector_load %arg14[%swap3A_445] {strides = array<i32>} : memref<4096xi32, #tpu.memory_space<vmem>>, vector<16xi32>,
        tpu.vector_store %arg14[%swap3A_445], %broadcast_in_dim3A_1 {strides = array<i32>} : memref<4096xi32, #tpu.memory_space<vmem>>, vector<16xi32>,
        %mul3A_447 = arith.constant 16 : i32
        %mul3A_448 = arith.muli %scan3A_311, %mul3A_447 : i32
        %add3A_449 = arith.constant 3840 : i32
        %add3A_450 = arith.addi %add3A_449, %mul3A_448 : i32
        %get3A_451 = arith.index_cast %add3A_450 : i32 to index
        %get3A_452 = tpu.vector_load %arg14[%get3A_451] {strides = array<i32>} : memref<4096xi32, #tpu.memory_space<vmem>>, vector<16xi32>,
        %add3A_453 = arith.addi %add3A_444, %get3A_452 : vector<16xi32>
        %swap3A_454 = arith.index_cast %add3A_450 : i32 to index
        %swap3A_455 = tpu.vector_load %arg14[%swap3A_454] {strides = array<i32>} : memref<4096xi32, #tpu.memory_space<vmem>>, vector<16xi32>,
        tpu.vector_store %arg14[%swap3A_454], %broadcast_in_dim3A_1 {strides = array<i32>} : memref<4096xi32, #tpu.memory_space<vmem>>, vector<16xi32>,
        %broadcast_in_dim3A_456 = arith.constant true
        %broadcast_in_dim3A_457 = vector.broadcast %broadcast_in_dim3A_456 : i1 to vector<16xi1>
        %masked_cumsum3A = tpu.scan <sum>, %add3A_453 masked %broadcast_in_dim3A_457 : vector<16xi32>, vector<16xi1> -> vector<16xi32>
        %add3A_458 = vector.broadcast %scan3A_312 : i32 to vector<16xi32>
        %add3A_459 = arith.addi %masked_cumsum3A, %add3A_458 : vector<16xi32>
        %lt3A_460 = vector.broadcast %sub3A_65 : i32 to vector<16xi32>
        %lt3A_461 = arith.cmpi slt, %add3A_459, %lt3A_460 : vector<16xi32>
        %jit3A_462 = arith.constant 1 : i32
        %jit3A_463 = arith.constant 0 : i32
        %broadcast_in_dim3A_464 = vector.broadcast %jit3A_462 : i32 to vector<16xi32>
        %broadcast_in_dim3A_465 = vector.broadcast %jit3A_463 : i32 to vector<16xi32>
        %select_n3A_466 = arith.select %lt3A_461, %broadcast_in_dim3A_464, %broadcast_in_dim3A_465 : vector<16xi1>, vector<16xi32>
        %add3A_467 = arith.addi %scan3A_313, %select_n3A_466 : vector<16xi32>
        %reduce_max3A_468 = arith.constant true
        %reduce_max3A_469 = vector.broadcast %reduce_max3A_468 : i1 to vector<16xi1>
        %reduce_max3A_470 = arith.constant -2147483648 : i32
        %reduce_max3A_471 = vector.broadcast %reduce_max3A_470 : i32 to vector<16xi32>
        %reduce_max3A_472 = arith.xori %add3A_459, %reduce_max3A_471 : vector<16xi32>
        %reduce_max3A_473 = tpu.scan <max>, %reduce_max3A_472 masked %reduce_max3A_469 : vector<16xi32>, vector<16xi1> -> vector<16xi32>
        %reduce_max3A_474 = arith.xori %reduce_max3A_473, %reduce_max3A_471 : vector<16xi32>
        %reduce_max3A_475 = vector.extract %reduce_max3A_474[15] : i32 from vector<16xi32>
        scf.yield %reduce_max3A_475, %add3A_467 : i32, vector<16xi32>
      }
      %scan3A_72 = arith.constant 16 : i32
      %reduce_sum3A_73 = arith.constant true
      %reduce_sum3A_74 = vector.broadcast %reduce_sum3A_73 : i1 to vector<16xi1>
      %reduce_sum3A_75 = tpu.scan <sum>, %scan3A_71#1 masked %reduce_sum3A_74 : vector<16xi32>, vector<16xi1> -> vector<16xi32>
      %reduce_sum3A_76 = vector.extract %reduce_sum3A_75[15] : i32 from vector<16xi32>
      %xor3A = arith.constant 128 : i32
      %xor3A_77 = arith.xori %reduce_sum3A_49, %xor3A : i32
      %shift_left3A = arith.constant 24 : i32
      %shift_left3A_78 = arith.shli %xor3A_77, %shift_left3A : i32
      %shift_left3A_79 = arith.constant 16 : i32
      %shift_left3A_80 = arith.shli %reduce_sum3A_76, %shift_left3A_79 : i32
      %or3A = arith.ori %shift_left3A_78, %shift_left3A_80 : i32
      %or3A_81 = arith.constant 65535 : i32
      %or3A_82 = arith.ori %or3A, %or3A_81 : i32
      %mul3A_83 = arith.constant 512 : i32
      %mul3A_84 = vector.broadcast %mul3A_83 : i32 to vector<16xi32>
      %mul3A_85 = arith.muli %iota3A, %mul3A_84 : vector<16xi32>
      %scan3A_86 = arith.constant 0 : i32
      %scan3A_87 = arith.constant 128 : i32
      %scan3A_88 = arith.addi %scan3A_86, %scan3A_87 : i32
      %scan3A_89 = arith.constant 1 : i32
      %scan3A_90 = scf.for %scan3A_311 = %scan3A_86 to %scan3A_88 step %scan3A_89 iter_args(%scan3A_312 = %mul3A_85) -> (vector<16xi32>)  : i32 {
        %mul3A_313 = arith.constant 4 : i32
        %mul3A_314 = arith.muli %scan3A_311, %mul3A_313 : i32
        %add3A_315 = arith.constant 0 : i32
        %add3A_316 = arith.addi %mul3A_314, %add3A_315 : i32
        %mul3A_317 = arith.constant 512 : i32
        %mul3A_318 = vector.broadcast %mul3A_317 : i32 to vector<16xi32>
        %mul3A_319 = arith.muli %iota3A, %mul3A_318 : vector<16xi32>
        %add3A_320 = vector.broadcast %add3A_316 : i32 to vector<16xi32>
        %add3A_321 = arith.addi %mul3A_319, %add3A_320 : vector<16xi32>
        %gather3A_322 = tpu.vector_load_idx %arg8[%add3A_321] : memref<8192xi32, #tpu.memory_space<vmem>>[vector<16xi32>], vector<16xi32>,
        %le3A = vector.broadcast %or3A_82 : i32 to vector<16xi32>
        %le3A_323 = arith.cmpi sle, %gather3A_322, %le3A : vector<16xi32>
        tpu.vector_store_idx %arg9[%scan3A_312], %gather3A_322 masked %le3A_323 : memref<8192xi32, #tpu.memory_space<vmem>>[vector<16xi32>], vector<16xi32>, vector<16xi1>
        tpu.vector_store_idx %arg10[%scan3A_312], %add3A_321 masked %le3A_323 : memref<8192xi32, #tpu.memory_space<vmem>>[vector<16xi32>], vector<16xi32>, vector<16xi1>
        %and3A_324 = arith.constant 63 : i32
        %and3A_325 = vector.broadcast %and3A_324 : i32 to vector<16xi32>
        %and3A_326 = arith.andi %gather3A_322, %and3A_325 : vector<16xi32>
        %mul3A_327 = arith.constant 16 : i32
        %mul3A_328 = vector.broadcast %mul3A_327 : i32 to vector<16xi32>
        %mul3A_329 = arith.muli %and3A_326, %mul3A_328 : vector<16xi32>
        %add3A_330 = arith.addi %mul3A_329, %iota3A : vector<16xi32>
        tpu.vector_store_idx %arg15[%add3A_330], %broadcast_in_dim3A_3 masked %le3A_323 {add = true} : memref<1024xi32, #tpu.memory_space<vmem>>[vector<16xi32>], vector<16xi32>, vector<16xi1>
        %jit3A_331 = arith.constant 1 : i32
        %jit3A_332 = arith.constant 0 : i32
        %broadcast_in_dim3A_333 = vector.broadcast %jit3A_331 : i32 to vector<16xi32>
        %broadcast_in_dim3A_334 = vector.broadcast %jit3A_332 : i32 to vector<16xi32>
        %select_n3A_335 = arith.select %le3A_323, %broadcast_in_dim3A_333, %broadcast_in_dim3A_334 : vector<16xi1>, vector<16xi32>
        %add3A_336 = arith.addi %scan3A_312, %select_n3A_335 : vector<16xi32>
        %mul3A_337 = arith.constant 4 : i32
        %mul3A_338 = arith.muli %scan3A_311, %mul3A_337 : i32
        %add3A_339 = arith.constant 1 : i32
        %add3A_340 = arith.addi %mul3A_338, %add3A_339 : i32
        %mul3A_341 = arith.constant 512 : i32
        %mul3A_342 = vector.broadcast %mul3A_341 : i32 to vector<16xi32>
        %mul3A_343 = arith.muli %iota3A, %mul3A_342 : vector<16xi32>
        %add3A_344 = vector.broadcast %add3A_340 : i32 to vector<16xi32>
        %add3A_345 = arith.addi %mul3A_343, %add3A_344 : vector<16xi32>
        %gather3A_346 = tpu.vector_load_idx %arg8[%add3A_345] : memref<8192xi32, #tpu.memory_space<vmem>>[vector<16xi32>], vector<16xi32>,
        %le3A_347 = vector.broadcast %or3A_82 : i32 to vector<16xi32>
        %le3A_348 = arith.cmpi sle, %gather3A_346, %le3A_347 : vector<16xi32>
        tpu.vector_store_idx %arg9[%add3A_336], %gather3A_346 masked %le3A_348 : memref<8192xi32, #tpu.memory_space<vmem>>[vector<16xi32>], vector<16xi32>, vector<16xi1>
        tpu.vector_store_idx %arg10[%add3A_336], %add3A_345 masked %le3A_348 : memref<8192xi32, #tpu.memory_space<vmem>>[vector<16xi32>], vector<16xi32>, vector<16xi1>
        %and3A_349 = arith.constant 63 : i32
        %and3A_350 = vector.broadcast %and3A_349 : i32 to vector<16xi32>
        %and3A_351 = arith.andi %gather3A_346, %and3A_350 : vector<16xi32>
        %mul3A_352 = arith.constant 16 : i32
        %mul3A_353 = vector.broadcast %mul3A_352 : i32 to vector<16xi32>
        %mul3A_354 = arith.muli %and3A_351, %mul3A_353 : vector<16xi32>
        %add3A_355 = arith.addi %mul3A_354, %iota3A : vector<16xi32>
        tpu.vector_store_idx %arg15[%add3A_355], %broadcast_in_dim3A_3 masked %le3A_348 {add = true} : memref<1024xi32, #tpu.memory_space<vmem>>[vector<16xi32>], vector<16xi32>, vector<16xi1>
        %jit3A_356 = arith.constant 1 : i32
        %jit3A_357 = arith.constant 0 : i32
        %broadcast_in_dim3A_358 = vector.broadcast %jit3A_356 : i32 to vector<16xi32>
        %broadcast_in_dim3A_359 = vector.broadcast %jit3A_357 : i32 to vector<16xi32>
        %select_n3A_360 = arith.select %le3A_348, %broadcast_in_dim3A_358, %broadcast_in_dim3A_359 : vector<16xi1>, vector<16xi32>
        %add3A_361 = arith.addi %add3A_336, %select_n3A_360 : vector<16xi32>
        %mul3A_362 = arith.constant 4 : i32
        %mul3A_363 = arith.muli %scan3A_311, %mul3A_362 : i32
        %add3A_364 = arith.constant 2 : i32
        %add3A_365 = arith.addi %mul3A_363, %add3A_364 : i32
        %mul3A_366 = arith.constant 512 : i32
        %mul3A_367 = vector.broadcast %mul3A_366 : i32 to vector<16xi32>
        %mul3A_368 = arith.muli %iota3A, %mul3A_367 : vector<16xi32>
        %add3A_369 = vector.broadcast %add3A_365 : i32 to vector<16xi32>
        %add3A_370 = arith.addi %mul3A_368, %add3A_369 : vector<16xi32>
        %gather3A_371 = tpu.vector_load_idx %arg8[%add3A_370] : memref<8192xi32, #tpu.memory_space<vmem>>[vector<16xi32>], vector<16xi32>,
        %le3A_372 = vector.broadcast %or3A_82 : i32 to vector<16xi32>
        %le3A_373 = arith.cmpi sle, %gather3A_371, %le3A_372 : vector<16xi32>
        tpu.vector_store_idx %arg9[%add3A_361], %gather3A_371 masked %le3A_373 : memref<8192xi32, #tpu.memory_space<vmem>>[vector<16xi32>], vector<16xi32>, vector<16xi1>
        tpu.vector_store_idx %arg10[%add3A_361], %add3A_370 masked %le3A_373 : memref<8192xi32, #tpu.memory_space<vmem>>[vector<16xi32>], vector<16xi32>, vector<16xi1>
        %and3A_374 = arith.constant 63 : i32
        %and3A_375 = vector.broadcast %and3A_374 : i32 to vector<16xi32>
        %and3A_376 = arith.andi %gather3A_371, %and3A_375 : vector<16xi32>
        %mul3A_377 = arith.constant 16 : i32
        %mul3A_378 = vector.broadcast %mul3A_377 : i32 to vector<16xi32>
        %mul3A_379 = arith.muli %and3A_376, %mul3A_378 : vector<16xi32>
        %add3A_380 = arith.addi %mul3A_379, %iota3A : vector<16xi32>
        tpu.vector_store_idx %arg15[%add3A_380], %broadcast_in_dim3A_3 masked %le3A_373 {add = true} : memref<1024xi32, #tpu.memory_space<vmem>>[vector<16xi32>], vector<16xi32>, vector<16xi1>
        %jit3A_381 = arith.constant 1 : i32
        %jit3A_382 = arith.constant 0 : i32
        %broadcast_in_dim3A_383 = vector.broadcast %jit3A_381 : i32 to vector<16xi32>
        %broadcast_in_dim3A_384 = vector.broadcast %jit3A_382 : i32 to vector<16xi32>
        %select_n3A_385 = arith.select %le3A_373, %broadcast_in_dim3A_383, %broadcast_in_dim3A_384 : vector<16xi1>, vector<16xi32>
        %add3A_386 = arith.addi %add3A_361, %select_n3A_385 : vector<16xi32>
        %mul3A_387 = arith.constant 4 : i32
        %mul3A_388 = arith.muli %scan3A_311, %mul3A_387 : i32
        %add3A_389 = arith.constant 3 : i32
        %add3A_390 = arith.addi %mul3A_388, %add3A_389 : i32
        %mul3A_391 = arith.constant 512 : i32
        %mul3A_392 = vector.broadcast %mul3A_391 : i32 to vector<16xi32>
        %mul3A_393 = arith.muli %iota3A, %mul3A_392 : vector<16xi32>
        %add3A_394 = vector.broadcast %add3A_390 : i32 to vector<16xi32>
        %add3A_395 = arith.addi %mul3A_393, %add3A_394 : vector<16xi32>
        %gather3A_396 = tpu.vector_load_idx %arg8[%add3A_395] : memref<8192xi32, #tpu.memory_space<vmem>>[vector<16xi32>], vector<16xi32>,
        %le3A_397 = vector.broadcast %or3A_82 : i32 to vector<16xi32>
        %le3A_398 = arith.cmpi sle, %gather3A_396, %le3A_397 : vector<16xi32>
        tpu.vector_store_idx %arg9[%add3A_386], %gather3A_396 masked %le3A_398 : memref<8192xi32, #tpu.memory_space<vmem>>[vector<16xi32>], vector<16xi32>, vector<16xi1>
        tpu.vector_store_idx %arg10[%add3A_386], %add3A_395 masked %le3A_398 : memref<8192xi32, #tpu.memory_space<vmem>>[vector<16xi32>], vector<16xi32>, vector<16xi1>
        %and3A_399 = arith.constant 63 : i32
        %and3A_400 = vector.broadcast %and3A_399 : i32 to vector<16xi32>
        %and3A_401 = arith.andi %gather3A_396, %and3A_400 : vector<16xi32>
        %mul3A_402 = arith.constant 16 : i32
        %mul3A_403 = vector.broadcast %mul3A_402 : i32 to vector<16xi32>
        %mul3A_404 = arith.muli %and3A_401, %mul3A_403 : vector<16xi32>
        %add3A_405 = arith.addi %mul3A_404, %iota3A : vector<16xi32>
        tpu.vector_store_idx %arg15[%add3A_405], %broadcast_in_dim3A_3 masked %le3A_398 {add = true} : memref<1024xi32, #tpu.memory_space<vmem>>[vector<16xi32>], vector<16xi32>, vector<16xi1>
        %jit3A_406 = arith.constant 1 : i32
        %jit3A_407 = arith.constant 0 : i32
        %broadcast_in_dim3A_408 = vector.broadcast %jit3A_406 : i32 to vector<16xi32>
        %broadcast_in_dim3A_409 = vector.broadcast %jit3A_407 : i32 to vector<16xi32>
        %select_n3A_410 = arith.select %le3A_398, %broadcast_in_dim3A_408, %broadcast_in_dim3A_409 : vector<16xi1>, vector<16xi32>
        %add3A_411 = arith.addi %add3A_386, %select_n3A_410 : vector<16xi32>
        scf.yield %add3A_411 : vector<16xi32>
      }
      %scan3A_91 = arith.constant 128 : i32
      %mul3A_92 = arith.constant 512 : i32
      %mul3A_93 = vector.broadcast %mul3A_92 : i32 to vector<16xi32>
      %mul3A_94 = arith.muli %iota3A, %mul3A_93 : vector<16xi32>
      %sub3A_95 = arith.subi %scan3A_90, %mul3A_94 : vector<16xi32>
      %reduce_sum3A_96 = arith.constant true
      %reduce_sum3A_97 = vector.broadcast %reduce_sum3A_96 : i1 to vector<16xi1>
      %reduce_sum3A_98 = tpu.scan <sum>, %sub3A_95 masked %reduce_sum3A_97 : vector<16xi32>, vector<16xi1> -> vector<16xi32>
      %reduce_sum3A_99 = vector.extract %reduce_sum3A_98[15] : i32 from vector<16xi32>
      %reduce_max3A_100 = arith.constant true
      %reduce_max3A_101 = vector.broadcast %reduce_max3A_100 : i1 to vector<16xi1>
      %reduce_max3A_102 = arith.constant -2147483648 : i32
      %reduce_max3A_103 = vector.broadcast %reduce_max3A_102 : i32 to vector<16xi32>
      %reduce_max3A_104 = arith.xori %sub3A_95, %reduce_max3A_103 : vector<16xi32>
      %reduce_max3A_105 = tpu.scan <max>, %reduce_max3A_104 masked %reduce_max3A_101 : vector<16xi32>, vector<16xi1> -> vector<16xi32>
      %reduce_max3A_106 = arith.xori %reduce_max3A_105, %reduce_max3A_103 : vector<16xi32>
      %reduce_max3A_107 = vector.extract %reduce_max3A_106[15] : i32 from vector<16xi32>
      %add3A_108 = arith.constant 15 : i32
      %add3A_109 = arith.addi %reduce_sum3A_99, %add3A_108 : i32
      %jit3A_110 = arith.constant 16 : i32
      %div3A = arith.divsi %add3A_109, %jit3A_110 : i32
      %sign3A = arith.constant 0 : i32
      %sign3A_111 = arith.cmpi sgt, %add3A_109, %sign3A : i32
      %sign3A_112 = arith.extui %sign3A_111 : i1 to i32
      %sign3A_113 = arith.constant 0 : i32
      %sign3A_114 = arith.cmpi slt, %add3A_109, %sign3A_113 : i32
      %sign3A_115 = arith.extui %sign3A_114 : i1 to i32
      %sign3A_116 = arith.subi %sign3A_112, %sign3A_115 : i32
      %sign3A_117 = arith.constant 0 : i32
      %sign3A_118 = arith.cmpi sgt, %jit3A_110, %sign3A_117 : i32
      %sign3A_119 = arith.extui %sign3A_118 : i1 to i32
      %sign3A_120 = arith.constant 0 : i32
      %sign3A_121 = arith.cmpi slt, %jit3A_110, %sign3A_120 : i32
      %sign3A_122 = arith.extui %sign3A_121 : i1 to i32
      %sign3A_123 = arith.subi %sign3A_119, %sign3A_122 : i32
      %ne3A_124 = arith.cmpi ne, %sign3A_116, %sign3A_123 : i32
      %rem3A = arith.remsi %add3A_109, %jit3A_110 : i32
      %ne3A_125 = arith.constant 0 : i32
      %ne3A_126 = arith.cmpi ne, %rem3A, %ne3A_125 : i32
      %and3A = arith.andi %ne3A_124, %ne3A_126 : i1
      %sub3A_127 = arith.constant 1 : i32
      %sub3A_128 = arith.subi %div3A, %sub3A_127 : i32
      %select_n3A_129 = arith.select %and3A, %sub3A_128, %div3A : i32
      %scan3A_130 = arith.constant 0 : i32
      %scan3A_131 = arith.constant 0 : i32
      %scan3A_132 = arith.constant 64 : i32
      %scan3A_133 = arith.addi %scan3A_131, %scan3A_132 : i32
      %scan3A_134 = arith.constant 1 : i32
      %scan3A_135 = scf.for %scan3A_311 = %scan3A_131 to %scan3A_133 step %scan3A_134 iter_args(%scan3A_312 = %scan3A_130) -> (i32)  : i32 {
        %mul3A_313 = arith.constant 16 : i32
        %mul3A_314 = arith.muli %scan3A_311, %mul3A_313 : i32
        %get3A = arith.index_cast %mul3A_314 : i32 to index
        %get3A_315 = tpu.vector_load %arg15[%get3A] {strides = array<i32>} : memref<1024xi32, #tpu.memory_space<vmem>>, vector<16xi32>,
        %mul3A_316 = arith.constant 16 : i32
        %mul3A_317 = arith.muli %scan3A_311, %mul3A_316 : i32
        %swap3A = arith.index_cast %mul3A_317 : i32 to index
        %swap3A_318 = tpu.vector_load %arg15[%swap3A] {strides = array<i32>} : memref<1024xi32, #tpu.memory_space<vmem>>, vector<16xi32>,
        tpu.vector_store %arg15[%swap3A], %broadcast_in_dim3A_1 {strides = array<i32>} : memref<1024xi32, #tpu.memory_space<vmem>>, vector<16xi32>,
        %broadcast_in_dim3A_319 = arith.constant true
        %broadcast_in_dim3A_320 = vector.broadcast %broadcast_in_dim3A_319 : i1 to vector<16xi1>
        %masked_cumsum3A = tpu.scan <sum>, %get3A_315 masked %broadcast_in_dim3A_320 : vector<16xi32>, vector<16xi1> -> vector<16xi32>
        %sub3A_321 = arith.subi %masked_cumsum3A, %get3A_315 : vector<16xi32>
        %add3A_322 = vector.broadcast %scan3A_312 : i32 to vector<16xi32>
        %add3A_323 = arith.addi %sub3A_321, %add3A_322 : vector<16xi32>
        %mul3A_324 = arith.constant 16 : i32
        %mul3A_325 = arith.muli %scan3A_311, %mul3A_324 : i32
        %swap3A_326 = arith.index_cast %mul3A_325 : i32 to index
        %swap3A_327 = tpu.vector_load %arg17[%swap3A_326] {strides = array<i32>} : memref<1024xi32, #tpu.memory_space<vmem>>, vector<16xi32>,
        tpu.vector_store %arg17[%swap3A_326], %add3A_323 {strides = array<i32>} : memref<1024xi32, #tpu.memory_space<vmem>>, vector<16xi32>,
        %reduce_max3A_328 = arith.constant true
        %reduce_max3A_329 = vector.broadcast %reduce_max3A_328 : i1 to vector<16xi1>
        %reduce_max3A_330 = arith.constant -2147483648 : i32
        %reduce_max3A_331 = vector.broadcast %reduce_max3A_330 : i32 to vector<16xi32>
        %reduce_max3A_332 = arith.xori %masked_cumsum3A, %reduce_max3A_331 : vector<16xi32>
        %reduce_max3A_333 = tpu.scan <max>, %reduce_max3A_332 masked %reduce_max3A_329 : vector<16xi32>, vector<16xi1> -> vector<16xi32>
        %reduce_max3A_334 = arith.xori %reduce_max3A_333, %reduce_max3A_331 : vector<16xi32>
        %reduce_max3A_335 = vector.extract %reduce_max3A_334[15] : i32 from vector<16xi32>
        %add3A_336 = arith.addi %scan3A_312, %reduce_max3A_335 : i32
        scf.yield %add3A_336 : i32
      }
      %scan3A_136 = arith.constant 64 : i32
      %while3A = arith.constant 0 : i32
      %while3A_137 = arith.constant 0 : i32
      %while3A_138 = arith.subi %reduce_max3A_107, %while3A : i32
      %while3A_139 = arith.addi %while3A, %while3A_138 : i32
      %while3A_140 = arith.constant 1 : i32
      %while3A_141 = arith.divsi %while3A_138, %while3A_140 : i32
      %while3A_142 = arith.muli %while3A_141, %while3A_140 : i32
      %while3A_143 = arith.addi %while3A, %while3A_142 : i32
      %while3A_144 = arith.constant 1 : i32
      %while3A_145 = scf.for %while3A_311 = %while3A to %while3A_143 step %while3A_144 iter_args(%while3A_312 = %while3A_137) -> (i32)  : i32 {
        %mul3A_313 = arith.constant 512 : i32
        %mul3A_314 = vector.broadcast %mul3A_313 : i32 to vector<16xi32>
        %mul3A_315 = arith.muli %iota3A, %mul3A_314 : vector<16xi32>
        %add3A_316 = vector.broadcast %while3A_311 : i32 to vector<16xi32>
        %add3A_317 = arith.addi %mul3A_315, %add3A_316 : vector<16xi32>
        %gather3A_318 = tpu.vector_load_idx %arg9[%add3A_317] : memref<8192xi32, #tpu.memory_space<vmem>>[vector<16xi32>], vector<16xi32>,
        %gather3A_319 = tpu.vector_load_idx %arg10[%add3A_317] : memref<8192xi32, #tpu.memory_space<vmem>>[vector<16xi32>], vector<16xi32>,
        %shift_right_logical3A = arith.constant 0 : i32
        %shift_right_logical3A_320 = vector.broadcast %shift_right_logical3A : i32 to vector<16xi32>
        %shift_right_logical3A_321 = arith.shrui %gather3A_318, %shift_right_logical3A_320 : vector<16xi32>
        %and3A_322 = arith.constant 63 : i32
        %and3A_323 = vector.broadcast %and3A_322 : i32 to vector<16xi32>
        %and3A_324 = arith.andi %shift_right_logical3A_321, %and3A_323 : vector<16xi32>
        %xor3A_325 = arith.constant 0 : i32
        %xor3A_326 = vector.broadcast %xor3A_325 : i32 to vector<16xi32>
        %xor3A_327 = arith.xori %and3A_324, %xor3A_326 : vector<16xi32>
        %mul3A_328 = arith.constant 16 : i32
        %mul3A_329 = vector.broadcast %mul3A_328 : i32 to vector<16xi32>
        %mul3A_330 = arith.muli %xor3A_327, %mul3A_329 : vector<16xi32>
        %add3A_331 = arith.addi %mul3A_330, %iota3A : vector<16xi32>
        %gather3A_332 = tpu.vector_load_idx %arg17[%add3A_331] : memref<1024xi32, #tpu.memory_space<vmem>>[vector<16xi32>], vector<16xi32>,
        %lt3A_333 = vector.broadcast %while3A_311 : i32 to vector<16xi32>
        %lt3A_334 = arith.cmpi slt, %lt3A_333, %sub3A_95 : vector<16xi32>
        %add3A_335 = arith.constant 1 : i32
        %add3A_336 = vector.broadcast %add3A_335 : i32 to vector<16xi32>
        %add3A_337 = arith.addi %gather3A_332, %add3A_336 : vector<16xi32>
        tpu.vector_store_idx %arg17[%add3A_331], %add3A_337 masked %lt3A_334 : memref<1024xi32, #tpu.memory_space<vmem>>[vector<16xi32>], vector<16xi32>, vector<16xi1>
        tpu.vector_store_idx %arg11[%gather3A_332], %gather3A_318 masked %lt3A_334 : memref<8192xi32, #tpu.memory_space<vmem>>[vector<16xi32>], vector<16xi32>, vector<16xi1>
        tpu.vector_store_idx %arg12[%gather3A_332], %gather3A_319 masked %lt3A_334 : memref<8192xi32, #tpu.memory_space<vmem>>[vector<16xi32>], vector<16xi32>, vector<16xi1>
        %while3A_338 = arith.constant 0 : i32
        scf.yield %while3A_338 : i32
      }
      %while3A_146 = arith.constant 1 : i32
      %while3A_147 = scf.for %while3A_311 = %while3A_143 to %while3A_139 step %while3A_146 iter_args(%while3A_312 = %while3A_145) -> (i32)  : i32 {
        %mul3A_313 = arith.constant 512 : i32
        %mul3A_314 = vector.broadcast %mul3A_313 : i32 to vector<16xi32>
        %mul3A_315 = arith.muli %iota3A, %mul3A_314 : vector<16xi32>
        %add3A_316 = vector.broadcast %while3A_311 : i32 to vector<16xi32>
        %add3A_317 = arith.addi %mul3A_315, %add3A_316 : vector<16xi32>
        %gather3A_318 = tpu.vector_load_idx %arg9[%add3A_317] : memref<8192xi32, #tpu.memory_space<vmem>>[vector<16xi32>], vector<16xi32>,
        %gather3A_319 = tpu.vector_load_idx %arg10[%add3A_317] : memref<8192xi32, #tpu.memory_space<vmem>>[vector<16xi32>], vector<16xi32>,
        %shift_right_logical3A = arith.constant 0 : i32
        %shift_right_logical3A_320 = vector.broadcast %shift_right_logical3A : i32 to vector<16xi32>
        %shift_right_logical3A_321 = arith.shrui %gather3A_318, %shift_right_logical3A_320 : vector<16xi32>
        %and3A_322 = arith.constant 63 : i32
        %and3A_323 = vector.broadcast %and3A_322 : i32 to vector<16xi32>
        %and3A_324 = arith.andi %shift_right_logical3A_321, %and3A_323 : vector<16xi32>
        %xor3A_325 = arith.constant 0 : i32
        %xor3A_326 = vector.broadcast %xor3A_325 : i32 to vector<16xi32>
        %xor3A_327 = arith.xori %and3A_324, %xor3A_326 : vector<16xi32>
        %mul3A_328 = arith.constant 16 : i32
        %mul3A_329 = vector.broadcast %mul3A_328 : i32 to vector<16xi32>
        %mul3A_330 = arith.muli %xor3A_327, %mul3A_329 : vector<16xi32>
        %add3A_331 = arith.addi %mul3A_330, %iota3A : vector<16xi32>
        %gather3A_332 = tpu.vector_load_idx %arg17[%add3A_331] : memref<1024xi32, #tpu.memory_space<vmem>>[vector<16xi32>], vector<16xi32>,
        %lt3A_333 = vector.broadcast %while3A_311 : i32 to vector<16xi32>
        %lt3A_334 = arith.cmpi slt, %lt3A_333, %sub3A_95 : vector<16xi32>
        %add3A_335 = arith.constant 1 : i32
        %add3A_336 = vector.broadcast %add3A_335 : i32 to vector<16xi32>
        %add3A_337 = arith.addi %gather3A_332, %add3A_336 : vector<16xi32>
        tpu.vector_store_idx %arg17[%add3A_331], %add3A_337 masked %lt3A_334 : memref<1024xi32, #tpu.memory_space<vmem>>[vector<16xi32>], vector<16xi32>, vector<16xi1>
        tpu.vector_store_idx %arg11[%gather3A_332], %gather3A_318 masked %lt3A_334 : memref<8192xi32, #tpu.memory_space<vmem>>[vector<16xi32>], vector<16xi32>, vector<16xi1>
        tpu.vector_store_idx %arg12[%gather3A_332], %gather3A_319 masked %lt3A_334 : memref<8192xi32, #tpu.memory_space<vmem>>[vector<16xi32>], vector<16xi32>, vector<16xi1>
        %while3A_338 = arith.constant 0 : i32
        scf.yield %while3A_338 : i32
      }
      %add3A_148 = vector.broadcast %reduce_sum3A_99 : i32 to vector<16xi32>
      %add3A_149 = arith.addi %add3A_148, %iota3A : vector<16xi32>
      %mul3A_150 = arith.constant 16 : i32
      %mul3A_151 = arith.muli %select_n3A_129, %mul3A_150 : i32
      %lt3A = vector.broadcast %mul3A_151 : i32 to vector<16xi32>
      %lt3A_152 = arith.cmpi slt, %add3A_149, %lt3A : vector<16xi32>
      %broadcast_in_dim3A_153 = arith.constant 2147483647 : i32
      %broadcast_in_dim3A_154 = vector.broadcast %broadcast_in_dim3A_153 : i32 to vector<16xi32>
      tpu.vector_store_idx %arg11[%add3A_149], %broadcast_in_dim3A_154 masked %lt3A_152 : memref<8192xi32, #tpu.memory_space<vmem>>[vector<16xi32>], vector<16xi32>, vector<16xi1>
      tpu.vector_store_idx %arg12[%add3A_149], %broadcast_in_dim3A_1 masked %lt3A_152 : memref<8192xi32, #tpu.memory_space<vmem>>[vector<16xi32>], vector<16xi32>, vector<16xi1>
      %while3A_155 = arith.constant 0 : i32
      %while3A_156 = arith.constant 0 : i32
      %while3A_157 = arith.subi %select_n3A_129, %while3A_155 : i32
      %while3A_158 = arith.addi %while3A_155, %while3A_157 : i32
      %while3A_159 = arith.constant 1 : i32
      %while3A_160 = arith.divsi %while3A_157, %while3A_159 : i32
      %while3A_161 = arith.muli %while3A_160, %while3A_159 : i32
      %while3A_162 = arith.addi %while3A_155, %while3A_161 : i32
      %while3A_163 = arith.constant 1 : i32
      %while3A_164 = scf.for %while3A_311 = %while3A_155 to %while3A_162 step %while3A_163 iter_args(%while3A_312 = %while3A_156) -> (i32)  : i32 {
        %mul3A_313 = vector.broadcast %select_n3A_129 : i32 to vector<16xi32>
        %mul3A_314 = arith.muli %iota3A, %mul3A_313 : vector<16xi32>
        %add3A_315 = vector.broadcast %while3A_311 : i32 to vector<16xi32>
        %add3A_316 = arith.addi %mul3A_314, %add3A_315 : vector<16xi32>
        %gather3A_317 = tpu.vector_load_idx %arg11[%add3A_316] : memref<8192xi32, #tpu.memory_space<vmem>>[vector<16xi32>], vector<16xi32>,
        %shift_right_logical3A = arith.constant 6 : i32
        %shift_right_logical3A_318 = vector.broadcast %shift_right_logical3A : i32 to vector<16xi32>
        %shift_right_logical3A_319 = arith.shrui %gather3A_317, %shift_right_logical3A_318 : vector<16xi32>
        %and3A_320 = arith.constant 31 : i32
        %and3A_321 = vector.broadcast %and3A_320 : i32 to vector<16xi32>
        %and3A_322 = arith.andi %shift_right_logical3A_319, %and3A_321 : vector<16xi32>
        %xor3A_323 = arith.constant 0 : i32
        %xor3A_324 = vector.broadcast %xor3A_323 : i32 to vector<16xi32>
        %xor3A_325 = arith.xori %and3A_322, %xor3A_324 : vector<16xi32>
        %mul3A_326 = arith.constant 16 : i32
        %mul3A_327 = vector.broadcast %mul3A_326 : i32 to vector<16xi32>
        %mul3A_328 = arith.muli %xor3A_325, %mul3A_327 : vector<16xi32>
        %add3A_329 = arith.addi %mul3A_328, %iota3A : vector<16xi32>
        tpu.vector_store_idx %arg16[%add3A_329], %broadcast_in_dim3A_3 {add = true} : memref<1024xi32, #tpu.memory_space<vmem>>[vector<16xi32>], vector<16xi32>,
        %while3A_330 = arith.constant 0 : i32
        scf.yield %while3A_330 : i32
      }
      %while3A_165 = arith.constant 1 : i32
      %while3A_166 = scf.for %while3A_311 = %while3A_162 to %while3A_158 step %while3A_165 iter_args(%while3A_312 = %while3A_164) -> (i32)  : i32 {
        %mul3A_313 = vector.broadcast %select_n3A_129 : i32 to vector<16xi32>
        %mul3A_314 = arith.muli %iota3A, %mul3A_313 : vector<16xi32>
        %add3A_315 = vector.broadcast %while3A_311 : i32 to vector<16xi32>
        %add3A_316 = arith.addi %mul3A_314, %add3A_315 : vector<16xi32>
        %gather3A_317 = tpu.vector_load_idx %arg11[%add3A_316] : memref<8192xi32, #tpu.memory_space<vmem>>[vector<16xi32>], vector<16xi32>,
        %shift_right_logical3A = arith.constant 6 : i32
        %shift_right_logical3A_318 = vector.broadcast %shift_right_logical3A : i32 to vector<16xi32>
        %shift_right_logical3A_319 = arith.shrui %gather3A_317, %shift_right_logical3A_318 : vector<16xi32>
        %and3A_320 = arith.constant 31 : i32
        %and3A_321 = vector.broadcast %and3A_320 : i32 to vector<16xi32>
        %and3A_322 = arith.andi %shift_right_logical3A_319, %and3A_321 : vector<16xi32>
        %xor3A_323 = arith.constant 0 : i32
        %xor3A_324 = vector.broadcast %xor3A_323 : i32 to vector<16xi32>
        %xor3A_325 = arith.xori %and3A_322, %xor3A_324 : vector<16xi32>
        %mul3A_326 = arith.constant 16 : i32
        %mul3A_327 = vector.broadcast %mul3A_326 : i32 to vector<16xi32>
        %mul3A_328 = arith.muli %xor3A_325, %mul3A_327 : vector<16xi32>
        %add3A_329 = arith.addi %mul3A_328, %iota3A : vector<16xi32>
        tpu.vector_store_idx %arg16[%add3A_329], %broadcast_in_dim3A_3 {add = true} : memref<1024xi32, #tpu.memory_space<vmem>>[vector<16xi32>], vector<16xi32>,
        %while3A_330 = arith.constant 0 : i32
        scf.yield %while3A_330 : i32
      }
      %scan3A_167 = arith.constant 0 : i32
      %scan3A_168 = arith.constant 0 : i32
      %scan3A_169 = arith.constant 32 : i32
      %scan3A_170 = arith.addi %scan3A_168, %scan3A_169 : i32
      %scan3A_171 = arith.constant 1 : i32
      %scan3A_172 = scf.for %scan3A_311 = %scan3A_168 to %scan3A_170 step %scan3A_171 iter_args(%scan3A_312 = %scan3A_167) -> (i32)  : i32 {
        %mul3A_313 = arith.constant 16 : i32
        %mul3A_314 = arith.muli %scan3A_311, %mul3A_313 : i32
        %get3A = arith.index_cast %mul3A_314 : i32 to index
        %get3A_315 = tpu.vector_load %arg16[%get3A] {strides = array<i32>} : memref<1024xi32, #tpu.memory_space<vmem>>, vector<16xi32>,
        %mul3A_316 = arith.constant 16 : i32
        %mul3A_317 = arith.muli %scan3A_311, %mul3A_316 : i32
        %swap3A = arith.index_cast %mul3A_317 : i32 to index
        %swap3A_318 = tpu.vector_load %arg16[%swap3A] {strides = array<i32>} : memref<1024xi32, #tpu.memory_space<vmem>>, vector<16xi32>,
        tpu.vector_store %arg16[%swap3A], %broadcast_in_dim3A_1 {strides = array<i32>} : memref<1024xi32, #tpu.memory_space<vmem>>, vector<16xi32>,
        %broadcast_in_dim3A_319 = arith.constant true
        %broadcast_in_dim3A_320 = vector.broadcast %broadcast_in_dim3A_319 : i1 to vector<16xi1>
        %masked_cumsum3A = tpu.scan <sum>, %get3A_315 masked %broadcast_in_dim3A_320 : vector<16xi32>, vector<16xi1> -> vector<16xi32>
        %sub3A_321 = arith.subi %masked_cumsum3A, %get3A_315 : vector<16xi32>
        %add3A_322 = vector.broadcast %scan3A_312 : i32 to vector<16xi32>
        %add3A_323 = arith.addi %sub3A_321, %add3A_322 : vector<16xi32>
        %mul3A_324 = arith.constant 16 : i32
        %mul3A_325 = arith.muli %scan3A_311, %mul3A_324 : i32
        %swap3A_326 = arith.index_cast %mul3A_325 : i32 to index
        %swap3A_327 = tpu.vector_load %arg17[%swap3A_326] {strides = array<i32>} : memref<1024xi32, #tpu.memory_space<vmem>>, vector<16xi32>,
        tpu.vector_store %arg17[%swap3A_326], %add3A_323 {strides = array<i32>} : memref<1024xi32, #tpu.memory_space<vmem>>, vector<16xi32>,
        %reduce_max3A_328 = arith.constant true
        %reduce_max3A_329 = vector.broadcast %reduce_max3A_328 : i1 to vector<16xi1>
        %reduce_max3A_330 = arith.constant -2147483648 : i32
        %reduce_max3A_331 = vector.broadcast %reduce_max3A_330 : i32 to vector<16xi32>
        %reduce_max3A_332 = arith.xori %masked_cumsum3A, %reduce_max3A_331 : vector<16xi32>
        %reduce_max3A_333 = tpu.scan <max>, %reduce_max3A_332 masked %reduce_max3A_329 : vector<16xi32>, vector<16xi1> -> vector<16xi32>
        %reduce_max3A_334 = arith.xori %reduce_max3A_333, %reduce_max3A_331 : vector<16xi32>
        %reduce_max3A_335 = vector.extract %reduce_max3A_334[15] : i32 from vector<16xi32>
        %add3A_336 = arith.addi %scan3A_312, %reduce_max3A_335 : i32
        scf.yield %add3A_336 : i32
      }
      %scan3A_173 = arith.constant 32 : i32
      %while3A_174 = arith.constant 0 : i32
      %while3A_175 = arith.constant 0 : i32
      %while3A_176 = arith.subi %select_n3A_129, %while3A_174 : i32
      %while3A_177 = arith.addi %while3A_174, %while3A_176 : i32
      %while3A_178 = arith.constant 1 : i32
      %while3A_179 = arith.divsi %while3A_176, %while3A_178 : i32
      %while3A_180 = arith.muli %while3A_179, %while3A_178 : i32
      %while3A_181 = arith.addi %while3A_174, %while3A_180 : i32
      %while3A_182 = arith.constant 1 : i32
      %while3A_183 = scf.for %while3A_311 = %while3A_174 to %while3A_181 step %while3A_182 iter_args(%while3A_312 = %while3A_175) -> (i32)  : i32 {
        %mul3A_313 = vector.broadcast %select_n3A_129 : i32 to vector<16xi32>
        %mul3A_314 = arith.muli %iota3A, %mul3A_313 : vector<16xi32>
        %add3A_315 = vector.broadcast %while3A_311 : i32 to vector<16xi32>
        %add3A_316 = arith.addi %mul3A_314, %add3A_315 : vector<16xi32>
        %gather3A_317 = tpu.vector_load_idx %arg11[%add3A_316] : memref<8192xi32, #tpu.memory_space<vmem>>[vector<16xi32>], vector<16xi32>,
        %gather3A_318 = tpu.vector_load_idx %arg12[%add3A_316] : memref<8192xi32, #tpu.memory_space<vmem>>[vector<16xi32>], vector<16xi32>,
        %shift_right_logical3A = arith.constant 6 : i32
        %shift_right_logical3A_319 = vector.broadcast %shift_right_logical3A : i32 to vector<16xi32>
        %shift_right_logical3A_320 = arith.shrui %gather3A_317, %shift_right_logical3A_319 : vector<16xi32>
        %and3A_321 = arith.constant 31 : i32
        %and3A_322 = vector.broadcast %and3A_321 : i32 to vector<16xi32>
        %and3A_323 = arith.andi %shift_right_logical3A_320, %and3A_322 : vector<16xi32>
        %xor3A_324 = arith.constant 0 : i32
        %xor3A_325 = vector.broadcast %xor3A_324 : i32 to vector<16xi32>
        %xor3A_326 = arith.xori %and3A_323, %xor3A_325 : vector<16xi32>
        %mul3A_327 = arith.constant 16 : i32
        %mul3A_328 = vector.broadcast %mul3A_327 : i32 to vector<16xi32>
        %mul3A_329 = arith.muli %xor3A_326, %mul3A_328 : vector<16xi32>
        %add3A_330 = arith.addi %mul3A_329, %iota3A : vector<16xi32>
        %gather3A_331 = tpu.vector_load_idx %arg17[%add3A_330] : memref<1024xi32, #tpu.memory_space<vmem>>[vector<16xi32>], vector<16xi32>,
        %add3A_332 = arith.constant 1 : i32
        %add3A_333 = vector.broadcast %add3A_332 : i32 to vector<16xi32>
        %add3A_334 = arith.addi %gather3A_331, %add3A_333 : vector<16xi32>
        tpu.vector_store_idx %arg17[%add3A_330], %add3A_334 : memref<1024xi32, #tpu.memory_space<vmem>>[vector<16xi32>], vector<16xi32>,
        tpu.vector_store_idx %arg9[%gather3A_331], %gather3A_317 : memref<8192xi32, #tpu.memory_space<vmem>>[vector<16xi32>], vector<16xi32>,
        tpu.vector_store_idx %arg10[%gather3A_331], %gather3A_318 : memref<8192xi32, #tpu.memory_space<vmem>>[vector<16xi32>], vector<16xi32>,
        %while3A_335 = arith.constant 0 : i32
        scf.yield %while3A_335 : i32
      }
      %while3A_184 = arith.constant 1 : i32
      %while3A_185 = scf.for %while3A_311 = %while3A_181 to %while3A_177 step %while3A_184 iter_args(%while3A_312 = %while3A_183) -> (i32)  : i32 {
        %mul3A_313 = vector.broadcast %select_n3A_129 : i32 to vector<16xi32>
        %mul3A_314 = arith.muli %iota3A, %mul3A_313 : vector<16xi32>
        %add3A_315 = vector.broadcast %while3A_311 : i32 to vector<16xi32>
        %add3A_316 = arith.addi %mul3A_314, %add3A_315 : vector<16xi32>
        %gather3A_317 = tpu.vector_load_idx %arg11[%add3A_316] : memref<8192xi32, #tpu.memory_space<vmem>>[vector<16xi32>], vector<16xi32>,
        %gather3A_318 = tpu.vector_load_idx %arg12[%add3A_316] : memref<8192xi32, #tpu.memory_space<vmem>>[vector<16xi32>], vector<16xi32>,
        %shift_right_logical3A = arith.constant 6 : i32
        %shift_right_logical3A_319 = vector.broadcast %shift_right_logical3A : i32 to vector<16xi32>
        %shift_right_logical3A_320 = arith.shrui %gather3A_317, %shift_right_logical3A_319 : vector<16xi32>
        %and3A_321 = arith.constant 31 : i32
        %and3A_322 = vector.broadcast %and3A_321 : i32 to vector<16xi32>
        %and3A_323 = arith.andi %shift_right_logical3A_320, %and3A_322 : vector<16xi32>
        %xor3A_324 = arith.constant 0 : i32
        %xor3A_325 = vector.broadcast %xor3A_324 : i32 to vector<16xi32>
        %xor3A_326 = arith.xori %and3A_323, %xor3A_325 : vector<16xi32>
        %mul3A_327 = arith.constant 16 : i32
        %mul3A_328 = vector.broadcast %mul3A_327 : i32 to vector<16xi32>
        %mul3A_329 = arith.muli %xor3A_326, %mul3A_328 : vector<16xi32>
        %add3A_330 = arith.addi %mul3A_329, %iota3A : vector<16xi32>
        %gather3A_331 = tpu.vector_load_idx %arg17[%add3A_330] : memref<1024xi32, #tpu.memory_space<vmem>>[vector<16xi32>], vector<16xi32>,
        %add3A_332 = arith.constant 1 : i32
        %add3A_333 = vector.broadcast %add3A_332 : i32 to vector<16xi32>
        %add3A_334 = arith.addi %gather3A_331, %add3A_333 : vector<16xi32>
        tpu.vector_store_idx %arg17[%add3A_330], %add3A_334 : memref<1024xi32, #tpu.memory_space<vmem>>[vector<16xi32>], vector<16xi32>,
        tpu.vector_store_idx %arg9[%gather3A_331], %gather3A_317 : memref<8192xi32, #tpu.memory_space<vmem>>[vector<16xi32>], vector<16xi32>,
        tpu.vector_store_idx %arg10[%gather3A_331], %gather3A_318 : memref<8192xi32, #tpu.memory_space<vmem>>[vector<16xi32>], vector<16xi32>,
        %while3A_335 = arith.constant 0 : i32
        scf.yield %while3A_335 : i32
      }
      %while3A_186 = arith.constant 0 : i32
      %while3A_187 = arith.constant 0 : i32
      %while3A_188 = arith.subi %select_n3A_129, %while3A_186 : i32
      %while3A_189 = arith.addi %while3A_186, %while3A_188 : i32
      %while3A_190 = arith.constant 1 : i32
      %while3A_191 = arith.divsi %while3A_188, %while3A_190 : i32
      %while3A_192 = arith.muli %while3A_191, %while3A_190 : i32
      %while3A_193 = arith.addi %while3A_186, %while3A_192 : i32
      %while3A_194 = arith.constant 1 : i32
      %while3A_195 = scf.for %while3A_311 = %while3A_186 to %while3A_193 step %while3A_194 iter_args(%while3A_312 = %while3A_187) -> (i32)  : i32 {
        %mul3A_313 = vector.broadcast %select_n3A_129 : i32 to vector<16xi32>
        %mul3A_314 = arith.muli %iota3A, %mul3A_313 : vector<16xi32>
        %add3A_315 = vector.broadcast %while3A_311 : i32 to vector<16xi32>
        %add3A_316 = arith.addi %mul3A_314, %add3A_315 : vector<16xi32>
        %gather3A_317 = tpu.vector_load_idx %arg9[%add3A_316] : memref<8192xi32, #tpu.memory_space<vmem>>[vector<16xi32>], vector<16xi32>,
        %shift_right_logical3A = arith.constant 11 : i32
        %shift_right_logical3A_318 = vector.broadcast %shift_right_logical3A : i32 to vector<16xi32>
        %shift_right_logical3A_319 = arith.shrui %gather3A_317, %shift_right_logical3A_318 : vector<16xi32>
        %and3A_320 = arith.constant 31 : i32
        %and3A_321 = vector.broadcast %and3A_320 : i32 to vector<16xi32>
        %and3A_322 = arith.andi %shift_right_logical3A_319, %and3A_321 : vector<16xi32>
        %xor3A_323 = arith.constant 0 : i32
        %xor3A_324 = vector.broadcast %xor3A_323 : i32 to vector<16xi32>
        %xor3A_325 = arith.xori %and3A_322, %xor3A_324 : vector<16xi32>
        %mul3A_326 = arith.constant 16 : i32
        %mul3A_327 = vector.broadcast %mul3A_326 : i32 to vector<16xi32>
        %mul3A_328 = arith.muli %xor3A_325, %mul3A_327 : vector<16xi32>
        %add3A_329 = arith.addi %mul3A_328, %iota3A : vector<16xi32>
        tpu.vector_store_idx %arg15[%add3A_329], %broadcast_in_dim3A_3 {add = true} : memref<1024xi32, #tpu.memory_space<vmem>>[vector<16xi32>], vector<16xi32>,
        %while3A_330 = arith.constant 0 : i32
        scf.yield %while3A_330 : i32
      }
      %while3A_196 = arith.constant 1 : i32
      %while3A_197 = scf.for %while3A_311 = %while3A_193 to %while3A_189 step %while3A_196 iter_args(%while3A_312 = %while3A_195) -> (i32)  : i32 {
        %mul3A_313 = vector.broadcast %select_n3A_129 : i32 to vector<16xi32>
        %mul3A_314 = arith.muli %iota3A, %mul3A_313 : vector<16xi32>
        %add3A_315 = vector.broadcast %while3A_311 : i32 to vector<16xi32>
        %add3A_316 = arith.addi %mul3A_314, %add3A_315 : vector<16xi32>
        %gather3A_317 = tpu.vector_load_idx %arg9[%add3A_316] : memref<8192xi32, #tpu.memory_space<vmem>>[vector<16xi32>], vector<16xi32>,
        %shift_right_logical3A = arith.constant 11 : i32
        %shift_right_logical3A_318 = vector.broadcast %shift_right_logical3A : i32 to vector<16xi32>
        %shift_right_logical3A_319 = arith.shrui %gather3A_317, %shift_right_logical3A_318 : vector<16xi32>
        %and3A_320 = arith.constant 31 : i32
        %and3A_321 = vector.broadcast %and3A_320 : i32 to vector<16xi32>
        %and3A_322 = arith.andi %shift_right_logical3A_319, %and3A_321 : vector<16xi32>
        %xor3A_323 = arith.constant 0 : i32
        %xor3A_324 = vector.broadcast %xor3A_323 : i32 to vector<16xi32>
        %xor3A_325 = arith.xori %and3A_322, %xor3A_324 : vector<16xi32>
        %mul3A_326 = arith.constant 16 : i32
        %mul3A_327 = vector.broadcast %mul3A_326 : i32 to vector<16xi32>
        %mul3A_328 = arith.muli %xor3A_325, %mul3A_327 : vector<16xi32>
        %add3A_329 = arith.addi %mul3A_328, %iota3A : vector<16xi32>
        tpu.vector_store_idx %arg15[%add3A_329], %broadcast_in_dim3A_3 {add = true} : memref<1024xi32, #tpu.memory_space<vmem>>[vector<16xi32>], vector<16xi32>,
        %while3A_330 = arith.constant 0 : i32
        scf.yield %while3A_330 : i32
      }
      %scan3A_198 = arith.constant 0 : i32
      %scan3A_199 = arith.constant 0 : i32
      %scan3A_200 = arith.constant 32 : i32
      %scan3A_201 = arith.addi %scan3A_199, %scan3A_200 : i32
      %scan3A_202 = arith.constant 1 : i32
      %scan3A_203 = scf.for %scan3A_311 = %scan3A_199 to %scan3A_201 step %scan3A_202 iter_args(%scan3A_312 = %scan3A_198) -> (i32)  : i32 {
        %mul3A_313 = arith.constant 16 : i32
        %mul3A_314 = arith.muli %scan3A_311, %mul3A_313 : i32
        %get3A = arith.index_cast %mul3A_314 : i32 to index
        %get3A_315 = tpu.vector_load %arg15[%get3A] {strides = array<i32>} : memref<1024xi32, #tpu.memory_space<vmem>>, vector<16xi32>,
        %mul3A_316 = arith.constant 16 : i32
        %mul3A_317 = arith.muli %scan3A_311, %mul3A_316 : i32
        %swap3A = arith.index_cast %mul3A_317 : i32 to index
        %swap3A_318 = tpu.vector_load %arg15[%swap3A] {strides = array<i32>} : memref<1024xi32, #tpu.memory_space<vmem>>, vector<16xi32>,
        tpu.vector_store %arg15[%swap3A], %broadcast_in_dim3A_1 {strides = array<i32>} : memref<1024xi32, #tpu.memory_space<vmem>>, vector<16xi32>,
        %broadcast_in_dim3A_319 = arith.constant true
        %broadcast_in_dim3A_320 = vector.broadcast %broadcast_in_dim3A_319 : i1 to vector<16xi1>
        %masked_cumsum3A = tpu.scan <sum>, %get3A_315 masked %broadcast_in_dim3A_320 : vector<16xi32>, vector<16xi1> -> vector<16xi32>
        %sub3A_321 = arith.subi %masked_cumsum3A, %get3A_315 : vector<16xi32>
        %add3A_322 = vector.broadcast %scan3A_312 : i32 to vector<16xi32>
        %add3A_323 = arith.addi %sub3A_321, %add3A_322 : vector<16xi32>
        %mul3A_324 = arith.constant 16 : i32
        %mul3A_325 = arith.muli %scan3A_311, %mul3A_324 : i32
        %swap3A_326 = arith.index_cast %mul3A_325 : i32 to index
        %swap3A_327 = tpu.vector_load %arg17[%swap3A_326] {strides = array<i32>} : memref<1024xi32, #tpu.memory_space<vmem>>, vector<16xi32>,
        tpu.vector_store %arg17[%swap3A_326], %add3A_323 {strides = array<i32>} : memref<1024xi32, #tpu.memory_space<vmem>>, vector<16xi32>,
        %reduce_max3A_328 = arith.constant true
        %reduce_max3A_329 = vector.broadcast %reduce_max3A_328 : i1 to vector<16xi1>
        %reduce_max3A_330 = arith.constant -2147483648 : i32
        %reduce_max3A_331 = vector.broadcast %reduce_max3A_330 : i32 to vector<16xi32>
        %reduce_max3A_332 = arith.xori %masked_cumsum3A, %reduce_max3A_331 : vector<16xi32>
        %reduce_max3A_333 = tpu.scan <max>, %reduce_max3A_332 masked %reduce_max3A_329 : vector<16xi32>, vector<16xi1> -> vector<16xi32>
        %reduce_max3A_334 = arith.xori %reduce_max3A_333, %reduce_max3A_331 : vector<16xi32>
        %reduce_max3A_335 = vector.extract %reduce_max3A_334[15] : i32 from vector<16xi32>
        %add3A_336 = arith.addi %scan3A_312, %reduce_max3A_335 : i32
        scf.yield %add3A_336 : i32
      }
      %scan3A_204 = arith.constant 32 : i32
      %while3A_205 = arith.constant 0 : i32
      %while3A_206 = arith.constant 0 : i32
      %while3A_207 = arith.subi %select_n3A_129, %while3A_205 : i32
      %while3A_208 = arith.addi %while3A_205, %while3A_207 : i32
      %while3A_209 = arith.constant 1 : i32
      %while3A_210 = arith.divsi %while3A_207, %while3A_209 : i32
      %while3A_211 = arith.muli %while3A_210, %while3A_209 : i32
      %while3A_212 = arith.addi %while3A_205, %while3A_211 : i32
      %while3A_213 = arith.constant 1 : i32
      %while3A_214 = scf.for %while3A_311 = %while3A_205 to %while3A_212 step %while3A_213 iter_args(%while3A_312 = %while3A_206) -> (i32)  : i32 {
        %mul3A_313 = vector.broadcast %select_n3A_129 : i32 to vector<16xi32>
        %mul3A_314 = arith.muli %iota3A, %mul3A_313 : vector<16xi32>
        %add3A_315 = vector.broadcast %while3A_311 : i32 to vector<16xi32>
        %add3A_316 = arith.addi %mul3A_314, %add3A_315 : vector<16xi32>
        %gather3A_317 = tpu.vector_load_idx %arg9[%add3A_316] : memref<8192xi32, #tpu.memory_space<vmem>>[vector<16xi32>], vector<16xi32>,
        %gather3A_318 = tpu.vector_load_idx %arg10[%add3A_316] : memref<8192xi32, #tpu.memory_space<vmem>>[vector<16xi32>], vector<16xi32>,
        %shift_right_logical3A = arith.constant 11 : i32
        %shift_right_logical3A_319 = vector.broadcast %shift_right_logical3A : i32 to vector<16xi32>
        %shift_right_logical3A_320 = arith.shrui %gather3A_317, %shift_right_logical3A_319 : vector<16xi32>
        %and3A_321 = arith.constant 31 : i32
        %and3A_322 = vector.broadcast %and3A_321 : i32 to vector<16xi32>
        %and3A_323 = arith.andi %shift_right_logical3A_320, %and3A_322 : vector<16xi32>
        %xor3A_324 = arith.constant 0 : i32
        %xor3A_325 = vector.broadcast %xor3A_324 : i32 to vector<16xi32>
        %xor3A_326 = arith.xori %and3A_323, %xor3A_325 : vector<16xi32>
        %mul3A_327 = arith.constant 16 : i32
        %mul3A_328 = vector.broadcast %mul3A_327 : i32 to vector<16xi32>
        %mul3A_329 = arith.muli %xor3A_326, %mul3A_328 : vector<16xi32>
        %add3A_330 = arith.addi %mul3A_329, %iota3A : vector<16xi32>
        %gather3A_331 = tpu.vector_load_idx %arg17[%add3A_330] : memref<1024xi32, #tpu.memory_space<vmem>>[vector<16xi32>], vector<16xi32>,
        %add3A_332 = arith.constant 1 : i32
        %add3A_333 = vector.broadcast %add3A_332 : i32 to vector<16xi32>
        %add3A_334 = arith.addi %gather3A_331, %add3A_333 : vector<16xi32>
        tpu.vector_store_idx %arg17[%add3A_330], %add3A_334 : memref<1024xi32, #tpu.memory_space<vmem>>[vector<16xi32>], vector<16xi32>,
        tpu.vector_store_idx %arg11[%gather3A_331], %gather3A_317 : memref<8192xi32, #tpu.memory_space<vmem>>[vector<16xi32>], vector<16xi32>,
        tpu.vector_store_idx %arg12[%gather3A_331], %gather3A_318 : memref<8192xi32, #tpu.memory_space<vmem>>[vector<16xi32>], vector<16xi32>,
        %while3A_335 = arith.constant 0 : i32
        scf.yield %while3A_335 : i32
      }
      %while3A_215 = arith.constant 1 : i32
      %while3A_216 = scf.for %while3A_311 = %while3A_212 to %while3A_208 step %while3A_215 iter_args(%while3A_312 = %while3A_214) -> (i32)  : i32 {
        %mul3A_313 = vector.broadcast %select_n3A_129 : i32 to vector<16xi32>
        %mul3A_314 = arith.muli %iota3A, %mul3A_313 : vector<16xi32>
        %add3A_315 = vector.broadcast %while3A_311 : i32 to vector<16xi32>
        %add3A_316 = arith.addi %mul3A_314, %add3A_315 : vector<16xi32>
        %gather3A_317 = tpu.vector_load_idx %arg9[%add3A_316] : memref<8192xi32, #tpu.memory_space<vmem>>[vector<16xi32>], vector<16xi32>,
        %gather3A_318 = tpu.vector_load_idx %arg10[%add3A_316] : memref<8192xi32, #tpu.memory_space<vmem>>[vector<16xi32>], vector<16xi32>,
        %shift_right_logical3A = arith.constant 11 : i32
        %shift_right_logical3A_319 = vector.broadcast %shift_right_logical3A : i32 to vector<16xi32>
        %shift_right_logical3A_320 = arith.shrui %gather3A_317, %shift_right_logical3A_319 : vector<16xi32>
        %and3A_321 = arith.constant 31 : i32
        %and3A_322 = vector.broadcast %and3A_321 : i32 to vector<16xi32>
        %and3A_323 = arith.andi %shift_right_logical3A_320, %and3A_322 : vector<16xi32>
        %xor3A_324 = arith.constant 0 : i32
        %xor3A_325 = vector.broadcast %xor3A_324 : i32 to vector<16xi32>
        %xor3A_326 = arith.xori %and3A_323, %xor3A_325 : vector<16xi32>
        %mul3A_327 = arith.constant 16 : i32
        %mul3A_328 = vector.broadcast %mul3A_327 : i32 to vector<16xi32>
        %mul3A_329 = arith.muli %xor3A_326, %mul3A_328 : vector<16xi32>
        %add3A_330 = arith.addi %mul3A_329, %iota3A : vector<16xi32>
        %gather3A_331 = tpu.vector_load_idx %arg17[%add3A_330] : memref<1024xi32, #tpu.memory_space<vmem>>[vector<16xi32>], vector<16xi32>,
        %add3A_332 = arith.constant 1 : i32
        %add3A_333 = vector.broadcast %add3A_332 : i32 to vector<16xi32>
        %add3A_334 = arith.addi %gather3A_331, %add3A_333 : vector<16xi32>
        tpu.vector_store_idx %arg17[%add3A_330], %add3A_334 : memref<1024xi32, #tpu.memory_space<vmem>>[vector<16xi32>], vector<16xi32>,
        tpu.vector_store_idx %arg11[%gather3A_331], %gather3A_317 : memref<8192xi32, #tpu.memory_space<vmem>>[vector<16xi32>], vector<16xi32>,
        tpu.vector_store_idx %arg12[%gather3A_331], %gather3A_318 : memref<8192xi32, #tpu.memory_space<vmem>>[vector<16xi32>], vector<16xi32>,
        %while3A_335 = arith.constant 0 : i32
        scf.yield %while3A_335 : i32
      }
      %while3A_217 = arith.constant 0 : i32
      %while3A_218 = arith.constant 0 : i32
      %while3A_219 = arith.subi %select_n3A_129, %while3A_217 : i32
      %while3A_220 = arith.addi %while3A_217, %while3A_219 : i32
      %while3A_221 = arith.constant 1 : i32
      %while3A_222 = arith.divsi %while3A_219, %while3A_221 : i32
      %while3A_223 = arith.muli %while3A_222, %while3A_221 : i32
      %while3A_224 = arith.addi %while3A_217, %while3A_223 : i32
      %while3A_225 = arith.constant 1 : i32
      %while3A_226 = scf.for %while3A_311 = %while3A_217 to %while3A_224 step %while3A_225 iter_args(%while3A_312 = %while3A_218) -> (i32)  : i32 {
        %mul3A_313 = vector.broadcast %select_n3A_129 : i32 to vector<16xi32>
        %mul3A_314 = arith.muli %iota3A, %mul3A_313 : vector<16xi32>
        %add3A_315 = vector.broadcast %while3A_311 : i32 to vector<16xi32>
        %add3A_316 = arith.addi %mul3A_314, %add3A_315 : vector<16xi32>
        %gather3A_317 = tpu.vector_load_idx %arg11[%add3A_316] : memref<8192xi32, #tpu.memory_space<vmem>>[vector<16xi32>], vector<16xi32>,
        %shift_right_logical3A = arith.constant 16 : i32
        %shift_right_logical3A_318 = vector.broadcast %shift_right_logical3A : i32 to vector<16xi32>
        %shift_right_logical3A_319 = arith.shrui %gather3A_317, %shift_right_logical3A_318 : vector<16xi32>
        %and3A_320 = arith.constant 31 : i32
        %and3A_321 = vector.broadcast %and3A_320 : i32 to vector<16xi32>
        %and3A_322 = arith.andi %shift_right_logical3A_319, %and3A_321 : vector<16xi32>
        %xor3A_323 = arith.constant 0 : i32
        %xor3A_324 = vector.broadcast %xor3A_323 : i32 to vector<16xi32>
        %xor3A_325 = arith.xori %and3A_322, %xor3A_324 : vector<16xi32>
        %mul3A_326 = arith.constant 16 : i32
        %mul3A_327 = vector.broadcast %mul3A_326 : i32 to vector<16xi32>
        %mul3A_328 = arith.muli %xor3A_325, %mul3A_327 : vector<16xi32>
        %add3A_329 = arith.addi %mul3A_328, %iota3A : vector<16xi32>
        tpu.vector_store_idx %arg16[%add3A_329], %broadcast_in_dim3A_3 {add = true} : memref<1024xi32, #tpu.memory_space<vmem>>[vector<16xi32>], vector<16xi32>,
        %while3A_330 = arith.constant 0 : i32
        scf.yield %while3A_330 : i32
      }
      %while3A_227 = arith.constant 1 : i32
      %while3A_228 = scf.for %while3A_311 = %while3A_224 to %while3A_220 step %while3A_227 iter_args(%while3A_312 = %while3A_226) -> (i32)  : i32 {
        %mul3A_313 = vector.broadcast %select_n3A_129 : i32 to vector<16xi32>
        %mul3A_314 = arith.muli %iota3A, %mul3A_313 : vector<16xi32>
        %add3A_315 = vector.broadcast %while3A_311 : i32 to vector<16xi32>
        %add3A_316 = arith.addi %mul3A_314, %add3A_315 : vector<16xi32>
        %gather3A_317 = tpu.vector_load_idx %arg11[%add3A_316] : memref<8192xi32, #tpu.memory_space<vmem>>[vector<16xi32>], vector<16xi32>,
        %shift_right_logical3A = arith.constant 16 : i32
        %shift_right_logical3A_318 = vector.broadcast %shift_right_logical3A : i32 to vector<16xi32>
        %shift_right_logical3A_319 = arith.shrui %gather3A_317, %shift_right_logical3A_318 : vector<16xi32>
        %and3A_320 = arith.constant 31 : i32
        %and3A_321 = vector.broadcast %and3A_320 : i32 to vector<16xi32>
        %and3A_322 = arith.andi %shift_right_logical3A_319, %and3A_321 : vector<16xi32>
        %xor3A_323 = arith.constant 0 : i32
        %xor3A_324 = vector.broadcast %xor3A_323 : i32 to vector<16xi32>
        %xor3A_325 = arith.xori %and3A_322, %xor3A_324 : vector<16xi32>
        %mul3A_326 = arith.constant 16 : i32
        %mul3A_327 = vector.broadcast %mul3A_326 : i32 to vector<16xi32>
        %mul3A_328 = arith.muli %xor3A_325, %mul3A_327 : vector<16xi32>
        %add3A_329 = arith.addi %mul3A_328, %iota3A : vector<16xi32>
        tpu.vector_store_idx %arg16[%add3A_329], %broadcast_in_dim3A_3 {add = true} : memref<1024xi32, #tpu.memory_space<vmem>>[vector<16xi32>], vector<16xi32>,
        %while3A_330 = arith.constant 0 : i32
        scf.yield %while3A_330 : i32
      }
      %scan3A_229 = arith.constant 0 : i32
      %scan3A_230 = arith.constant 0 : i32
      %scan3A_231 = arith.constant 32 : i32
      %scan3A_232 = arith.addi %scan3A_230, %scan3A_231 : i32
      %scan3A_233 = arith.constant 1 : i32
      %scan3A_234 = scf.for %scan3A_311 = %scan3A_230 to %scan3A_232 step %scan3A_233 iter_args(%scan3A_312 = %scan3A_229) -> (i32)  : i32 {
        %mul3A_313 = arith.constant 16 : i32
        %mul3A_314 = arith.muli %scan3A_311, %mul3A_313 : i32
        %get3A = arith.index_cast %mul3A_314 : i32 to index
        %get3A_315 = tpu.vector_load %arg16[%get3A] {strides = array<i32>} : memref<1024xi32, #tpu.memory_space<vmem>>, vector<16xi32>,
        %mul3A_316 = arith.constant 16 : i32
        %mul3A_317 = arith.muli %scan3A_311, %mul3A_316 : i32
        %swap3A = arith.index_cast %mul3A_317 : i32 to index
        %swap3A_318 = tpu.vector_load %arg16[%swap3A] {strides = array<i32>} : memref<1024xi32, #tpu.memory_space<vmem>>, vector<16xi32>,
        tpu.vector_store %arg16[%swap3A], %broadcast_in_dim3A_1 {strides = array<i32>} : memref<1024xi32, #tpu.memory_space<vmem>>, vector<16xi32>,
        %broadcast_in_dim3A_319 = arith.constant true
        %broadcast_in_dim3A_320 = vector.broadcast %broadcast_in_dim3A_319 : i1 to vector<16xi1>
        %masked_cumsum3A = tpu.scan <sum>, %get3A_315 masked %broadcast_in_dim3A_320 : vector<16xi32>, vector<16xi1> -> vector<16xi32>
        %sub3A_321 = arith.subi %masked_cumsum3A, %get3A_315 : vector<16xi32>
        %add3A_322 = vector.broadcast %scan3A_312 : i32 to vector<16xi32>
        %add3A_323 = arith.addi %sub3A_321, %add3A_322 : vector<16xi32>
        %mul3A_324 = arith.constant 16 : i32
        %mul3A_325 = arith.muli %scan3A_311, %mul3A_324 : i32
        %swap3A_326 = arith.index_cast %mul3A_325 : i32 to index
        %swap3A_327 = tpu.vector_load %arg17[%swap3A_326] {strides = array<i32>} : memref<1024xi32, #tpu.memory_space<vmem>>, vector<16xi32>,
        tpu.vector_store %arg17[%swap3A_326], %add3A_323 {strides = array<i32>} : memref<1024xi32, #tpu.memory_space<vmem>>, vector<16xi32>,
        %reduce_max3A_328 = arith.constant true
        %reduce_max3A_329 = vector.broadcast %reduce_max3A_328 : i1 to vector<16xi1>
        %reduce_max3A_330 = arith.constant -2147483648 : i32
        %reduce_max3A_331 = vector.broadcast %reduce_max3A_330 : i32 to vector<16xi32>
        %reduce_max3A_332 = arith.xori %masked_cumsum3A, %reduce_max3A_331 : vector<16xi32>
        %reduce_max3A_333 = tpu.scan <max>, %reduce_max3A_332 masked %reduce_max3A_329 : vector<16xi32>, vector<16xi1> -> vector<16xi32>
        %reduce_max3A_334 = arith.xori %reduce_max3A_333, %reduce_max3A_331 : vector<16xi32>
        %reduce_max3A_335 = vector.extract %reduce_max3A_334[15] : i32 from vector<16xi32>
        %add3A_336 = arith.addi %scan3A_312, %reduce_max3A_335 : i32
        scf.yield %add3A_336 : i32
      }
      %scan3A_235 = arith.constant 32 : i32
      %while3A_236 = arith.constant 0 : i32
      %while3A_237 = arith.constant 0 : i32
      %while3A_238 = arith.subi %select_n3A_129, %while3A_236 : i32
      %while3A_239 = arith.addi %while3A_236, %while3A_238 : i32
      %while3A_240 = arith.constant 1 : i32
      %while3A_241 = arith.divsi %while3A_238, %while3A_240 : i32
      %while3A_242 = arith.muli %while3A_241, %while3A_240 : i32
      %while3A_243 = arith.addi %while3A_236, %while3A_242 : i32
      %while3A_244 = arith.constant 1 : i32
      %while3A_245 = scf.for %while3A_311 = %while3A_236 to %while3A_243 step %while3A_244 iter_args(%while3A_312 = %while3A_237) -> (i32)  : i32 {
        %mul3A_313 = vector.broadcast %select_n3A_129 : i32 to vector<16xi32>
        %mul3A_314 = arith.muli %iota3A, %mul3A_313 : vector<16xi32>
        %add3A_315 = vector.broadcast %while3A_311 : i32 to vector<16xi32>
        %add3A_316 = arith.addi %mul3A_314, %add3A_315 : vector<16xi32>
        %gather3A_317 = tpu.vector_load_idx %arg11[%add3A_316] : memref<8192xi32, #tpu.memory_space<vmem>>[vector<16xi32>], vector<16xi32>,
        %gather3A_318 = tpu.vector_load_idx %arg12[%add3A_316] : memref<8192xi32, #tpu.memory_space<vmem>>[vector<16xi32>], vector<16xi32>,
        %shift_right_logical3A = arith.constant 16 : i32
        %shift_right_logical3A_319 = vector.broadcast %shift_right_logical3A : i32 to vector<16xi32>
        %shift_right_logical3A_320 = arith.shrui %gather3A_317, %shift_right_logical3A_319 : vector<16xi32>
        %and3A_321 = arith.constant 31 : i32
        %and3A_322 = vector.broadcast %and3A_321 : i32 to vector<16xi32>
        %and3A_323 = arith.andi %shift_right_logical3A_320, %and3A_322 : vector<16xi32>
        %xor3A_324 = arith.constant 0 : i32
        %xor3A_325 = vector.broadcast %xor3A_324 : i32 to vector<16xi32>
        %xor3A_326 = arith.xori %and3A_323, %xor3A_325 : vector<16xi32>
        %mul3A_327 = arith.constant 16 : i32
        %mul3A_328 = vector.broadcast %mul3A_327 : i32 to vector<16xi32>
        %mul3A_329 = arith.muli %xor3A_326, %mul3A_328 : vector<16xi32>
        %add3A_330 = arith.addi %mul3A_329, %iota3A : vector<16xi32>
        %gather3A_331 = tpu.vector_load_idx %arg17[%add3A_330] : memref<1024xi32, #tpu.memory_space<vmem>>[vector<16xi32>], vector<16xi32>,
        %add3A_332 = arith.constant 1 : i32
        %add3A_333 = vector.broadcast %add3A_332 : i32 to vector<16xi32>
        %add3A_334 = arith.addi %gather3A_331, %add3A_333 : vector<16xi32>
        tpu.vector_store_idx %arg17[%add3A_330], %add3A_334 : memref<1024xi32, #tpu.memory_space<vmem>>[vector<16xi32>], vector<16xi32>,
        tpu.vector_store_idx %arg9[%gather3A_331], %gather3A_317 : memref<8192xi32, #tpu.memory_space<vmem>>[vector<16xi32>], vector<16xi32>,
        tpu.vector_store_idx %arg10[%gather3A_331], %gather3A_318 : memref<8192xi32, #tpu.memory_space<vmem>>[vector<16xi32>], vector<16xi32>,
        %while3A_335 = arith.constant 0 : i32
        scf.yield %while3A_335 : i32
      }
      %while3A_246 = arith.constant 1 : i32
      %while3A_247 = scf.for %while3A_311 = %while3A_243 to %while3A_239 step %while3A_246 iter_args(%while3A_312 = %while3A_245) -> (i32)  : i32 {
        %mul3A_313 = vector.broadcast %select_n3A_129 : i32 to vector<16xi32>
        %mul3A_314 = arith.muli %iota3A, %mul3A_313 : vector<16xi32>
        %add3A_315 = vector.broadcast %while3A_311 : i32 to vector<16xi32>
        %add3A_316 = arith.addi %mul3A_314, %add3A_315 : vector<16xi32>
        %gather3A_317 = tpu.vector_load_idx %arg11[%add3A_316] : memref<8192xi32, #tpu.memory_space<vmem>>[vector<16xi32>], vector<16xi32>,
        %gather3A_318 = tpu.vector_load_idx %arg12[%add3A_316] : memref<8192xi32, #tpu.memory_space<vmem>>[vector<16xi32>], vector<16xi32>,
        %shift_right_logical3A = arith.constant 16 : i32
        %shift_right_logical3A_319 = vector.broadcast %shift_right_logical3A : i32 to vector<16xi32>
        %shift_right_logical3A_320 = arith.shrui %gather3A_317, %shift_right_logical3A_319 : vector<16xi32>
        %and3A_321 = arith.constant 31 : i32
        %and3A_322 = vector.broadcast %and3A_321 : i32 to vector<16xi32>
        %and3A_323 = arith.andi %shift_right_logical3A_320, %and3A_322 : vector<16xi32>
        %xor3A_324 = arith.constant 0 : i32
        %xor3A_325 = vector.broadcast %xor3A_324 : i32 to vector<16xi32>
        %xor3A_326 = arith.xori %and3A_323, %xor3A_325 : vector<16xi32>
        %mul3A_327 = arith.constant 16 : i32
        %mul3A_328 = vector.broadcast %mul3A_327 : i32 to vector<16xi32>
        %mul3A_329 = arith.muli %xor3A_326, %mul3A_328 : vector<16xi32>
        %add3A_330 = arith.addi %mul3A_329, %iota3A : vector<16xi32>
        %gather3A_331 = tpu.vector_load_idx %arg17[%add3A_330] : memref<1024xi32, #tpu.memory_space<vmem>>[vector<16xi32>], vector<16xi32>,
        %add3A_332 = arith.constant 1 : i32
        %add3A_333 = vector.broadcast %add3A_332 : i32 to vector<16xi32>
        %add3A_334 = arith.addi %gather3A_331, %add3A_333 : vector<16xi32>
        tpu.vector_store_idx %arg17[%add3A_330], %add3A_334 : memref<1024xi32, #tpu.memory_space<vmem>>[vector<16xi32>], vector<16xi32>,
        tpu.vector_store_idx %arg9[%gather3A_331], %gather3A_317 : memref<8192xi32, #tpu.memory_space<vmem>>[vector<16xi32>], vector<16xi32>,
        tpu.vector_store_idx %arg10[%gather3A_331], %gather3A_318 : memref<8192xi32, #tpu.memory_space<vmem>>[vector<16xi32>], vector<16xi32>,
        %while3A_335 = arith.constant 0 : i32
        scf.yield %while3A_335 : i32
      }
      %while3A_248 = arith.constant 0 : i32
      %while3A_249 = arith.constant 0 : i32
      %while3A_250 = arith.subi %select_n3A_129, %while3A_248 : i32
      %while3A_251 = arith.addi %while3A_248, %while3A_250 : i32
      %while3A_252 = arith.constant 1 : i32
      %while3A_253 = arith.divsi %while3A_250, %while3A_252 : i32
      %while3A_254 = arith.muli %while3A_253, %while3A_252 : i32
      %while3A_255 = arith.addi %while3A_248, %while3A_254 : i32
      %while3A_256 = arith.constant 1 : i32
      %while3A_257 = scf.for %while3A_311 = %while3A_248 to %while3A_255 step %while3A_256 iter_args(%while3A_312 = %while3A_249) -> (i32)  : i32 {
        %mul3A_313 = vector.broadcast %select_n3A_129 : i32 to vector<16xi32>
        %mul3A_314 = arith.muli %iota3A, %mul3A_313 : vector<16xi32>
        %add3A_315 = vector.broadcast %while3A_311 : i32 to vector<16xi32>
        %add3A_316 = arith.addi %mul3A_314, %add3A_315 : vector<16xi32>
        %gather3A_317 = tpu.vector_load_idx %arg9[%add3A_316] : memref<8192xi32, #tpu.memory_space<vmem>>[vector<16xi32>], vector<16xi32>,
        %shift_right_logical3A = arith.constant 21 : i32
        %shift_right_logical3A_318 = vector.broadcast %shift_right_logical3A : i32 to vector<16xi32>
        %shift_right_logical3A_319 = arith.shrui %gather3A_317, %shift_right_logical3A_318 : vector<16xi32>
        %and3A_320 = arith.constant 31 : i32
        %and3A_321 = vector.broadcast %and3A_320 : i32 to vector<16xi32>
        %and3A_322 = arith.andi %shift_right_logical3A_319, %and3A_321 : vector<16xi32>
        %xor3A_323 = arith.constant 0 : i32
        %xor3A_324 = vector.broadcast %xor3A_323 : i32 to vector<16xi32>
        %xor3A_325 = arith.xori %and3A_322, %xor3A_324 : vector<16xi32>
        %mul3A_326 = arith.constant 16 : i32
        %mul3A_327 = vector.broadcast %mul3A_326 : i32 to vector<16xi32>
        %mul3A_328 = arith.muli %xor3A_325, %mul3A_327 : vector<16xi32>
        %add3A_329 = arith.addi %mul3A_328, %iota3A : vector<16xi32>
        tpu.vector_store_idx %arg15[%add3A_329], %broadcast_in_dim3A_3 {add = true} : memref<1024xi32, #tpu.memory_space<vmem>>[vector<16xi32>], vector<16xi32>,
        %while3A_330 = arith.constant 0 : i32
        scf.yield %while3A_330 : i32
      }
      %while3A_258 = arith.constant 1 : i32
      %while3A_259 = scf.for %while3A_311 = %while3A_255 to %while3A_251 step %while3A_258 iter_args(%while3A_312 = %while3A_257) -> (i32)  : i32 {
        %mul3A_313 = vector.broadcast %select_n3A_129 : i32 to vector<16xi32>
        %mul3A_314 = arith.muli %iota3A, %mul3A_313 : vector<16xi32>
        %add3A_315 = vector.broadcast %while3A_311 : i32 to vector<16xi32>
        %add3A_316 = arith.addi %mul3A_314, %add3A_315 : vector<16xi32>
        %gather3A_317 = tpu.vector_load_idx %arg9[%add3A_316] : memref<8192xi32, #tpu.memory_space<vmem>>[vector<16xi32>], vector<16xi32>,
        %shift_right_logical3A = arith.constant 21 : i32
        %shift_right_logical3A_318 = vector.broadcast %shift_right_logical3A : i32 to vector<16xi32>
        %shift_right_logical3A_319 = arith.shrui %gather3A_317, %shift_right_logical3A_318 : vector<16xi32>
        %and3A_320 = arith.constant 31 : i32
        %and3A_321 = vector.broadcast %and3A_320 : i32 to vector<16xi32>
        %and3A_322 = arith.andi %shift_right_logical3A_319, %and3A_321 : vector<16xi32>
        %xor3A_323 = arith.constant 0 : i32
        %xor3A_324 = vector.broadcast %xor3A_323 : i32 to vector<16xi32>
        %xor3A_325 = arith.xori %and3A_322, %xor3A_324 : vector<16xi32>
        %mul3A_326 = arith.constant 16 : i32
        %mul3A_327 = vector.broadcast %mul3A_326 : i32 to vector<16xi32>
        %mul3A_328 = arith.muli %xor3A_325, %mul3A_327 : vector<16xi32>
        %add3A_329 = arith.addi %mul3A_328, %iota3A : vector<16xi32>
        tpu.vector_store_idx %arg15[%add3A_329], %broadcast_in_dim3A_3 {add = true} : memref<1024xi32, #tpu.memory_space<vmem>>[vector<16xi32>], vector<16xi32>,
        %while3A_330 = arith.constant 0 : i32
        scf.yield %while3A_330 : i32
      }
      %scan3A_260 = arith.constant 0 : i32
      %scan3A_261 = arith.constant 0 : i32
      %scan3A_262 = arith.constant 32 : i32
      %scan3A_263 = arith.addi %scan3A_261, %scan3A_262 : i32
      %scan3A_264 = arith.constant 1 : i32
      %scan3A_265 = scf.for %scan3A_311 = %scan3A_261 to %scan3A_263 step %scan3A_264 iter_args(%scan3A_312 = %scan3A_260) -> (i32)  : i32 {
        %mul3A_313 = arith.constant 16 : i32
        %mul3A_314 = arith.muli %scan3A_311, %mul3A_313 : i32
        %get3A = arith.index_cast %mul3A_314 : i32 to index
        %get3A_315 = tpu.vector_load %arg15[%get3A] {strides = array<i32>} : memref<1024xi32, #tpu.memory_space<vmem>>, vector<16xi32>,
        %mul3A_316 = arith.constant 16 : i32
        %mul3A_317 = arith.muli %scan3A_311, %mul3A_316 : i32
        %swap3A = arith.index_cast %mul3A_317 : i32 to index
        %swap3A_318 = tpu.vector_load %arg15[%swap3A] {strides = array<i32>} : memref<1024xi32, #tpu.memory_space<vmem>>, vector<16xi32>,
        tpu.vector_store %arg15[%swap3A], %broadcast_in_dim3A_1 {strides = array<i32>} : memref<1024xi32, #tpu.memory_space<vmem>>, vector<16xi32>,
        %broadcast_in_dim3A_319 = arith.constant true
        %broadcast_in_dim3A_320 = vector.broadcast %broadcast_in_dim3A_319 : i1 to vector<16xi1>
        %masked_cumsum3A = tpu.scan <sum>, %get3A_315 masked %broadcast_in_dim3A_320 : vector<16xi32>, vector<16xi1> -> vector<16xi32>
        %sub3A_321 = arith.subi %masked_cumsum3A, %get3A_315 : vector<16xi32>
        %add3A_322 = vector.broadcast %scan3A_312 : i32 to vector<16xi32>
        %add3A_323 = arith.addi %sub3A_321, %add3A_322 : vector<16xi32>
        %mul3A_324 = arith.constant 16 : i32
        %mul3A_325 = arith.muli %scan3A_311, %mul3A_324 : i32
        %swap3A_326 = arith.index_cast %mul3A_325 : i32 to index
        %swap3A_327 = tpu.vector_load %arg17[%swap3A_326] {strides = array<i32>} : memref<1024xi32, #tpu.memory_space<vmem>>, vector<16xi32>,
        tpu.vector_store %arg17[%swap3A_326], %add3A_323 {strides = array<i32>} : memref<1024xi32, #tpu.memory_space<vmem>>, vector<16xi32>,
        %reduce_max3A_328 = arith.constant true
        %reduce_max3A_329 = vector.broadcast %reduce_max3A_328 : i1 to vector<16xi1>
        %reduce_max3A_330 = arith.constant -2147483648 : i32
        %reduce_max3A_331 = vector.broadcast %reduce_max3A_330 : i32 to vector<16xi32>
        %reduce_max3A_332 = arith.xori %masked_cumsum3A, %reduce_max3A_331 : vector<16xi32>
        %reduce_max3A_333 = tpu.scan <max>, %reduce_max3A_332 masked %reduce_max3A_329 : vector<16xi32>, vector<16xi1> -> vector<16xi32>
        %reduce_max3A_334 = arith.xori %reduce_max3A_333, %reduce_max3A_331 : vector<16xi32>
        %reduce_max3A_335 = vector.extract %reduce_max3A_334[15] : i32 from vector<16xi32>
        %add3A_336 = arith.addi %scan3A_312, %reduce_max3A_335 : i32
        scf.yield %add3A_336 : i32
      }
      %scan3A_266 = arith.constant 32 : i32
      %while3A_267 = arith.constant 0 : i32
      %while3A_268 = arith.constant 0 : i32
      %while3A_269 = arith.subi %select_n3A_129, %while3A_267 : i32
      %while3A_270 = arith.addi %while3A_267, %while3A_269 : i32
      %while3A_271 = arith.constant 1 : i32
      %while3A_272 = arith.divsi %while3A_269, %while3A_271 : i32
      %while3A_273 = arith.muli %while3A_272, %while3A_271 : i32
      %while3A_274 = arith.addi %while3A_267, %while3A_273 : i32
      %while3A_275 = arith.constant 1 : i32
      %while3A_276 = scf.for %while3A_311 = %while3A_267 to %while3A_274 step %while3A_275 iter_args(%while3A_312 = %while3A_268) -> (i32)  : i32 {
        %mul3A_313 = vector.broadcast %select_n3A_129 : i32 to vector<16xi32>
        %mul3A_314 = arith.muli %iota3A, %mul3A_313 : vector<16xi32>
        %add3A_315 = vector.broadcast %while3A_311 : i32 to vector<16xi32>
        %add3A_316 = arith.addi %mul3A_314, %add3A_315 : vector<16xi32>
        %gather3A_317 = tpu.vector_load_idx %arg9[%add3A_316] : memref<8192xi32, #tpu.memory_space<vmem>>[vector<16xi32>], vector<16xi32>,
        %gather3A_318 = tpu.vector_load_idx %arg10[%add3A_316] : memref<8192xi32, #tpu.memory_space<vmem>>[vector<16xi32>], vector<16xi32>,
        %shift_right_logical3A = arith.constant 21 : i32
        %shift_right_logical3A_319 = vector.broadcast %shift_right_logical3A : i32 to vector<16xi32>
        %shift_right_logical3A_320 = arith.shrui %gather3A_317, %shift_right_logical3A_319 : vector<16xi32>
        %and3A_321 = arith.constant 31 : i32
        %and3A_322 = vector.broadcast %and3A_321 : i32 to vector<16xi32>
        %and3A_323 = arith.andi %shift_right_logical3A_320, %and3A_322 : vector<16xi32>
        %xor3A_324 = arith.constant 0 : i32
        %xor3A_325 = vector.broadcast %xor3A_324 : i32 to vector<16xi32>
        %xor3A_326 = arith.xori %and3A_323, %xor3A_325 : vector<16xi32>
        %mul3A_327 = arith.constant 16 : i32
        %mul3A_328 = vector.broadcast %mul3A_327 : i32 to vector<16xi32>
        %mul3A_329 = arith.muli %xor3A_326, %mul3A_328 : vector<16xi32>
        %add3A_330 = arith.addi %mul3A_329, %iota3A : vector<16xi32>
        %gather3A_331 = tpu.vector_load_idx %arg17[%add3A_330] : memref<1024xi32, #tpu.memory_space<vmem>>[vector<16xi32>], vector<16xi32>,
        %add3A_332 = arith.constant 1 : i32
        %add3A_333 = vector.broadcast %add3A_332 : i32 to vector<16xi32>
        %add3A_334 = arith.addi %gather3A_331, %add3A_333 : vector<16xi32>
        tpu.vector_store_idx %arg17[%add3A_330], %add3A_334 : memref<1024xi32, #tpu.memory_space<vmem>>[vector<16xi32>], vector<16xi32>,
        tpu.vector_store_idx %arg11[%gather3A_331], %gather3A_317 : memref<8192xi32, #tpu.memory_space<vmem>>[vector<16xi32>], vector<16xi32>,
        tpu.vector_store_idx %arg12[%gather3A_331], %gather3A_318 : memref<8192xi32, #tpu.memory_space<vmem>>[vector<16xi32>], vector<16xi32>,
        %while3A_335 = arith.constant 0 : i32
        scf.yield %while3A_335 : i32
      }
      %while3A_277 = arith.constant 1 : i32
      %while3A_278 = scf.for %while3A_311 = %while3A_274 to %while3A_270 step %while3A_277 iter_args(%while3A_312 = %while3A_276) -> (i32)  : i32 {
        %mul3A_313 = vector.broadcast %select_n3A_129 : i32 to vector<16xi32>
        %mul3A_314 = arith.muli %iota3A, %mul3A_313 : vector<16xi32>
        %add3A_315 = vector.broadcast %while3A_311 : i32 to vector<16xi32>
        %add3A_316 = arith.addi %mul3A_314, %add3A_315 : vector<16xi32>
        %gather3A_317 = tpu.vector_load_idx %arg9[%add3A_316] : memref<8192xi32, #tpu.memory_space<vmem>>[vector<16xi32>], vector<16xi32>,
        %gather3A_318 = tpu.vector_load_idx %arg10[%add3A_316] : memref<8192xi32, #tpu.memory_space<vmem>>[vector<16xi32>], vector<16xi32>,
        %shift_right_logical3A = arith.constant 21 : i32
        %shift_right_logical3A_319 = vector.broadcast %shift_right_logical3A : i32 to vector<16xi32>
        %shift_right_logical3A_320 = arith.shrui %gather3A_317, %shift_right_logical3A_319 : vector<16xi32>
        %and3A_321 = arith.constant 31 : i32
        %and3A_322 = vector.broadcast %and3A_321 : i32 to vector<16xi32>
        %and3A_323 = arith.andi %shift_right_logical3A_320, %and3A_322 : vector<16xi32>
        %xor3A_324 = arith.constant 0 : i32
        %xor3A_325 = vector.broadcast %xor3A_324 : i32 to vector<16xi32>
        %xor3A_326 = arith.xori %and3A_323, %xor3A_325 : vector<16xi32>
        %mul3A_327 = arith.constant 16 : i32
        %mul3A_328 = vector.broadcast %mul3A_327 : i32 to vector<16xi32>
        %mul3A_329 = arith.muli %xor3A_326, %mul3A_328 : vector<16xi32>
        %add3A_330 = arith.addi %mul3A_329, %iota3A : vector<16xi32>
        %gather3A_331 = tpu.vector_load_idx %arg17[%add3A_330] : memref<1024xi32, #tpu.memory_space<vmem>>[vector<16xi32>], vector<16xi32>,
        %add3A_332 = arith.constant 1 : i32
        %add3A_333 = vector.broadcast %add3A_332 : i32 to vector<16xi32>
        %add3A_334 = arith.addi %gather3A_331, %add3A_333 : vector<16xi32>
        tpu.vector_store_idx %arg17[%add3A_330], %add3A_334 : memref<1024xi32, #tpu.memory_space<vmem>>[vector<16xi32>], vector<16xi32>,
        tpu.vector_store_idx %arg11[%gather3A_331], %gather3A_317 : memref<8192xi32, #tpu.memory_space<vmem>>[vector<16xi32>], vector<16xi32>,
        tpu.vector_store_idx %arg12[%gather3A_331], %gather3A_318 : memref<8192xi32, #tpu.memory_space<vmem>>[vector<16xi32>], vector<16xi32>,
        %while3A_335 = arith.constant 0 : i32
        scf.yield %while3A_335 : i32
      }
      %while3A_279 = arith.constant 0 : i32
      %while3A_280 = arith.constant 0 : i32
      %while3A_281 = arith.subi %select_n3A_129, %while3A_279 : i32
      %while3A_282 = arith.addi %while3A_279, %while3A_281 : i32
      %while3A_283 = arith.constant 1 : i32
      %while3A_284 = arith.divsi %while3A_281, %while3A_283 : i32
      %while3A_285 = arith.muli %while3A_284, %while3A_283 : i32
      %while3A_286 = arith.addi %while3A_279, %while3A_285 : i32
      %while3A_287 = arith.constant 1 : i32
      %while3A_288 = scf.for %while3A_311 = %while3A_279 to %while3A_286 step %while3A_287 iter_args(%while3A_312 = %while3A_280) -> (i32)  : i32 {
        %mul3A_313 = vector.broadcast %select_n3A_129 : i32 to vector<16xi32>
        %mul3A_314 = arith.muli %iota3A, %mul3A_313 : vector<16xi32>
        %add3A_315 = vector.broadcast %while3A_311 : i32 to vector<16xi32>
        %add3A_316 = arith.addi %mul3A_314, %add3A_315 : vector<16xi32>
        %gather3A_317 = tpu.vector_load_idx %arg11[%add3A_316] : memref<8192xi32, #tpu.memory_space<vmem>>[vector<16xi32>], vector<16xi32>,
        %shift_right_logical3A = arith.constant 26 : i32
        %shift_right_logical3A_318 = vector.broadcast %shift_right_logical3A : i32 to vector<16xi32>
        %shift_right_logical3A_319 = arith.shrui %gather3A_317, %shift_right_logical3A_318 : vector<16xi32>
        %and3A_320 = arith.constant 63 : i32
        %and3A_321 = vector.broadcast %and3A_320 : i32 to vector<16xi32>
        %and3A_322 = arith.andi %shift_right_logical3A_319, %and3A_321 : vector<16xi32>
        %xor3A_323 = arith.constant 32 : i32
        %xor3A_324 = vector.broadcast %xor3A_323 : i32 to vector<16xi32>
        %xor3A_325 = arith.xori %and3A_322, %xor3A_324 : vector<16xi32>
        %mul3A_326 = arith.constant 16 : i32
        %mul3A_327 = vector.broadcast %mul3A_326 : i32 to vector<16xi32>
        %mul3A_328 = arith.muli %xor3A_325, %mul3A_327 : vector<16xi32>
        %add3A_329 = arith.addi %mul3A_328, %iota3A : vector<16xi32>
        tpu.vector_store_idx %arg16[%add3A_329], %broadcast_in_dim3A_3 {add = true} : memref<1024xi32, #tpu.memory_space<vmem>>[vector<16xi32>], vector<16xi32>,
        %while3A_330 = arith.constant 0 : i32
        scf.yield %while3A_330 : i32
      }
      %while3A_289 = arith.constant 1 : i32
      %while3A_290 = scf.for %while3A_311 = %while3A_286 to %while3A_282 step %while3A_289 iter_args(%while3A_312 = %while3A_288) -> (i32)  : i32 {
        %mul3A_313 = vector.broadcast %select_n3A_129 : i32 to vector<16xi32>
        %mul3A_314 = arith.muli %iota3A, %mul3A_313 : vector<16xi32>
        %add3A_315 = vector.broadcast %while3A_311 : i32 to vector<16xi32>
        %add3A_316 = arith.addi %mul3A_314, %add3A_315 : vector<16xi32>
        %gather3A_317 = tpu.vector_load_idx %arg11[%add3A_316] : memref<8192xi32, #tpu.memory_space<vmem>>[vector<16xi32>], vector<16xi32>,
        %shift_right_logical3A = arith.constant 26 : i32
        %shift_right_logical3A_318 = vector.broadcast %shift_right_logical3A : i32 to vector<16xi32>
        %shift_right_logical3A_319 = arith.shrui %gather3A_317, %shift_right_logical3A_318 : vector<16xi32>
        %and3A_320 = arith.constant 63 : i32
        %and3A_321 = vector.broadcast %and3A_320 : i32 to vector<16xi32>
        %and3A_322 = arith.andi %shift_right_logical3A_319, %and3A_321 : vector<16xi32>
        %xor3A_323 = arith.constant 32 : i32
        %xor3A_324 = vector.broadcast %xor3A_323 : i32 to vector<16xi32>
        %xor3A_325 = arith.xori %and3A_322, %xor3A_324 : vector<16xi32>
        %mul3A_326 = arith.constant 16 : i32
        %mul3A_327 = vector.broadcast %mul3A_326 : i32 to vector<16xi32>
        %mul3A_328 = arith.muli %xor3A_325, %mul3A_327 : vector<16xi32>
        %add3A_329 = arith.addi %mul3A_328, %iota3A : vector<16xi32>
        tpu.vector_store_idx %arg16[%add3A_329], %broadcast_in_dim3A_3 {add = true} : memref<1024xi32, #tpu.memory_space<vmem>>[vector<16xi32>], vector<16xi32>,
        %while3A_330 = arith.constant 0 : i32
        scf.yield %while3A_330 : i32
      }
      %scan3A_291 = arith.constant 0 : i32
      %scan3A_292 = arith.constant 0 : i32
      %scan3A_293 = arith.constant 64 : i32
      %scan3A_294 = arith.addi %scan3A_292, %scan3A_293 : i32
      %scan3A_295 = arith.constant 1 : i32
      %scan3A_296 = scf.for %scan3A_311 = %scan3A_292 to %scan3A_294 step %scan3A_295 iter_args(%scan3A_312 = %scan3A_291) -> (i32)  : i32 {
        %mul3A_313 = arith.constant 16 : i32
        %mul3A_314 = arith.muli %scan3A_311, %mul3A_313 : i32
        %get3A = arith.index_cast %mul3A_314 : i32 to index
        %get3A_315 = tpu.vector_load %arg16[%get3A] {strides = array<i32>} : memref<1024xi32, #tpu.memory_space<vmem>>, vector<16xi32>,
        %mul3A_316 = arith.constant 16 : i32
        %mul3A_317 = arith.muli %scan3A_311, %mul3A_316 : i32
        %swap3A = arith.index_cast %mul3A_317 : i32 to index
        %swap3A_318 = tpu.vector_load %arg16[%swap3A] {strides = array<i32>} : memref<1024xi32, #tpu.memory_space<vmem>>, vector<16xi32>,
        tpu.vector_store %arg16[%swap3A], %broadcast_in_dim3A_1 {strides = array<i32>} : memref<1024xi32, #tpu.memory_space<vmem>>, vector<16xi32>,
        %broadcast_in_dim3A_319 = arith.constant true
        %broadcast_in_dim3A_320 = vector.broadcast %broadcast_in_dim3A_319 : i1 to vector<16xi1>
        %masked_cumsum3A = tpu.scan <sum>, %get3A_315 masked %broadcast_in_dim3A_320 : vector<16xi32>, vector<16xi1> -> vector<16xi32>
        %sub3A_321 = arith.subi %masked_cumsum3A, %get3A_315 : vector<16xi32>
        %add3A_322 = vector.broadcast %scan3A_312 : i32 to vector<16xi32>
        %add3A_323 = arith.addi %sub3A_321, %add3A_322 : vector<16xi32>
        %mul3A_324 = arith.constant 16 : i32
        %mul3A_325 = arith.muli %scan3A_311, %mul3A_324 : i32
        %swap3A_326 = arith.index_cast %mul3A_325 : i32 to index
        %swap3A_327 = tpu.vector_load %arg17[%swap3A_326] {strides = array<i32>} : memref<1024xi32, #tpu.memory_space<vmem>>, vector<16xi32>,
        tpu.vector_store %arg17[%swap3A_326], %add3A_323 {strides = array<i32>} : memref<1024xi32, #tpu.memory_space<vmem>>, vector<16xi32>,
        %reduce_max3A_328 = arith.constant true
        %reduce_max3A_329 = vector.broadcast %reduce_max3A_328 : i1 to vector<16xi1>
        %reduce_max3A_330 = arith.constant -2147483648 : i32
        %reduce_max3A_331 = vector.broadcast %reduce_max3A_330 : i32 to vector<16xi32>
        %reduce_max3A_332 = arith.xori %masked_cumsum3A, %reduce_max3A_331 : vector<16xi32>
        %reduce_max3A_333 = tpu.scan <max>, %reduce_max3A_332 masked %reduce_max3A_329 : vector<16xi32>, vector<16xi1> -> vector<16xi32>
        %reduce_max3A_334 = arith.xori %reduce_max3A_333, %reduce_max3A_331 : vector<16xi32>
        %reduce_max3A_335 = vector.extract %reduce_max3A_334[15] : i32 from vector<16xi32>
        %add3A_336 = arith.addi %scan3A_312, %reduce_max3A_335 : i32
        scf.yield %add3A_336 : i32
      }
      %scan3A_297 = arith.constant 64 : i32
      %while3A_298 = arith.constant 0 : i32
      %while3A_299 = arith.constant 0 : i32
      %while3A_300 = arith.subi %select_n3A_129, %while3A_298 : i32
      %while3A_301 = arith.addi %while3A_298, %while3A_300 : i32
      %while3A_302 = arith.constant 1 : i32
      %while3A_303 = arith.divsi %while3A_300, %while3A_302 : i32
      %while3A_304 = arith.muli %while3A_303, %while3A_302 : i32
      %while3A_305 = arith.addi %while3A_298, %while3A_304 : i32
      %while3A_306 = arith.constant 1 : i32
      %while3A_307 = scf.for %while3A_311 = %while3A_298 to %while3A_305 step %while3A_306 iter_args(%while3A_312 = %while3A_299) -> (i32)  : i32 {
        %mul3A_313 = vector.broadcast %select_n3A_129 : i32 to vector<16xi32>
        %mul3A_314 = arith.muli %iota3A, %mul3A_313 : vector<16xi32>
        %add3A_315 = vector.broadcast %while3A_311 : i32 to vector<16xi32>
        %add3A_316 = arith.addi %mul3A_314, %add3A_315 : vector<16xi32>
        %gather3A_317 = tpu.vector_load_idx %arg11[%add3A_316] : memref<8192xi32, #tpu.memory_space<vmem>>[vector<16xi32>], vector<16xi32>,
        %gather3A_318 = tpu.vector_load_idx %arg12[%add3A_316] : memref<8192xi32, #tpu.memory_space<vmem>>[vector<16xi32>], vector<16xi32>,
        %shift_right_logical3A = arith.constant 26 : i32
        %shift_right_logical3A_319 = vector.broadcast %shift_right_logical3A : i32 to vector<16xi32>
        %shift_right_logical3A_320 = arith.shrui %gather3A_317, %shift_right_logical3A_319 : vector<16xi32>
        %and3A_321 = arith.constant 63 : i32
        %and3A_322 = vector.broadcast %and3A_321 : i32 to vector<16xi32>
        %and3A_323 = arith.andi %shift_right_logical3A_320, %and3A_322 : vector<16xi32>
        %xor3A_324 = arith.constant 32 : i32
        %xor3A_325 = vector.broadcast %xor3A_324 : i32 to vector<16xi32>
        %xor3A_326 = arith.xori %and3A_323, %xor3A_325 : vector<16xi32>
        %mul3A_327 = arith.constant 16 : i32
        %mul3A_328 = vector.broadcast %mul3A_327 : i32 to vector<16xi32>
        %mul3A_329 = arith.muli %xor3A_326, %mul3A_328 : vector<16xi32>
        %add3A_330 = arith.addi %mul3A_329, %iota3A : vector<16xi32>
        %gather3A_331 = tpu.vector_load_idx %arg17[%add3A_330] : memref<1024xi32, #tpu.memory_space<vmem>>[vector<16xi32>], vector<16xi32>,
        %add3A_332 = arith.constant 1 : i32
        %add3A_333 = vector.broadcast %add3A_332 : i32 to vector<16xi32>
        %add3A_334 = arith.addi %gather3A_331, %add3A_333 : vector<16xi32>
        tpu.vector_store_idx %arg17[%add3A_330], %add3A_334 : memref<1024xi32, #tpu.memory_space<vmem>>[vector<16xi32>], vector<16xi32>,
        %lt3A_335 = arith.constant 1024 : i32
        %lt3A_336 = vector.broadcast %lt3A_335 : i32 to vector<16xi32>
        %lt3A_337 = arith.cmpi slt, %gather3A_331, %lt3A_336 : vector<16xi32>
        %gather3A_338 = tpu.vector_load_idx %arg6[%gather3A_318] : memref<8192xf32, #tpu.memory_space<vmem>>[vector<16xi32>], vector<16xf32>,
        %gather3A_339 = tpu.vector_load_idx %arg7[%gather3A_318] : memref<8192xf32, #tpu.memory_space<vmem>>[vector<16xi32>], vector<16xf32>,
        tpu.vector_store_idx %arg19[%gather3A_331], %gather3A_338 masked %lt3A_337 : memref<1024xf32, #tpu.memory_space<vmem>>[vector<16xi32>], vector<16xf32>, vector<16xi1>
        tpu.vector_store_idx %arg20[%gather3A_331], %gather3A_339 masked %lt3A_337 : memref<1024xf32, #tpu.memory_space<vmem>>[vector<16xi32>], vector<16xf32>, vector<16xi1>
        %while3A_340 = arith.constant 0 : i32
        scf.yield %while3A_340 : i32
      }
      %while3A_308 = arith.constant 1 : i32
      %while3A_309 = scf.for %while3A_311 = %while3A_305 to %while3A_301 step %while3A_308 iter_args(%while3A_312 = %while3A_307) -> (i32)  : i32 {
        %mul3A_313 = vector.broadcast %select_n3A_129 : i32 to vector<16xi32>
        %mul3A_314 = arith.muli %iota3A, %mul3A_313 : vector<16xi32>
        %add3A_315 = vector.broadcast %while3A_311 : i32 to vector<16xi32>
        %add3A_316 = arith.addi %mul3A_314, %add3A_315 : vector<16xi32>
        %gather3A_317 = tpu.vector_load_idx %arg11[%add3A_316] : memref<8192xi32, #tpu.memory_space<vmem>>[vector<16xi32>], vector<16xi32>,
        %gather3A_318 = tpu.vector_load_idx %arg12[%add3A_316] : memref<8192xi32, #tpu.memory_space<vmem>>[vector<16xi32>], vector<16xi32>,
        %shift_right_logical3A = arith.constant 26 : i32
        %shift_right_logical3A_319 = vector.broadcast %shift_right_logical3A : i32 to vector<16xi32>
        %shift_right_logical3A_320 = arith.shrui %gather3A_317, %shift_right_logical3A_319 : vector<16xi32>
        %and3A_321 = arith.constant 63 : i32
        %and3A_322 = vector.broadcast %and3A_321 : i32 to vector<16xi32>
        %and3A_323 = arith.andi %shift_right_logical3A_320, %and3A_322 : vector<16xi32>
        %xor3A_324 = arith.constant 32 : i32
        %xor3A_325 = vector.broadcast %xor3A_324 : i32 to vector<16xi32>
        %xor3A_326 = arith.xori %and3A_323, %xor3A_325 : vector<16xi32>
        %mul3A_327 = arith.constant 16 : i32
        %mul3A_328 = vector.broadcast %mul3A_327 : i32 to vector<16xi32>
        %mul3A_329 = arith.muli %xor3A_326, %mul3A_328 : vector<16xi32>
        %add3A_330 = arith.addi %mul3A_329, %iota3A : vector<16xi32>
        %gather3A_331 = tpu.vector_load_idx %arg17[%add3A_330] : memref<1024xi32, #tpu.memory_space<vmem>>[vector<16xi32>], vector<16xi32>,
        %add3A_332 = arith.constant 1 : i32
        %add3A_333 = vector.broadcast %add3A_332 : i32 to vector<16xi32>
        %add3A_334 = arith.addi %gather3A_331, %add3A_333 : vector<16xi32>
        tpu.vector_store_idx %arg17[%add3A_330], %add3A_334 : memref<1024xi32, #tpu.memory_space<vmem>>[vector<16xi32>], vector<16xi32>,
        %lt3A_335 = arith.constant 1024 : i32
        %lt3A_336 = vector.broadcast %lt3A_335 : i32 to vector<16xi32>
        %lt3A_337 = arith.cmpi slt, %gather3A_331, %lt3A_336 : vector<16xi32>
        %gather3A_338 = tpu.vector_load_idx %arg6[%gather3A_318] : memref<8192xf32, #tpu.memory_space<vmem>>[vector<16xi32>], vector<16xf32>,
        %gather3A_339 = tpu.vector_load_idx %arg7[%gather3A_318] : memref<8192xf32, #tpu.memory_space<vmem>>[vector<16xi32>], vector<16xf32>,
        tpu.vector_store_idx %arg19[%gather3A_331], %gather3A_338 masked %lt3A_337 : memref<1024xf32, #tpu.memory_space<vmem>>[vector<16xi32>], vector<16xf32>, vector<16xi1>
        tpu.vector_store_idx %arg20[%gather3A_331], %gather3A_339 masked %lt3A_337 : memref<1024xf32, #tpu.memory_space<vmem>>[vector<16xi32>], vector<16xf32>, vector<16xi1>
        %while3A_340 = arith.constant 0 : i32
        scf.yield %while3A_340 : i32
      }
      "tpu.region"() ({
        %run_scoped3A = tpu.sem_alloc : memref<!tpu.dma_semaphore, #tpu.memory_space<semaphore_mem>>
        %dma_start3A = arith.constant 0 : i32
        %dma_start3A_311 = tpu.memref_slice %arg4[%add3A_31, %dma_start3A] : memref<128x1024xf32, #tpu.memory_space<hbm>> -> memref<1x1024xf32, #tpu.memory_space<hbm>>
        %dma_start3A_312 = tpu.memref_squeeze %dma_start3A_311 : memref<1x1024xf32, #tpu.memory_space<hbm>> -> memref<1024xf32, #tpu.memory_space<hbm>>
        %dma_start3A_313 = arith.constant 0 : i32
        %dma_start3A_314 = tpu.memref_slice %arg4[%add3A_31, %dma_start3A_313] : memref<128x1024xf32, #tpu.memory_space<hbm>> -> memref<1x1024xf32, #tpu.memory_space<hbm>>
        %dma_start3A_315 = tpu.memref_squeeze %dma_start3A_314 : memref<1x1024xf32, #tpu.memory_space<hbm>> -> memref<1024xf32, #tpu.memory_space<hbm>>
        tpu.enqueue_dma source(%arg19 : memref<1024xf32, #tpu.memory_space<vmem>>) target(%dma_start3A_315 : memref<1024xf32, #tpu.memory_space<hbm>>) target_semaphore(%run_scoped3A : memref<!tpu.dma_semaphore, #tpu.memory_space<semaphore_mem>>)
        %dma_wait3A = arith.constant 0 : i32
        %dma_wait3A_316 = tpu.memref_slice %arg4[%add3A_31, %dma_wait3A] : memref<128x1024xf32, #tpu.memory_space<hbm>> -> memref<1x1024xf32, #tpu.memory_space<hbm>>
        %dma_wait3A_317 = tpu.memref_squeeze %dma_wait3A_316 : memref<1x1024xf32, #tpu.memory_space<hbm>> -> memref<1024xf32, #tpu.memory_space<hbm>>
        %dma_wait3A_318 = arith.constant 0 : i32
        %dma_wait3A_319 = tpu.memref_slice %arg4[%add3A_31, %dma_wait3A_318] : memref<128x1024xf32, #tpu.memory_space<hbm>> -> memref<1x1024xf32, #tpu.memory_space<hbm>>
        %dma_wait3A_320 = tpu.memref_squeeze %dma_wait3A_319 : memref<1x1024xf32, #tpu.memory_space<hbm>> -> memref<1024xf32, #tpu.memory_space<hbm>>
        tpu.wait_dma2 semaphore(%run_scoped3A : memref<!tpu.dma_semaphore, #tpu.memory_space<semaphore_mem>>) src(%arg19 : memref<1024xf32, #tpu.memory_space<vmem>>) dst(%dma_wait3A_320 : memref<1024xf32, #tpu.memory_space<hbm>>)
        tpu.yield
      }) : () -> ()
      "tpu.region"() ({
        %run_scoped3A = tpu.sem_alloc : memref<!tpu.dma_semaphore, #tpu.memory_space<semaphore_mem>>
        %dma_start3A = arith.constant 0 : i32
        %dma_start3A_311 = tpu.memref_slice %arg5[%add3A_31, %dma_start3A] : memref<128x1024xf32, #tpu.memory_space<hbm>> -> memref<1x1024xf32, #tpu.memory_space<hbm>>
        %dma_start3A_312 = tpu.memref_squeeze %dma_start3A_311 : memref<1x1024xf32, #tpu.memory_space<hbm>> -> memref<1024xf32, #tpu.memory_space<hbm>>
        %dma_start3A_313 = arith.constant 0 : i32
        %dma_start3A_314 = tpu.memref_slice %arg5[%add3A_31, %dma_start3A_313] : memref<128x1024xf32, #tpu.memory_space<hbm>> -> memref<1x1024xf32, #tpu.memory_space<hbm>>
        %dma_start3A_315 = tpu.memref_squeeze %dma_start3A_314 : memref<1x1024xf32, #tpu.memory_space<hbm>> -> memref<1024xf32, #tpu.memory_space<hbm>>
        tpu.enqueue_dma source(%arg20 : memref<1024xf32, #tpu.memory_space<vmem>>) target(%dma_start3A_315 : memref<1024xf32, #tpu.memory_space<hbm>>) target_semaphore(%run_scoped3A : memref<!tpu.dma_semaphore, #tpu.memory_space<semaphore_mem>>)
        %dma_wait3A = arith.constant 0 : i32
        %dma_wait3A_316 = tpu.memref_slice %arg5[%add3A_31, %dma_wait3A] : memref<128x1024xf32, #tpu.memory_space<hbm>> -> memref<1x1024xf32, #tpu.memory_space<hbm>>
        %dma_wait3A_317 = tpu.memref_squeeze %dma_wait3A_316 : memref<1x1024xf32, #tpu.memory_space<hbm>> -> memref<1024xf32, #tpu.memory_space<hbm>>
        %dma_wait3A_318 = arith.constant 0 : i32
        %dma_wait3A_319 = tpu.memref_slice %arg5[%add3A_31, %dma_wait3A_318] : memref<128x1024xf32, #tpu.memory_space<hbm>> -> memref<1x1024xf32, #tpu.memory_space<hbm>>
        %dma_wait3A_320 = tpu.memref_squeeze %dma_wait3A_319 : memref<1x1024xf32, #tpu.memory_space<hbm>> -> memref<1024xf32, #tpu.memory_space<hbm>>
        tpu.wait_dma2 semaphore(%run_scoped3A : memref<!tpu.dma_semaphore, #tpu.memory_space<semaphore_mem>>) src(%arg20 : memref<1024xf32, #tpu.memory_space<vmem>>) dst(%dma_wait3A_320 : memref<1024xf32, #tpu.memory_space<hbm>>)
        tpu.yield
      }) : () -> ()
      %scan3A_310 = arith.constant 0 : i32
      scf.yield %scan3A_310 : i32
    }
    %scan3A_26 = arith.constant 4 : i32
    return
  }
}

</mosaic_0001>

<sc_bundles>
// kernel: _run.3.cloned.1.call-start
scs
__scs_entry_jumppad:
0x0: {  	(pc) =	sbr.rel $0x88, $3  }
0x1: {  	(tag) =	ssettag $0x0;
	lr =	simm.s32 $0x1  }
0x2: {  	[smem:$0x3F9F] =	sst lr;
	_ =	strace $0xD0000000  }
0x3: {  	_ = 	snop  }
0x4: {  	_ = 	snop  }
0x5: {  	_ = 	snop  }
0x6: {  	_ = 	snop  }
0x7: {  	_ = 	snop  }
__scs_overlays_trampoline_lowered:
0x8: {  	[smem:$0x3FAE] =	sst s0  }
0x9: {  	[smem:$0x3FAF] =	sst s1  }
0xa: {  	[smem:$0x3FB0] =	sst s2  }
0xb: {  	[smem:$0x3FB1] =	sst s3  }
0xc: {  	[smem:$0x3FB2] =	sst s4  }
0xd: {  	[smem:$0x3FB3] =	sst s5  }
0xe: {  	[smem:$0x3FB4] =	sst s6  }
0xf: {  	[smem:$0x3FB5] =	sst s7  }
0x10: {  	[smem:$0x3FB6] =	sst s8  }
0x11: {  	[smem:$0x3FB7] =	sst s9;
	s0 =	simm.s32 @!p0 $0x0  }
0x12: {  	s1 =	sld [smem:$0x3F9D];
	s0 =	simm.s32 @p0 $0x1  }
0x13: {  	[smem:$0x3FB8] =	sst s0;
	s0 =	simm.s32 @!p1 $0x0  }
0x14: {  	s2 =	sld [smem:$0x3F9C];
	s0 =	simm.s32 @p1 $0x1  }
0x15: {  	[smem:$0x3FB9] =	sst s0;
	s0 =	simm.s32 @!p2 $0x0  }
0x16: {  	s3 =	sld [smem:$0x3FDB];
	s0 =	simm.s32 @p2 $0x1  }
0x17: {  	s4 =	simm.s32 $0x1BF5;
	[smem:$0x3FBB] =	sst s0  }
0x18: {  	s0 =	sld [smem:$0x3F9E];
	_ =	swait.ge [sflag:s4], $0x0  }
0x19: {  	s7 =	sld [smem:$0x3F9F]  }
0x1a: {  	s8 =	sadd.s32 $0xFFFFE003, lr  }
0x1b: {  	s9 =	sadd.s32 $0xFFFFFEF7, lr;
	s5 =	simm.s32 $0xFFFFFFFF;
	p2 =	slt.u32 s8, $0xFFFFF086  }
0x1c: {  	p1 =	slt.u32 s9, $0xF7A;
	s5 =	simm.s32 @!p2 $0x0  }
0x1d: {  	s5 =	simm.s32 @p1 $0x1;
	p0 =	seq.s32 s7, s2  }
0x1e: {  	s7 =	smul.u32 @!p0 $0xF7A, s2;
	p2 =	seq.s32 @!p0 s5, $0x0  }
0x1f: {  	s9 =	smul.u32 $0xF7A, s1;
	s8 =	simm.s32 @!p0 $0x1BF5;
	p2 =	por !p2, p0  }
0x20: {  	[sflag:s8] =	ssyncset.s32 @!p0 $0xFFFFF086;
	s6 =	sadd.s32 @!p0 s3, s7;
	s7 =	simm.s32 @!p0 $0x108  }
0x21: {  	s3 =	sadd.s32 s3, s9;
	s6 =	sadd.s32 @!p0 $0x88, s6;
	s7 =	simm.s32 @p2 $0x1082  }
0x22: {  	[simem:s7], [sflag:s8] =	dma.local @!p0 [hbm:s6], $0xF7A  }
0x23: {  	s9 =	sor.u32 $0xD0000000, s2;
	s6 =	simm.s32 $0x108;
	_ =	swait.ge @!p0 [sflag:s8], $0x0  }
0x24: {  	s3 =	sadd.s32 $0x88, s3;
	s6 =	simm.s32 @!p1 $0x1082;
	[sflag:s4] =	ssyncset.s32 $0xFFFFF086  }
0x25: {  	[simem:s6], [sflag:s4] =	dma.local [hbm:s3], $0xF7A  }
0x26: {  	[smem:$0x3F9F] =	sst s1;
	(tag) =	ssettag s2;
	_ =	strace s9  }
0x27: {  	s1 =	sld [smem:$0x3FAF]  }
0x28: {  	s2 =	sld [smem:$0x3FB0]  }
0x29: {  	s4 =	sld [smem:$0x3FB2]  }
0x2a: {  	p0 =	seq.s32 s5, $0x0;
	s5 =	sld [smem:$0x3FB3]  }
0x2b: {  	s6 =	sld [smem:$0x3FB4]  }
0x2c: {  	s7 =	sld [smem:$0x3FB5]  }
0x2d: {  	s3 =	simm.s32 $0x108;
	s8 =	sld [smem:$0x3FB6]  }
0x2e: {  	s3 =	simm.s32 @!p0 $0x1082;
	s9 =	sld [smem:$0x3FB7]  }
0x2f: {  	lr =	sadd.s32 s0, s3;
	s0 =	sld [smem:$0x3FAE]  }
0x30: {  	s3 =	sld [smem:$0x3FB1]  }
0x31: {  	[smem:$0x3FBA] =	sst s10  }
0x32: {  	s10 =	sld [smem:$0x3FB8];
	_ =	sdelay $0x3  }
0x33: {  	p0 =	seq.s32 s10, $0x1;
	s10 =	sld [smem:$0x3FBA];
	_ =	sdelay $0x3  }
0x34: {  	[smem:$0x3FBA] =	sst s10  }
0x35: {  	s10 =	sld [smem:$0x3FB9];
	_ =	sdelay $0x3  }
0x36: {  	p1 =	seq.s32 s10, $0x1;
	s10 =	sld [smem:$0x3FBA];
	_ =	sdelay $0x3  }
0x37: {  	[smem:$0x3FBA] =	sst s10  }
0x38: {  	s10 =	sld [smem:$0x3FBB]  }
0x39: {  	_ = 	snop;
	(pc) =	sbr.ind lr, $3  }
0x3a: {  	_ = 	snop  }
0x3b: {  	_ = 	snop  }
0x3c: {  	p2 =	seq.s32 s10, $0x1;
	s10 =	sld [smem:$0x3FBA]  }
0x3d: {  	_ =	shalt  }
0x3e: {  	_ =	shalt  }
0x3f: {  	_ =	shalt  }
0x40: {  	_ =	shalt  }
0x41: {  	_ =	shalt  }
0x42: {  	_ =	shalt  }
0x43: {  	_ =	shalt  }
0x44: {  	_ =	shalt  }
0x45: {  	_ =	shalt  }
0x46: {  	_ =	shalt  }
0x47: {  	_ =	shalt  }
0x48: {  	_ =	shalt  }
0x49: {  	_ =	shalt  }
0x4a: {  	_ =	shalt  }
0x4b: {  	_ =	shalt  }
0x4c: {  	_ =	shalt  }
0x4d: {  	_ =	shalt  }
0x4e: {  	_ =	shalt  }
0x4f: {  	_ =	shalt  }
0x50: {  	_ =	shalt  }
0x51: {  	_ =	shalt  }
0x52: {  	_ =	shalt  }
0x53: {  	_ =	shalt  }
0x54: {  	_ =	shalt  }
0x55: {  	_ =	shalt  }
0x56: {  	_ =	shalt  }
0x57: {  	_ =	shalt  }
0x58: {  	_ =	shalt  }
0x59: {  	_ =	shalt  }
0x5a: {  	_ =	shalt  }
0x5b: {  	_ =	shalt  }
0x5c: {  	_ =	shalt  }
0x5d: {  	_ =	shalt  }
0x5e: {  	_ =	shalt  }
0x5f: {  	_ =	shalt  }
0x60: {  	_ =	shalt  }
0x61: {  	_ =	shalt  }
0x62: {  	_ =	shalt  }
0x63: {  	_ =	shalt  }
0x64: {  	_ =	shalt  }
0x65: {  	_ =	shalt  }
0x66: {  	_ =	shalt  }
0x67: {  	_ =	shalt  }
0x68: {  	_ =	shalt  }
0x69: {  	_ =	shalt  }
0x6a: {  	_ =	shalt  }
0x6b: {  	_ =	shalt  }
0x6c: {  	_ =	shalt  }
0x6d: {  	_ =	shalt  }
0x6e: {  	_ =	shalt  }
0x6f: {  	_ =	shalt  }
0x70: {  	_ =	shalt  }
0x71: {  	_ =	shalt  }
0x72: {  	_ =	shalt  }
0x73: {  	_ =	shalt  }
0x74: {  	_ =	shalt  }
0x75: {  	_ =	shalt  }
0x76: {  	_ =	shalt  }
0x77: {  	_ =	shalt  }
0x78: {  	_ =	shalt  }
0x79: {  	_ =	shalt  }
0x7a: {  	_ =	shalt  }
0x7b: {  	_ =	shalt  }
0x7c: {  	_ =	shalt  }
0x7d: {  	_ =	shalt  }
0x7e: {  	_ =	shalt  }
0x7f: {  	_ =	shalt  }
0x80: {  	_ =	shalt  }
0x81: {  	_ =	shalt  }
0x82: {  	_ =	shalt  }
0x83: {  	_ =	shalt  }
0x84: {  	_ =	shalt  }
0x85: {  	_ =	shalt  }
0x86: {  	_ =	shalt  }
0x87: {  	_ =	shalt  }
.Lfunc_end0:
.L_simem_size_0:
called_computation_lowered:
.L_overlay_start_0:
0x88: {  	s2 =	sld [smem:$0x3FD9]  }
0x89: {  	s3 =	sld [smem:$0x3FFE];
	_ =	sdelay $0x1  }
0x8a: {  	s1 =	srdreg.scid  }
0x8b: {  	s0 =	sand.u32 $0x1, s1  }
0x8c: {  	s15 =	sshll.u32 s0, $0xA;
	s2 =	sadd.s32 s3, s2  }
0x8d: {  	s2 =	sadd.s32 s2, s15  }
0x8e: {  	[smem:$0x3FC6] =	sst s2  }
0x8f: {  	_ = 	snop  }
0x90: {  	s2 =	sld [smem:$0x3FD0];
	_ =	sdelay $0x1  }
0x91: {  	s16 =	sld [smem:$0x3FC9]  }
0x92: {  	s5 =	simm.s32 $0xA;
	s6 =	simm.s32 $0x10;
	s4 =	sld [smem:$0x3FC8]  }
0x93: {  	[smem:s6], [sflag:s5] =	dma.local [hbm:s2], $0x1  }
0x94: {  	_ =	swait.eq [sflag:s5], $0x1  }
0x95: {  	[sflag:s5] =	ssyncset.done $0x0  }
0x96: {  	s17 =	sld [smem:$0x10];
	[sflag:s5] =	ssyncadd.s32 $0xFFFFFFFF  }
0x97: {  	s18 =	sld [smem:$0x11];
	(tm) =	ssettm $0x1  }
0x98: {  	s19 =	sld [smem:$0x3FFB];
	_ =	sdelay $0x3  }
0x99: {  	_ =	strace s19  }
0x9a: {  	s6 =	sld [smem:$0x3FFC];
	_ =	sdelay $0x3  }
0x9b: {  	_ =	strace s6  }
0x9c: {  	s6 =	sld [smem:$0x3FFD];
	_ =	sdelay $0x3  }
0x9d: {  	_ =	strace s6  }
0x9e: {  	_ =	strace $0x8FFFFFFF  }
0x9f: {  	s20 =	sld [smem:$0x3FDB];
	_ =	sdelay $0x1  }
0xa0: {  	s7 =	simm.s32 $_scs_section_size  }
0xa1: {  	s8 =	simm.s32 $_size__tile_overlayer_lowered;
	s9 =	simm.s32 $_tile_overlayer_lowered  }
0xa2: {  	s23 =	simm.s32 $0x1BFF;
	s22 =	sshll.u32 s9, $0x1;
	s6 =	sadd.s32 s7, s20  }
0xa3: {  	s10 =	simm.s32 $0x0;
	s21 =	sshll.u32 s8, $0x1;
	s8 =	sadd.s32 s22, s6  }
0xa4: {  	[timem:s10], [sflag:s23] =	dma.local [hbm:s8], s21  }
0xa5: {  	_ =	swait.ge [sflag:s23], s21  }
0xa6: {  	s7 =	ssub.s32 $0x0, s21;
	[sflag:s23] =	ssyncset.done $0x0  }
0xa7: {  	[sflag:s23] =	ssyncadd.s32 s7;
	_ =	sdelay $0x1  }
0xa8: {  	s24 =	simm.s32 $0x1B8B  }
0xa9: {  	_ =	swait.ge [sflag:s24], $0x1  }
0xaa: {  	[sflag:s24] =	ssyncset.done $0x0  }
0xab: {  	s25 =	simm.s32 $0x1B8E;
	[sflag:s24] =	ssyncadd.s32 $0xFFFFFFFF  }
0xac: {  	s26 =	simm.s32 $execute0_lowered;
	[smem:$0x3FD2] =	sst s25  }
0xad: {  	s7 =	sshll.u32 s26, $0x1;
	_ =	strace $0x80000046;
	[dreg:$0x1] =	wrdreg $0xFFFFFFFF  }
0xae: {  	s28 =	simm.s32 $_size_execute0_lowered;
	s6 =	sadd.s32 s6, s7;
	[dreg:$0x0] =	wrdreg $0x0  }
0xaf: {  	s7 =	sshll.u32 s28, $0x1;
	[dreg:$0x2] =	wrdreg s6  }
0xb0: {  	[dreg:$0x3] =	wrdreg s7  }
0xb1: {  	[dreg:$0x4] =	wrdreg $0xC0  }
0xb2: {  	_ =	task [dreg:s10], $0x5FFFF  }
0xb3: {  	[dreg:$0x1] =	wrdreg $0xFFFFFFFF  }
0xb4: {  	[dreg:$0x0] =	wrdreg $0x60  }
0xb5: {  	[dreg:$0x2] =	wrdreg s16  }
0xb6: {  	[dreg:$0x3] =	wrdreg s4  }
0xb7: {  	[dreg:$0x4] =	wrdreg s17  }
0xb8: {  	[dreg:$0x5] =	wrdreg s18  }
0xb9: {  	[dreg:$0x6] =	wrdreg $0x9  }
0xba: {  	_ =	task.clear_ibuf [dreg:s10], $0x7FFFF;
	_ =	strace $0x90000046  }
0xbb: {  	s29 =	simm.s32 $0x9;
	_ =	strace $0x80000048  }
0xbc: {  	_ =	swait.ge [sflag:s29], $0x1  }
0xbd: {  	[sflag:s29] =	ssyncadd.s32 $0xFFFFFFFF  }
0xbe: {  	_ =	strace $0x90000048  }
0xbf: {  	_ =	sfence  }
0xc0: {  	s30 =	sld [smem:$0x0];
	_ =	sdelay $0x2  }
0xc1: {  	s31 =	sshll.u32 s1, $0xD;
	s1 =	sshrl.u32 s1, $0x2  }
0xc2: {  	s3 =	sand.u32 $0x4000, s31;
	s1 =	sadd.s32 s1, s30  }
0xc3: {  	s0 =	sor.u32 s3, s0;
	s1 =	sshll.u32 s1, $0x11  }
0xc4: {  	s0 =	sor.u32 s1, s0  }
0xc5: {  	s0 =	sadd.s32 $0x8F2B, s0  }
0xc6: {  	[sflag:s0] =	ssyncadd.remote.s32 $0x1  }
0xc7: {  	_ =	sfence.sel $0xFFFF  }
0xc8: {  	[dreg:$0x0] =	wrdreg $0xFFFFFFFF;
	(pc) =	sbr.abs _section_cstart, $3  }
0xc9: {  	[dreg:$0x1] =	wrdreg $0xFFFFFFFF  }
0xca: {  	_ =	task.clear_ibuf [dreg:s10], $0x2FFFF;
	_ =	strace $0x9FFFFFFF  }
0xcb: {  	(tm) =	ssettm $0x7FFFFFFF  }
tec
execute0_lowered:
.L_overlay_start_1:
0x0: {  	(tag) =	ssettag $0x1  }
0x1: {  	s0 =	srdreg.scid;
	s5 =	simm.s32 $0x0  }
0x2: {  	s3 =	stileid.u32;
	s11 =	simm.s32 $0x80;
	s12 =	simm.s32 $0x400  }
0x3: {  	s13 =	simm.s32 $0x1;
	s14 =	simm.s32 $0x2000;
	s15 =	simm.s32 $0xF000  }
0x4: {  	s17 =	simm.s32 $0x4000;
	s18 =	simm.s32 $0x6000;
	s19 =	simm.s32 $0x8000  }
0x5: {  	s20 =	simm.s32 $0x10000;
	s21 =	simm.s32 $0x10800;
	s22 =	simm.s32 $0xA000  }
0x6: {  	s23 =	simm.s32 $0xC000;
	s24 =	simm.s32 $0x10400;
	s0 =	sand.u32 $0x1, s0  }
.Ltmp0:
0x7: {  	s25 =	simm.s32 $0x10D00;
	s1 =	ssub.s32 $0x2, s0;
	(pc) =	sbr.rel .LBB2_1-.Ltmp0, $4  }
0x8: {  	v0 =	vlaneseq.u32;
	s26 =	simm.s32 $0x11100;
	[smem:$0x7FF] =	sst s5;
	s2 =	sshrl.u32 s1, $0x1  }
0x9: {  	s8 =	sshll.u32 s3, $0x10;
	v1 =	vmul.u32 $0x100, v0;
	s0 =	sshll.u32 s0, $0x9;
	s1 =	ssub.s32 s1, s2  }
0xa: {  	v2 =	vimm.s32 $0x0;
	v4 =	vimm.s32 $0x1;
	v5 =	vmul.u32 $0x200, v0;
	_ =	strace $0x80000047;
	[dreg:$0x5] =	wrdreg s0;
	s31 =	smax.u32 s1, $0x1  }
0xb: {  	v7 =	vimm.s32 $0x7FFFFFFF;
	s9 =	sshll.u32 s3, $0xD;
	v6 =	vmul.u32 $0xFFFFFE00, v0;
	v3 =	vor.u32 $0x80, v1;
	s1 =	simm.s32 $0x0;
	[dreg:$0x6] =	wrdreg s31  }
.LBB2_70:
0xc: {  	s1 =	rddreg [dreg:$0x7]  }
0xd: {  	s0 =	rddreg [dreg:$0x6];
	s1 =	sadd.s32 $0x1, s1  }
0xe: {  	p0 =	sne.s32 s1, s0  }
.Ltmp1:
0xf: {  	_ = 	snop;
	(pc) =	sbr.rel @!p0 .LBB2_71-.Ltmp1, $1  }
0x10: {  	_ =	sdelay $0x3  }
.LBB2_1:
0x11: {  	[dreg:$0x7] =	wrdreg s1;
	s0 =	simm.s32 $0x40;
	s1 =	simm.s32 $0x0  }
.LBB2_2:
0x12: {  	p0 =	sne.s32 s0, $0x3FC0;
	[tilespmem:s1+$0xE000] =	vst v2;
	s2 =	smov.u32 s0;
	s0 =	sadd.s32 $0x40, s0  }
.Ltmp2:
0x13: {  	[tilespmem:s1+$0xF000] =	vst v2;
	(pc) =	sbr.rel @p0 .LBB2_2-.Ltmp2, $2  }
0x14: {  	_ =	sdelay $0x2  }
0x15: {  	s1 =	sshra.s32 s2, $0x2  }
0x16: {  	[tilespmem:s1+$0xE000] =	vst v2  }
0x17: {  	s29 =	simm.s32 $0x0;
	[tilespmem:s1+$0xF000] =	vst v2;
	s0 =	simm.s32 $0x40;
	s1 =	simm.s32 $0x0  }
.LBB2_4:
0x18: {  	p0 =	sne.s32 s0, $0xFC0;
	[tilespmem:s1+$0x10000] =	vst v2;
	s2 =	smov.u32 s0;
	s0 =	sadd.s32 $0x40, s0  }
.Ltmp3:
0x19: {  	[tilespmem:s1+$0x10400] =	vst v2;
	(pc) =	sbr.rel @p0 .LBB2_4-.Ltmp3, $2  }
0x1a: {  	_ =	sdelay $0x2  }
0x1b: {  	s1 =	sshra.s32 s2, $0x2  }
.Ltmp4:
0x1c: {  	(pc) =	sbr.rel .LBB2_6-.Ltmp4, $3  }
0x1d: {  	_ =	sdelay $0x1  }
0x1e: {  	[tilespmem:s1+$0x10000] =	vst v2  }
0x1f: {  	[tilespmem:s1+$0x10400] =	vst v2  }
.LBB2_42:
0x20: {  	_ = 	snop  }
.LBB2_68:
0x21: {  	_ =	sdelay $0x4  }
0x22: {  	[tilespmem:v11+s26+$0x0] =	vst.idx.msk @p0 vm0, v12  }
0x23: {  	v8 =	vld.idx.msk [tilespmem:v10+s22+$0x0], $0xffff;
	_ =	sdelay $0x4  }
0x24: {  	v8 =	vshrl.u32 v8, $0x16  }
0x25: {  	v9 =	vor.u32 $0x200, v0;
	v8 =	vand.u32 $0x3F0, v8  }
0x26: {  	v8 =	vxor.u32 v9, v8;
	_ =	sdelay $0x3  }
0x27: {  	v61 =	vld.idx.msk [tilespmem:v10+s23+$0x0], $0xffff  }
0x28: {  	v62 =	vld.idx.msk [tilespmem:v8+s21+$0x0], $0xffff;
	_ =	sdelay $0x4  }
0x29: {  	v63 =	vadd.s32 $0x1, v62  }
0x2a: {  	vm15 =	vlt.s32 v62, $0x400;
	[tilespmem:v8+s21+$0x0] =	vst.idx.msk $0xffff, v63  }
0x2b: {  	v8 =	vld.idx.msk [tilespmem:v61+s5+$0x0], $0xffff  }
0x2c: {  	v9 =	vld.idx.msk [tilespmem:v61+s14+$0x0], $0xffff;
	_ =	sdelay $0x3  }
0x2d: {  	[tilespmem:v62+s25+$0x0] =	vst.idx.msk vm15, v8  }
0x2e: {  	[tilespmem:v62+s26+$0x0] =	vst.idx.msk vm15, v9  }
.LBB2_69:
0x2f: {  	s0 =	sadd.s32 s9, s30  }
0x30: {  	s1 =	rddreg [dreg:$0x2];
	s0 =	sshrl.u32 s0, $0x3  }
0x31: {  	s1 =	sadd.s32 s1, s0  }
0x32: {  	[hbm4b:s1+s11] =	stream.strided.scatter [tilespmem:s25], [sflag:$0x1], $0x400, s12, s11, $0x38;
	[tilespmem:$0x11500] =	vst v63  }
0x33: {  	_ =	swait.ge [sflag:s13], $0x400  }
0x34: {  	[sflag:s13] =	ssyncset.done $0x0  }
0x35: {  	s29 =	sadd.s32 $0x1, s29;
	[sflag:s13] =	ssyncadd.s32 $0xFFFFFC00  }
0x36: {  	p0 =	sne.s32 s29, $0x4;
	s31 =	rddreg [dreg:$0x3]  }
.Ltmp5:
0x37: {  	s0 =	sadd.s32 s31, s0;
	(pc) =	sbr.rel @!p0 .LBB2_70-.Ltmp5, $4  }
0x38: {  	[hbm4b:s0+s11] =	stream.strided.scatter [tilespmem:s26], [sflag:$0x1], $0x400, s12, s11, $0x38;
	[tilespmem:$0x11500] =	vst v63  }
0x39: {  	_ =	swait.ge [sflag:s13], $0x400  }
0x3a: {  	[sflag:s13] =	ssyncset.done $0x0  }
0x3b: {  	[sflag:s13] =	ssyncadd.s32 $0xFFFFFC00  }
.LBB2_6:
0x3c: {  	s0 =	sshll.u32 s29, $0x7;
	s1 =	rddreg [dreg:$0x5]  }
0x3d: {  	s30 =	sadd.s32 s1, s0  }
0x3e: {  	s0 =	sadd.s32 s8, s30  }
0x3f: {  	s16 =	rddreg [dreg:$0x0];
	s0 =	sshrl.u32 s0, $0x3  }
0x40: {  	s31 =	simm.s32 $0x0;
	s1 =	sadd.s32 s16, s0  }
0x41: {  	[tilespmem:s31], [sflag:$0x1] =	stream.strided.gather [hbm4b:s1+s11], $0x2000, s12, s11, $0x38;
	[tilespmem:$0x11500] =	vst v63  }
0x42: {  	_ =	swait.ge [sflag:s13], $0x2000  }
0x43: {  	[sflag:s13] =	ssyncset.done $0x0  }
0x44: {  	[sflag:s13] =	ssyncadd.s32 $0xFFFFE000  }
0x45: {  	s28 =	rddreg [dreg:$0x1]  }
0x46: {  	s0 =	sadd.s32 s28, s0  }
0x47: {  	[tilespmem:s14], [sflag:$0x1] =	stream.strided.gather [hbm4b:s0+s11], $0x2000, s12, s11, $0x38;
	[tilespmem:$0x11500] =	vst v63  }
0x48: {  	_ =	swait.ge [sflag:s13], $0x2000  }
0x49: {  	[sflag:s13] =	ssyncset.done $0x0  }
0x4a: {  	s0 =	simm.s32 $0x0;
	[sflag:s13] =	ssyncadd.s32 $0xFFFFE000  }
.LBB2_7:
0x4b: {  	s1 =	sshra.s32 s0, $0x2  }
0x4c: {  	v8 =	vld [tilespmem:s1+$0x0];
	_ =	sdelay $0x4  }
0x4d: {  	vm0 =	vlt.s32 v8, $0x0;
	v9 =	vand.u32 $0x7FFFFFFF, v8;
	v8 =	vxor.u32 $0xFFFFFFFF, v8  }
0x4e: {  	v8 =	vsel vm0, v9, v8  }
0x4f: {  	v9 =	vshrl.u32 v8, $0x18  }
0x50: {  	v10 =	vxor.u32 v3, v9  }
0x51: {  	v12 =	vshrl.u32 v8, $0x10;
	v11 =	vand.u32 $0x7F, v9;
	v10 =	vand.u32 $0xF80, v10  }
0x52: {  	vm9 =	veq.s32 v9, $0xC0;
	v48 =	vand.u32 $0xFF, v12;
	v10 =	vor.u32 v11, v10  }
0x53: {  	v9 =	vor.u32 v1, v48;
	_ =	sdelay $0x2  }
0x54: {  	s2 =	simm.s32 $0xE000;
	[tilespmem:s1+$0x4000] =	vst v8  }
0x55: {  	[tilespmem:v10+s2+$0x0] =	vst.idx.add.s32.msk $0xffff, v4  }
0x56: {  	[tilespmem:v9+s15+$0x0] =	vst.idx.add.s32.msk vm9, v4  }
0x57: {  	v8 =	vld [tilespmem:s1+$0x10];
	_ =	sdelay $0x4  }
0x58: {  	vm10 =	vlt.s32 v8, $0x0;
	v49 =	vand.u32 $0x7FFFFFFF, v8;
	v8 =	vxor.u32 $0xFFFFFFFF, v8  }
0x59: {  	v8 =	vsel vm10, v49, v8  }
0x5a: {  	v9 =	vshrl.u32 v8, $0x18  }
0x5b: {  	v50 =	vxor.u32 v3, v9  }
0x5c: {  	v52 =	vshrl.u32 v8, $0x10;
	v51 =	vand.u32 $0x7F, v9;
	v10 =	vand.u32 $0xF80, v50  }
0x5d: {  	vm11 =	veq.s32 v9, $0xC0;
	v53 =	vand.u32 $0xFF, v52;
	v10 =	vor.u32 v51, v10  }
0x5e: {  	v9 =	vor.u32 v1, v53;
	_ =	sdelay $0x2  }
0x5f: {  	[tilespmem:s1+$0x4010] =	vst v8  }
0x60: {  	[tilespmem:v10+s2+$0x0] =	vst.idx.add.s32.msk $0xffff, v4  }
0x61: {  	[tilespmem:v9+s15+$0x0] =	vst.idx.add.s32.msk vm11, v4  }
0x62: {  	v8 =	vld [tilespmem:s1+$0x20];
	_ =	sdelay $0x4  }
0x63: {  	vm12 =	vlt.s32 v8, $0x0;
	v54 =	vand.u32 $0x7FFFFFFF, v8;
	v8 =	vxor.u32 $0xFFFFFFFF, v8  }
0x64: {  	v8 =	vsel vm12, v54, v8  }
0x65: {  	v9 =	vshrl.u32 v8, $0x18  }
0x66: {  	v55 =	vxor.u32 v3, v9  }
0x67: {  	v57 =	vshrl.u32 v8, $0x10;
	v56 =	vand.u32 $0x7F, v9;
	v10 =	vand.u32 $0xF80, v55  }
0x68: {  	vm13 =	veq.s32 v9, $0xC0;
	v58 =	vand.u32 $0xFF, v57;
	v10 =	vor.u32 v56, v10  }
0x69: {  	v9 =	vor.u32 v1, v58;
	_ =	sdelay $0x2  }
0x6a: {  	[tilespmem:s1+$0x4020] =	vst v8  }
0x6b: {  	[tilespmem:v10+s2+$0x0] =	vst.idx.add.s32.msk $0xffff, v4  }
0x6c: {  	[tilespmem:v9+s15+$0x0] =	vst.idx.add.s32.msk vm13, v4  }
0x6d: {  	v8 =	vld [tilespmem:s1+$0x30];
	_ =	sdelay $0x4  }
0x6e: {  	vm14 =	vlt.s32 v8, $0x0;
	v59 =	vand.u32 $0x7FFFFFFF, v8;
	v8 =	vxor.u32 $0xFFFFFFFF, v8  }
0x6f: {  	v8 =	vsel vm14, v59, v8  }
0x70: {  	v9 =	vshrl.u32 v8, $0x18  }
0x71: {  	v60 =	vxor.u32 v3, v9  }
0x72: {  	v62 =	vshrl.u32 v8, $0x10;
	v61 =	vand.u32 $0x7F, v9;
	v10 =	vand.u32 $0xF80, v60  }
0x73: {  	vm15 =	veq.s32 v9, $0xC0;
	v63 =	vand.u32 $0xFF, v62;
	v10 =	vor.u32 v61, v10  }
0x74: {  	p0 =	sne.s32 s0, $0x7F00;
	v9 =	vor.u32 v1, v63  }
.Ltmp6:
0x75: {  	_ = 	snop;
	(pc) =	sbr.rel @p0 .LBB2_7-.Ltmp6, $4  }
0x76: {  	_ = 	snop  }
0x77: {  	[tilespmem:s1+$0x4030] =	vst v8  }
0x78: {  	[tilespmem:v10+s2+$0x0] =	vst.idx.add.s32.msk $0xffff, v4  }
0x79: {  	s0 =	sadd.s32 $0x100, s0;
	[tilespmem:v9+s15+$0x0] =	vst.idx.add.s32.msk vm15, v4  }
0x7a: {  	v8 =	vld [tilespmem:s2+$0x0];
	[tilespmem:s2+$0x0] =	vst v2;
	s1 =	sand.u32 $0xF0, s31  }
0x7b: {  	v9 =	vld [tilespmem:s1+$0xE100]  }
0x7c: {  	v10 =	vld [tilespmem:s1+$0xE200]  }
0x7d: {  	v11 =	vld [tilespmem:s1+$0xE300]  }
0x7e: {  	v12 =	vld [tilespmem:s1+$0xE400]  }
0x7f: {  	v13 =	vld [tilespmem:s1+$0xE500]  }
0x80: {  	v8 =	vadd.s32 v8, v9;
	v9 =	vld [tilespmem:s1+$0xE600]  }
0x81: {  	v8 =	vadd.s32 v10, v8;
	v10 =	vld [tilespmem:s1+$0xE700]  }
0x82: {  	v8 =	vadd.s32 v11, v8;
	v11 =	vld [tilespmem:s1+$0xE800]  }
0x83: {  	v52 =	vld [tilespmem:s1+$0xE900];
	v8 =	vadd.s32 v12, v8  }
0x84: {  	v53 =	vld [tilespmem:s1+$0xEA00];
	v8 =	vadd.s32 v13, v8  }
0x85: {  	v8 =	vadd.s32 v9, v8;
	v9 =	vld [tilespmem:s1+$0xEB00]  }
0x86: {  	v8 =	vadd.s32 v10, v8;
	v10 =	vld [tilespmem:s1+$0xEC00]  }
0x87: {  	v8 =	vadd.s32 v11, v8;
	v11 =	vld [tilespmem:s1+$0xED00]  }
0x88: {  	v54 =	vld [tilespmem:s1+$0xEE00];
	v8 =	vadd.s32 v52, v8  }
0x89: {  	[tilespmem:s1+$0xE100] =	vst v2;
	v55 =	vld [tilespmem:s1+$0xEF00];
	v8 =	vadd.s32 v53, v8  }
0x8a: {  	[tilespmem:s1+$0xE200] =	vst v2;
	v8 =	vadd.s32 v9, v8  }
0x8b: {  	[tilespmem:s1+$0xE300] =	vst v2;
	v8 =	vadd.s32 v10, v8  }
0x8c: {  	[tilespmem:s1+$0xE400] =	vst v2;
	v8 =	vadd.s32 v11, v8  }
0x8d: {  	[tilespmem:s1+$0xE500] =	vst v2;
	v8 =	vadd.s32 v54, v8  }
0x8e: {  	[tilespmem:s1+$0xE900] =	vst v2;
	v8 =	vadd.s32 v55, v8  }
0x8f: {  	[tilespmem:s1+$0xEA00] =	vst v2;
	(xrf0) =	vadd.scan.msk.s32 $0xffff, v8  }
0x90: {  	[tilespmem:s1+$0xEE00] =	vst v2  }
0x91: {  	[tilespmem:s1+$0xEF00] =	vst v2  }
0x92: {  	[tilespmem:s1+$0xE600] =	vst v2  }
0x93: {  	[tilespmem:s1+$0xE700] =	vst v2  }
0x94: {  	[tilespmem:s1+$0xE800] =	vst v2  }
0x95: {  	[tilespmem:s1+$0xEB00] =	vst v2;
	v8, _, _ =	vpop (xrf0)  }
0x96: {  	[tilespmem:s1+$0xEC00] =	vst v2;
	v8 =	vadd.s32 s31, v8  }
0x97: {  	s0 =	simm.s32 $0x10C00;
	[tilespmem:s1+$0xED00] =	vst v2;
	v9 =	vxor.u32 $0x80000000, v8  }
0x98: {  	s28 =	simm.s32 $0x10;
	s31 =	simm.s32 $0xE010;
	[tilespmem:s0+$0x0] =	vst v8;
	(xrf0) =	vmax.scan.msk.u32 $0xffff, v9  }
0x99: {  	s1 =	sand.u32 $0xF0, s28;
	v10 =	vld [tilespmem:s31+$0x0];
	[tilespmem:s31+$0x0] =	vst v2  }
0x9a: {  	v9 =	vld [tilespmem:s1+$0xE100]  }
0x9b: {  	v11 =	vld [tilespmem:s1+$0xE200]  }
0x9c: {  	v56 =	vld [tilespmem:s1+$0xE300]  }
0x9d: {  	v57 =	vld [tilespmem:s1+$0xE400]  }
0x9e: {  	v14 =	vld [tilespmem:s1+$0xE500];
	v15, _, _ =	vpop (xrf0)  }
0x9f: {  	v9 =	vadd.s32 v10, v9;
	v10 =	vld [tilespmem:s1+$0xE600];
	(v2sf) =	vpush v15, $0xF  }
0xa0: {  	[tilespmem:s1+$0xE100] =	vst v2;
	v9 =	vadd.s32 v11, v9;
	v11 =	vld [tilespmem:s1+$0xE700]  }
0xa1: {  	[tilespmem:s1+$0xE200] =	vst v2;
	v58 =	vld [tilespmem:s1+$0xE800];
	v9 =	vadd.s32 v56, v9  }
0xa2: {  	[tilespmem:s1+$0xE300] =	vst v2;
	v59 =	vld [tilespmem:s1+$0xE900];
	v9 =	vadd.s32 v57, v9  }
0xa3: {  	[tilespmem:s1+$0xE400] =	vst v2;
	v60 =	vld [tilespmem:s1+$0xEA00];
	v9 =	vadd.s32 v14, v9  }
0xa4: {  	[tilespmem:s1+$0xE500] =	vst v2;
	v9 =	vadd.s32 v10, v9;
	v10 =	vld [tilespmem:s1+$0xEB00]  }
0xa5: {  	[tilespmem:s1+$0xE800] =	vst v2;
	v9 =	vadd.s32 v11, v9;
	v11 =	vld [tilespmem:s1+$0xEC00]  }
0xa6: {  	v61 =	vld [tilespmem:s1+$0xED00];
	[tilespmem:s1+$0xE900] =	vst v2;
	v9 =	vadd.s32 v58, v9  }
0xa7: {  	v62 =	vld [tilespmem:s1+$0xEE00];
	[tilespmem:s1+$0xEA00] =	vst v2;
	v9 =	vadd.s32 v59, v9  }
0xa8: {  	v63 =	vld [tilespmem:s1+$0xEF00];
	[tilespmem:s1+$0xED00] =	vst v2;
	v9 =	vadd.s32 v60, v9  }
0xa9: {  	[tilespmem:s1+$0xEE00] =	vst v2;
	v9 =	vadd.s32 v10, v9  }
0xaa: {  	[tilespmem:s1+$0xEF00] =	vst v2;
	v9 =	vadd.s32 v11, v9  }
0xab: {  	[tilespmem:s1+$0xE600] =	vst v2;
	v9 =	vadd.s32 v61, v9  }
0xac: {  	vm0 =	vlt.s32 v8, $0x400;
	[tilespmem:s1+$0xE700] =	vst v2;
	v8 =	vadd.s32 v62, v9  }
0xad: {  	[tilespmem:s1+$0xEB00] =	vst v2;
	v10 =	vsel vm0, $0x1, v2;
	v9 =	vimm.s32 $0x0;
	v11 =	vadd.s32 v63, v8  }
0xae: {  	s2 =	simm.s32 $0x20;
	[tilespmem:s1+$0xEC00] =	vst v2;
	v8 =	vadd.s32 v10, v9;
	(xrf0) =	vadd.scan.msk.s32 $0xffff, v11;
	s3 =	spop (v2sf)  }
.LBB2_9:
0xaf: {  	s3 =	sxor.u32 $0x80000000, s3  }
0xb0: {  	s0 =	sadd.s32 $0x10, s0;
	s4 =	smov.u32 s2;
	s1 =	sadd.s32 $0x10, s2  }
0xb1: {  	p0 =	sne.s32 s2, $0xF0;
	_ =	sdelay $0x3  }
0xb2: {  	v9, _, _ =	vpop (xrf0)  }
0xb3: {  	v9 =	vadd.s32 s3, v9  }
0xb4: {  	s31 =	sadd.s32 $0x10, s31;
	[tilespmem:s0+$0x0] =	vst v9;
	vm0 =	vlt.s32 v9, $0x400;
	v9 =	vxor.u32 $0x80000000, v9  }
0xb5: {  	v10 =	vld [tilespmem:s31+$0x0];
	v11 =	vsel vm0, $0x1, v2;
	(xrf0) =	vmax.scan.msk.u32 $0xffff, v9  }
0xb6: {  	s2 =	sand.u32 $0xF0, s4;
	[tilespmem:s31+$0x0] =	vst v2;
	v8 =	vadd.s32 v11, v8  }
0xb7: {  	v9 =	vld [tilespmem:s2+$0xE100]  }
0xb8: {  	[tilespmem:s2+$0xE100] =	vst v2;
	v11 =	vld [tilespmem:s2+$0xE200]  }
0xb9: {  	[tilespmem:s2+$0xE200] =	vst v2;
	v12 =	vld [tilespmem:s2+$0xE300]  }
0xba: {  	[tilespmem:s2+$0xE300] =	vst v2;
	v13 =	vld [tilespmem:s2+$0xE400]  }
0xbb: {  	[tilespmem:s2+$0xE400] =	vst v2;
	v14 =	vld [tilespmem:s2+$0xE500];
	v15, _, _ =	vpop (xrf0)  }
0xbc: {  	v9 =	vadd.s32 v10, v9;
	[tilespmem:s2+$0xE500] =	vst v2;
	v10 =	vld [tilespmem:s2+$0xE600];
	(v2sf) =	vpush v15, $0xF  }
0xbd: {  	v9 =	vadd.s32 v11, v9;
	[tilespmem:s2+$0xE600] =	vst v2;
	v11 =	vld [tilespmem:s2+$0xE700]  }
0xbe: {  	v9 =	vadd.s32 v12, v9;
	[tilespmem:s2+$0xE700] =	vst v2;
	v12 =	vld [tilespmem:s2+$0xE800]  }
0xbf: {  	v9 =	vadd.s32 v13, v9;
	[tilespmem:s2+$0xE800] =	vst v2;
	v13 =	vld [tilespmem:s2+$0xE900]  }
0xc0: {  	v9 =	vadd.s32 v14, v9;
	[tilespmem:s2+$0xE900] =	vst v2;
	v14 =	vld [tilespmem:s2+$0xEA00]  }
0xc1: {  	v9 =	vadd.s32 v10, v9;
	[tilespmem:s2+$0xEA00] =	vst v2;
	v10 =	vld [tilespmem:s2+$0xEB00]  }
0xc2: {  	v9 =	vadd.s32 v11, v9;
	[tilespmem:s2+$0xEB00] =	vst v2;
	v11 =	vld [tilespmem:s2+$0xEC00]  }
0xc3: {  	v9 =	vadd.s32 v12, v9;
	[tilespmem:s2+$0xEC00] =	vst v2;
	v12 =	vld [tilespmem:s2+$0xED00]  }
0xc4: {  	v9 =	vadd.s32 v13, v9;
	[tilespmem:s2+$0xED00] =	vst v2;
	v13 =	vld [tilespmem:s2+$0xEE00]  }
0xc5: {  	v9 =	vadd.s32 v14, v9;
	[tilespmem:s2+$0xEE00] =	vst v2;
	v14 =	vld [tilespmem:s2+$0xEF00]  }
0xc6: {  	v9 =	vadd.s32 v10, v9;
	[tilespmem:s2+$0xEF00] =	vst v2  }
.Ltmp7:
0xc7: {  	v9 =	vadd.s32 v11, v9;
	(pc) =	sbr.rel @p0 .LBB2_9-.Ltmp7, $4  }
0xc8: {  	v9 =	vadd.s32 v12, v9  }
0xc9: {  	v9 =	vadd.s32 v13, v9  }
0xca: {  	v9 =	vadd.s32 v14, v9  }
0xcb: {  	s2 =	smov.u32 s1;
	(xrf0) =	vadd.scan.msk.s32 $0xffff, v9;
	s3 =	spop (v2sf)  }
0xcc: {  	_ =	sdelay $0x4  }
0xcd: {  	s1 =	sxor.u32 $0x80000000, s3;
	v9, _, _ =	vpop (xrf0)  }
0xce: {  	v9 =	vadd.s32 s1, v9  }
0xcf: {  	vm0 =	vlt.s32 v9, $0x400  }
0xd0: {  	v10 =	vxor.u32 $0x80000000, v9;
	v11 =	vsel vm0, $0x1, v2  }
0xd1: {  	(xrf0) =	vmax.scan.msk.u32 $0xffff, v10;
	v8 =	vadd.s32 v11, v8  }
0xd2: {  	(xrf0) =	vadd.scan.msk.s32 $0xffff, v8;
	_ =	sdelay $0x4  }
0xd3: {  	v8, _, _ =	vpop (xrf0)  }
0xd4: {  	(v2sf) =	vpush v8, $0xF;
	v8, _, _ =	vpop (xrf0)  }
0xd5: {  	(v2sf) =	vpush v8, $0xF;
	_ =	sdelay $0xd  }
0xd6: {  	s16 =	spop (v2sf)  }
0xd7: {  	s31 =	spop (v2sf)  }
0xd8: {  	s1 =	sadd.s32 $0xFFFFFFFF, s31  }
0xd9: {  	p0 =	sgt.s32 s1, $0x0  }
0xda: {  	s1 =	simm.s32 @!p0 $0x0  }
0xdb: {  	v10 =	vmov s1  }
0xdc: {  	v10 =	vbroadcast v10, $0x0;
	_ =	sdelay $0x3  }
0xdd: {  	s0 =	sadd.s32 $0x10, s0  }
0xde: {  	s28 =	simm.s32 $0x10C00;
	[tilespmem:s0+$0x0] =	vst v9  }
0xdf: {  	v9 =	vld.idx.msk [tilespmem:v10+s28+$0x0], $0xffff;
	_ =	sdelay $0x4  }
0xe0: {  	v9 =	vxor.u32 $0x80000000, v9  }
0xe1: {  	(xrf0) =	vmax.scan.msk.u32 $0xffff, v9;
	_ =	sdelay $0x5  }
0xe2: {  	v9, _, _ =	vpop (xrf0)  }
0xe3: {  	(v2sf) =	vpush v9, $0xF;
	_ =	sdelay $0x9  }
0xe4: {  	p0 =	seq.s32 s31, $0x40  }
.Ltmp8:
0xe5: {  	_ = 	snop;
	(pc) =	sbr.rel @p0 .LBB2_15-.Ltmp8, $2  }
0xe6: {  	_ =	sdelay $0x2  }
0xe7: {  	s6 =	simm.s32 $0x0;
	s0 =	spop (v2sf)  }
0xe8: {  	s1 =	simm.s32 $0x40;
	s2 =	simm.s32 $0x0  }
.LBB2_12:
0xe9: {  	p0 =	seq.s32 s1, $0x3FC0;
	[tilespmem:s2+$0xF000] =	vst v2;
	s2 =	smov.u32 s1;
	s1 =	sadd.s32 $0x40, s1  }
.Ltmp9:
0xea: {  	(pc) =	sbr.rel @!p0 .LBB2_12-.Ltmp9, $2  }
0xeb: {  	_ =	sdelay $0x2  }
0xec: {  	s2 =	sshra.s32 s2, $0x2  }
0xed: {  	[tilespmem:s2+$0xF000] =	vst v2;
	v8 =	vbroadcast v8, $0xF;
	s1 =	simm.s32 $0x0  }
.LBB2_14:
0xee: {  	s2 =	sshra.s32 s1, $0x2  }
0xef: {  	v9 =	vld [tilespmem:s2+$0x4000];
	_ =	sdelay $0x4  }
0xf0: {  	v10 =	vshrl.u32 v9, $0x18  }
0xf1: {  	v9 =	vshrl.u32 v9, $0x10;
	v10 =	vxor.u32 v8, v10  }
0xf2: {  	v9 =	vand.u32 $0xFF, v9;
	vm0 =	veq.s32 v10, $0x80  }
0xf3: {  	v9 =	vor.u32 v1, v9;
	_ =	sdelay $0x4  }
0xf4: {  	[tilespmem:v9+s15+$0x0] =	vst.idx.add.s32.msk vm0, v4  }
0xf5: {  	v9 =	vld [tilespmem:s2+$0x4010];
	_ =	sdelay $0x4  }
0xf6: {  	v10 =	vshrl.u32 v9, $0x18  }
0xf7: {  	v9 =	vshrl.u32 v9, $0x10;
	v10 =	vxor.u32 v8, v10  }
0xf8: {  	v9 =	vand.u32 $0xFF, v9;
	vm13 =	veq.s32 v10, $0x80  }
0xf9: {  	v9 =	vor.u32 v1, v9;
	_ =	sdelay $0x4  }
0xfa: {  	[tilespmem:v9+s15+$0x0] =	vst.idx.add.s32.msk vm13, v4  }
0xfb: {  	v9 =	vld [tilespmem:s2+$0x4020];
	_ =	sdelay $0x4  }
0xfc: {  	v10 =	vshrl.u32 v9, $0x18  }
0xfd: {  	v9 =	vshrl.u32 v9, $0x10;
	v10 =	vxor.u32 v8, v10  }
0xfe: {  	v9 =	vand.u32 $0xFF, v9;
	vm14 =	veq.s32 v10, $0x80  }
0xff: {  	v9 =	vor.u32 v1, v9;
	_ =	sdelay $0x4  }
0x100: {  	[tilespmem:v9+s15+$0x0] =	vst.idx.add.s32.msk vm14, v4  }
0x101: {  	v9 =	vld [tilespmem:s2+$0x4030];
	_ =	sdelay $0x4  }
0x102: {  	v10 =	vshrl.u32 v9, $0x18  }
0x103: {  	v9 =	vshrl.u32 v9, $0x10;
	v10 =	vxor.u32 v8, v10  }
0x104: {  	v9 =	vand.u32 $0xFF, v9;
	vm15 =	veq.s32 v10, $0x80  }
0x105: {  	p0 =	sne.s32 s1, $0x7F00;
	v9 =	vor.u32 v1, v9  }
.Ltmp10:
0x106: {  	_ = 	snop;
	(pc) =	sbr.rel @p0 .LBB2_14-.Ltmp10, $2  }
0x107: {  	_ =	sdelay $0x2  }
0x108: {  	s1 =	sadd.s32 $0x100, s1;
	[tilespmem:v9+s15+$0x0] =	vst.idx.add.s32.msk vm15, v4  }
.LBB2_15:
0x109: {  	s1 =	simm.s32 $0xF000  }
0x10a: {  	s7 =	sand.u32 $0xF0, s6;
	v8 =	vld [tilespmem:s1+$0x0];
	[tilespmem:s1+$0x0] =	vst v2  }
0x10b: {  	v9 =	vld [tilespmem:s7+$0xF100]  }
0x10c: {  	v10 =	vld [tilespmem:s7+$0xF200]  }
0x10d: {  	v11 =	vld [tilespmem:s7+$0xF300]  }
0x10e: {  	v12 =	vld [tilespmem:s7+$0xF400]  }
0x10f: {  	v13 =	vld [tilespmem:s7+$0xF500]  }
0x110: {  	v8 =	vadd.s32 v8, v9;
	v9 =	vld [tilespmem:s7+$0xF600]  }
0x111: {  	v8 =	vadd.s32 v10, v8;
	v10 =	vld [tilespmem:s7+$0xF700]  }
0x112: {  	v8 =	vadd.s32 v11, v8;
	v11 =	vld [tilespmem:s7+$0xF800]  }
0x113: {  	v51 =	vld [tilespmem:s7+$0xF900];
	v8 =	vadd.s32 v12, v8  }
0x114: {  	v52 =	vld [tilespmem:s7+$0xFA00];
	v8 =	vadd.s32 v13, v8  }
0x115: {  	v8 =	vadd.s32 v9, v8;
	v9 =	vld [tilespmem:s7+$0xFB00]  }
0x116: {  	v8 =	vadd.s32 v10, v8;
	v10 =	vld [tilespmem:s7+$0xFC00]  }
0x117: {  	v8 =	vadd.s32 v11, v8;
	v11 =	vld [tilespmem:s7+$0xFD00]  }
0x118: {  	v53 =	vld [tilespmem:s7+$0xFE00];
	[tilespmem:s7+$0xF100] =	vst v2;
	v8 =	vadd.s32 v51, v8  }
0x119: {  	v54 =	vld [tilespmem:s7+$0xFF00];
	[tilespmem:s7+$0xF200] =	vst v2;
	v8 =	vadd.s32 v52, v8  }
0x11a: {  	[tilespmem:s7+$0xF300] =	vst v2;
	v8 =	vadd.s32 v9, v8  }
0x11b: {  	[tilespmem:s7+$0xF400] =	vst v2;
	v8 =	vadd.s32 v10, v8  }
0x11c: {  	[tilespmem:s7+$0xF500] =	vst v2;
	v8 =	vadd.s32 v11, v8  }
0x11d: {  	[tilespmem:s7+$0xF900] =	vst v2;
	v8 =	vadd.s32 v53, v8  }
0x11e: {  	[tilespmem:s7+$0xFA00] =	vst v2;
	v8 =	vadd.s32 v54, v8  }
0x11f: {  	[tilespmem:s7+$0xFE00] =	vst v2;
	(xrf0) =	vadd.scan.msk.s32 $0xffff, v8  }
0x120: {  	[tilespmem:s7+$0xFF00] =	vst v2  }
0x121: {  	[tilespmem:s7+$0xF600] =	vst v2  }
0x122: {  	[tilespmem:s7+$0xF700] =	vst v2  }
0x123: {  	[tilespmem:s7+$0xF800] =	vst v2  }
0x124: {  	[tilespmem:s7+$0xFB00] =	vst v2  }
0x125: {  	[tilespmem:s7+$0xFC00] =	vst v2;
	v8, _, _ =	vpop (xrf0)  }
0x126: {  	s10 =	simm.s32 $0xF010;
	s2 =	simm.s32 $0x10;
	[tilespmem:s7+$0xFD00] =	vst v2;
	v9 =	vadd.s32 s6, v8  }
0x127: {  	s16 =	sand.u32 $0xF0, s2;
	v10 =	vld [tilespmem:s10+$0x0];
	[tilespmem:s10+$0x0] =	vst v2;
	v8 =	vxor.u32 $0x80000000, v9  }
0x128: {  	(xrf0) =	vmax.scan.msk.u32 $0xffff, v8;
	v8 =	vld [tilespmem:s16+$0xF100]  }
0x129: {  	v11 =	vld [tilespmem:s16+$0xF200]  }
0x12a: {  	v55 =	vld [tilespmem:s16+$0xF300]  }
0x12b: {  	v56 =	vld [tilespmem:s16+$0xF400]  }
0x12c: {  	v14 =	vld [tilespmem:s16+$0xF500]  }
0x12d: {  	v8 =	vadd.s32 v10, v8;
	v10 =	vld [tilespmem:s16+$0xF600]  }
0x12e: {  	v8 =	vadd.s32 v11, v8;
	v11 =	vld [tilespmem:s16+$0xF700]  }
0x12f: {  	v57 =	vld [tilespmem:s16+$0xF800];
	v8 =	vadd.s32 v55, v8  }
0x130: {  	v58 =	vld [tilespmem:s16+$0xF900];
	v15, _, _ =	vpop (xrf0);
	v8 =	vadd.s32 v56, v8  }
0x131: {  	[tilespmem:s16+$0xF200] =	vst v2;
	v59 =	vld [tilespmem:s16+$0xFA00];
	(v2sf) =	vpush v15, $0xF;
	v8 =	vadd.s32 v14, v8  }
0x132: {  	[tilespmem:s16+$0xF300] =	vst v2;
	v8 =	vadd.s32 v10, v8;
	v10 =	vld [tilespmem:s16+$0xFB00]  }
0x133: {  	[tilespmem:s16+$0xF400] =	vst v2;
	v8 =	vadd.s32 v11, v8;
	v11 =	vld [tilespmem:s16+$0xFC00]  }
0x134: {  	[tilespmem:s16+$0xF500] =	vst v2;
	v60 =	vld [tilespmem:s16+$0xFD00];
	v8 =	vadd.s32 v57, v8  }
0x135: {  	[tilespmem:s16+$0xF800] =	vst v2;
	v61 =	vld [tilespmem:s16+$0xFE00];
	v8 =	vadd.s32 v58, v8  }
0x136: {  	s0 =	sxor.u32 $0x80000000, s0;
	[tilespmem:s16+$0xF900] =	vst v2;
	v62 =	vld [tilespmem:s16+$0xFF00];
	v8 =	vadd.s32 v59, v8  }
0x137: {  	p0 =	seq.s32 s31, $0x0;
	s0 =	ssub.s32 $0x400, s0;
	[tilespmem:s16+$0xFA00] =	vst v2;
	v8 =	vadd.s32 v10, v8  }
0x138: {  	s0 =	simm.s32 @p0 $0x400;
	[tilespmem:s16+$0xFD00] =	vst v2;
	v10 =	vadd.s32 v11, v8  }
0x139: {  	[tilespmem:s16+$0xFE00] =	vst v2;
	v8 =	vmov s0;
	v10 =	vadd.s32 v60, v10  }
0x13a: {  	[tilespmem:s16+$0xFF00] =	vst v2;
	vm0 =	vlt.s32 v9, v8;
	v9 =	vadd.s32 v61, v10  }
0x13b: {  	[tilespmem:s16+$0xF100] =	vst v2;
	v13 =	vadd.s32 v62, v9  }
0x13c: {  	[tilespmem:s16+$0xF600] =	vst v2;
	(xrf0) =	vadd.scan.msk.s32 $0xffff, v13  }
0x13d: {  	[tilespmem:s16+$0xF700] =	vst v2  }
0x13e: {  	[tilespmem:s16+$0xFB00] =	vst v2  }
0x13f: {  	s28 =	simm.s32 $0x20;
	s1 =	simm.s32 $0xF020;
	[tilespmem:s16+$0xFC00] =	vst v2;
	v11 =	vimm.s32 $0x0;
	v63 =	vsel vm0, $0x1, v2  }
0x140: {  	s2 =	simm.s32 $0x30;
	s0 =	sand.u32 $0xF0, s28;
	v10 =	vld [tilespmem:s1+$0x0];
	[tilespmem:s1+$0x0] =	vst v2;
	v9 =	vadd.s32 v63, v11;
	s3 =	spop (v2sf)  }
.LBB2_16:
0x141: {  	p0 =	sne.s32 s2, $0xF0  }
0x142: {  	v11 =	vld [tilespmem:s0+$0xF100];
	v12, _, _ =	vpop (xrf0);
	s3 =	sxor.u32 $0x80000000, s3;
	s6 =	smov.u32 s2;
	s2 =	sadd.s32 $0x10, s2  }
0x143: {  	[tilespmem:s0+$0xF100] =	vst v2;
	v13 =	vld [tilespmem:s0+$0xF200];
	v12 =	vadd.s32 s3, v12  }
0x144: {  	[tilespmem:s0+$0xF200] =	vst v2;
	v14 =	vld [tilespmem:s0+$0xF300];
	vm0 =	vlt.s32 v12, v8;
	v12 =	vxor.u32 $0x80000000, v12  }
0x145: {  	[tilespmem:s0+$0xF300] =	vst v2;
	v15 =	vld [tilespmem:s0+$0xF400];
	v16 =	vsel vm0, $0x1, v2;
	(xrf0) =	vmax.scan.msk.u32 $0xffff, v12  }
0x146: {  	[tilespmem:s0+$0xF400] =	vst v2;
	v12 =	vld [tilespmem:s0+$0xF500];
	v9 =	vadd.s32 v16, v9  }
0x147: {  	v10 =	vadd.s32 v10, v11;
	[tilespmem:s0+$0xF500] =	vst v2;
	v11 =	vld [tilespmem:s0+$0xF600]  }
0x148: {  	v10 =	vadd.s32 v13, v10;
	[tilespmem:s0+$0xF600] =	vst v2;
	v13 =	vld [tilespmem:s0+$0xF700]  }
0x149: {  	v10 =	vadd.s32 v14, v10;
	[tilespmem:s0+$0xF700] =	vst v2;
	v14 =	vld [tilespmem:s0+$0xF800]  }
0x14a: {  	v10 =	vadd.s32 v15, v10;
	[tilespmem:s0+$0xF800] =	vst v2;
	v15 =	vld [tilespmem:s0+$0xF900]  }
0x14b: {  	v10 =	vadd.s32 v12, v10;
	[tilespmem:s0+$0xF900] =	vst v2;
	v12 =	vld [tilespmem:s0+$0xFA00];
	v16, _, _ =	vpop (xrf0)  }
0x14c: {  	v10 =	vadd.s32 v11, v10;
	[tilespmem:s0+$0xFA00] =	vst v2;
	v11 =	vld [tilespmem:s0+$0xFB00];
	(v2sf) =	vpush v16, $0xF  }
0x14d: {  	v10 =	vadd.s32 v13, v10;
	[tilespmem:s0+$0xFB00] =	vst v2;
	v13 =	vld [tilespmem:s0+$0xFC00]  }
0x14e: {  	v10 =	vadd.s32 v14, v10;
	[tilespmem:s0+$0xFC00] =	vst v2;
	v14 =	vld [tilespmem:s0+$0xFD00]  }
0x14f: {  	v10 =	vadd.s32 v15, v10;
	[tilespmem:s0+$0xFD00] =	vst v2;
	v15 =	vld [tilespmem:s0+$0xFE00]  }
0x150: {  	v10 =	vadd.s32 v12, v10;
	[tilespmem:s0+$0xFE00] =	vst v2;
	v12 =	vld [tilespmem:s0+$0xFF00]  }
0x151: {  	v10 =	vadd.s32 v11, v10;
	[tilespmem:s0+$0xFF00] =	vst v2  }
0x152: {  	v10 =	vadd.s32 v13, v10  }
0x153: {  	v10 =	vadd.s32 v14, v10  }
0x154: {  	v10 =	vadd.s32 v15, v10  }
0x155: {  	v10 =	vadd.s32 v12, v10  }
0x156: {  	(xrf0) =	vadd.scan.msk.s32 $0xffff, v10  }
.Ltmp11:
0x157: {  	(pc) =	sbr.rel @p0 .LBB2_16-.Ltmp11, $4  }
0x158: {  	_ = 	snop  }
0x159: {  	s1 =	sadd.s32 $0x10, s1  }
0x15a: {  	v10 =	vld [tilespmem:s1+$0x0]  }
0x15b: {  	s0 =	sand.u32 $0xF0, s6;
	[tilespmem:s1+$0x0] =	vst v2;
	s3 =	spop (v2sf)  }
0x15c: {  	v11 =	vld [tilespmem:s0+$0xF100];
	v18, _, _ =	vpop (xrf0);
	s1 =	sxor.u32 $0x80000000, s3  }
0x15d: {  	v12 =	vld [tilespmem:s0+$0xF200];
	v18 =	vadd.s32 s1, v18  }
0x15e: {  	v13 =	vld [tilespmem:s0+$0xF300];
	v20 =	vxor.u32 $0x80000000, v18  }
0x15f: {  	v14 =	vld [tilespmem:s0+$0xF400];
	(xrf0) =	vmax.scan.msk.u32 $0xffff, v20  }
0x160: {  	v15 =	vld [tilespmem:s0+$0xF500]  }
0x161: {  	v16 =	vld [tilespmem:s0+$0xF600];
	v10 =	vadd.s32 v10, v11  }
0x162: {  	v17 =	vld [tilespmem:s0+$0xF700];
	v10 =	vadd.s32 v12, v10  }
0x163: {  	v19 =	vld [tilespmem:s0+$0xF800];
	v10 =	vadd.s32 v13, v10  }
0x164: {  	v21 =	vld [tilespmem:s0+$0xF900];
	v10 =	vadd.s32 v14, v10  }
0x165: {  	v58 =	vld [tilespmem:s0+$0xFA00];
	v10 =	vadd.s32 v15, v10;
	v60, _, _ =	vpop (xrf0)  }
0x166: {  	v11 =	vld [tilespmem:s0+$0xFB00];
	v10 =	vadd.s32 v16, v10;
	(v2sf) =	vpush v60, $0xF  }
0x167: {  	v59 =	vld [tilespmem:s0+$0xFC00];
	v10 =	vadd.s32 v17, v10  }
0x168: {  	v61 =	vld [tilespmem:s0+$0xFD00];
	v10 =	vadd.s32 v19, v10  }
0x169: {  	v62 =	vld [tilespmem:s0+$0xFE00];
	v10 =	vadd.s32 v21, v10  }
0x16a: {  	v63 =	vld [tilespmem:s0+$0xFF00];
	v10 =	vadd.s32 v58, v10  }
0x16b: {  	v10 =	vadd.s32 v11, v10  }
0x16c: {  	v10 =	vadd.s32 v59, v10  }
0x16d: {  	v10 =	vadd.s32 v61, v10  }
0x16e: {  	v10 =	vadd.s32 v62, v10  }
0x16f: {  	v10 =	vadd.s32 v63, v10  }
0x170: {  	(xrf0) =	vadd.scan.msk.s32 $0xffff, v10;
	_ =	sdelay $0x4  }
0x171: {  	s16 =	spop (v2sf)  }
0x172: {  	v10, _, _ =	vpop (xrf0);
	s1 =	sxor.u32 $0x80000000, s16  }
0x173: {  	vm0 =	vlt.s32 v18, v8;
	v10 =	vadd.s32 s1, v10  }
0x174: {  	v11 =	vsel vm0, $0x1, v2;
	vm15 =	vlt.s32 v10, v8  }
0x175: {  	v8 =	vadd.s32 v11, v9;
	v9 =	vxor.u32 $0x80000000, v10;
	v10 =	vsel vm15, $0x1, v2  }
0x176: {  	(xrf0) =	vmax.scan.msk.u32 $0xffff, v9;
	v8 =	vadd.s32 v10, v8  }
0x177: {  	(xrf0) =	vadd.scan.msk.s32 $0xffff, v8;
	_ =	sdelay $0x4  }
0x178: {  	v8, _, _ =	vpop (xrf0)  }
0x179: {  	(v2sf) =	vpush v8, $0xF;
	v8, _, _ =	vpop (xrf0)  }
0x17a: {  	(v2sf) =	vpush v8, $0xF;
	_ =	sdelay $0x3  }
0x17b: {  	[tilespmem:s0+$0xF100] =	vst v2  }
0x17c: {  	[tilespmem:s0+$0xF200] =	vst v2  }
0x17d: {  	[tilespmem:s0+$0xF300] =	vst v2  }
0x17e: {  	[tilespmem:s0+$0xF400] =	vst v2  }
0x17f: {  	[tilespmem:s0+$0xF500] =	vst v2  }
0x180: {  	[tilespmem:s0+$0xF600] =	vst v2  }
0x181: {  	[tilespmem:s0+$0xF700] =	vst v2  }
0x182: {  	[tilespmem:s0+$0xF800] =	vst v2  }
0x183: {  	[tilespmem:s0+$0xF900] =	vst v2  }
0x184: {  	[tilespmem:s0+$0xFA00] =	vst v2  }
0x185: {  	[tilespmem:s0+$0xFC00] =	vst v2;
	s28 =	spop (v2sf)  }
0x186: {  	[tilespmem:s0+$0xFD00] =	vst v2;
	s2 =	sshll.u32 s31, $0x18;
	s1 =	spop (v2sf)  }
0x187: {  	[tilespmem:s0+$0xFE00] =	vst v2;
	s2 =	sxor.u32 $0x8000FFFF, s2;
	s1 =	sshll.u32 s1, $0x10  }
0x188: {  	[tilespmem:s0+$0xFF00] =	vst v2;
	s1 =	sor.u32 s1, s2  }
0x189: {  	[tilespmem:s0+$0xFB00] =	vst v2;
	s0 =	simm.s32 $0x0;
	v8 =	vmov v5;
	v9 =	vmov s1;
	s1 =	simm.s32 $0x0  }
.LBB2_18:
0x18a: {  	v10 =	vor.u32 s0, v5;
	_ =	sdelay $0x4  }
0x18b: {  	v11 =	vld.idx.msk [tilespmem:v10+s17+$0x0], $0xffff;
	_ =	sdelay $0x4  }
0x18c: {  	vm0 =	vle.s32 v11, v9  }
0x18d: {  	v12 =	vshll.u32 v11, $0x4  }
0x18e: {  	v12 =	vor.u32 v0, v12  }
0x18f: {  	s2 =	sadd.s32 $0x1, s0;
	v12 =	vand.u32 $0x3FF, v12  }
0x190: {  	v13 =	vor.u32 s2, v5;
	_ =	sdelay $0x1  }
0x191: {  	[tilespmem:v8+s18+$0x0] =	vst.idx.msk vm0, v11  }
0x192: {  	[tilespmem:v8+s19+$0x0] =	vst.idx.msk vm0, v10  }
0x193: {  	[tilespmem:v12+s20+$0x0] =	vst.idx.add.s32.msk vm0, v4  }
0x194: {  	v10 =	vld.idx.msk [tilespmem:v13+s17+$0x0], $0xffff;
	_ =	sdelay $0x4  }
0x195: {  	v11 =	vsel vm0, $0x1, v2;
	vm13 =	vle.s32 v10, v9  }
0x196: {  	v8 =	vadd.s32 v11, v8;
	v11 =	vshll.u32 v10, $0x4  }
0x197: {  	v11 =	vor.u32 v0, v11  }
0x198: {  	s28 =	sadd.s32 $0x2, s0;
	v11 =	vand.u32 $0x3FF, v11  }
0x199: {  	v62 =	vor.u32 s28, v5;
	_ =	sdelay $0x1  }
0x19a: {  	[tilespmem:v8+s18+$0x0] =	vst.idx.msk vm13, v10  }
0x19b: {  	[tilespmem:v8+s19+$0x0] =	vst.idx.msk vm13, v13  }
0x19c: {  	[tilespmem:v11+s20+$0x0] =	vst.idx.add.s32.msk vm13, v4  }
0x19d: {  	v10 =	vld.idx.msk [tilespmem:v62+s17+$0x0], $0xffff;
	_ =	sdelay $0x4  }
0x19e: {  	v11 =	vsel vm13, $0x1, v2;
	vm14 =	vle.s32 v10, v9  }
0x19f: {  	v8 =	vadd.s32 v11, v8;
	v11 =	vshll.u32 v10, $0x4  }
0x1a0: {  	v11 =	vor.u32 v0, v11  }
0x1a1: {  	s31 =	sadd.s32 $0x3, s0;
	v11 =	vand.u32 $0x3FF, v11  }
0x1a2: {  	v63 =	vor.u32 s31, v5;
	_ =	sdelay $0x1  }
0x1a3: {  	[tilespmem:v8+s18+$0x0] =	vst.idx.msk vm14, v10  }
0x1a4: {  	[tilespmem:v8+s19+$0x0] =	vst.idx.msk vm14, v62  }
0x1a5: {  	[tilespmem:v11+s20+$0x0] =	vst.idx.add.s32.msk vm14, v4  }
0x1a6: {  	v10 =	vld.idx.msk [tilespmem:v63+s17+$0x0], $0xffff;
	_ =	sdelay $0x4  }
0x1a7: {  	v11 =	vsel vm14, $0x1, v2;
	vm15 =	vle.s32 v10, v9  }
0x1a8: {  	v8 =	vadd.s32 v11, v8;
	v11 =	vshll.u32 v10, $0x4  }
0x1a9: {  	v11 =	vor.u32 v0, v11  }
0x1aa: {  	p0 =	seq.s32 s0, $0x1FC;
	v11 =	vand.u32 $0x3FF, v11  }
.Ltmp12:
0x1ab: {  	_ = 	snop;
	(pc) =	sbr.rel @!p0 .LBB2_18-.Ltmp12, $4  }
0x1ac: {  	_ = 	snop  }
0x1ad: {  	[tilespmem:v8+s18+$0x0] =	vst.idx.msk vm15, v10  }
0x1ae: {  	v10 =	vsel vm15, $0x1, v2;
	[tilespmem:v8+s19+$0x0] =	vst.idx.msk vm15, v63  }
0x1af: {  	s0 =	sadd.s32 $0x4, s0;
	v8 =	vadd.s32 v10, v8;
	[tilespmem:v11+s20+$0x0] =	vst.idx.add.s32.msk vm15, v4  }
0x1b0: {  	s2 =	simm.s32 $0x0  }
0x1b1: {  	v15 =	vld [tilespmem:s2+$0x10000];
	_ =	sdelay $0x4  }
0x1b2: {  	(xrf0) =	vadd.scan.msk.s32 $0xffff, v15  }
0x1b3: {  	s31 =	simm.s32 $0x10;
	[tilespmem:s2+$0x10000] =	vst v2  }
0x1b4: {  	v9 =	vld [tilespmem:s31+$0x10000];
	_ =	sdelay $0x3  }
0x1b5: {  	v17, _, _ =	vpop (xrf0)  }
0x1b6: {  	(xrf0) =	vadd.scan.msk.s32 $0xffff, v9;
	v10 =	vxor.u32 $0x80000000, v17  }
0x1b7: {  	(xrf0) =	vmax.scan.msk.u32 $0xffff, v10  }
0x1b8: {  	s0 =	simm.s32 $0x20;
	[tilespmem:s31+$0x10000] =	vst v2  }
0x1b9: {  	v10 =	vld [tilespmem:s0+$0x10000];
	_ =	sdelay $0x2  }
0x1ba: {  	v12, _, _ =	vpop (xrf0)  }
0x1bb: {  	v11, _, _ =	vpop (xrf0)  }
0x1bc: {  	(xrf0) =	vadd.scan.msk.s32 $0xffff, v10;
	(v2sf) =	vpush v11, $0xF  }
0x1bd: {  	s6 =	simm.s32 $0x30;
	[tilespmem:s0+$0x10000] =	vst v2  }
0x1be: {  	v11 =	vld [tilespmem:s6+$0x10000]  }
0x1bf: {  	v14 =	vxor.u32 $0x80000000, v12;
	_ =	sdelay $0x2  }
0x1c0: {  	(xrf0) =	vmax.scan.msk.u32 $0xffff, v14;
	v14, _, _ =	vpop (xrf0)  }
0x1c1: {  	(xrf0) =	vadd.scan.msk.s32 $0xffff, v11;
	v16 =	vxor.u32 $0x80000000, v14  }
0x1c2: {  	(xrf0) =	vmax.scan.msk.u32 $0xffff, v16;
	_ =	sdelay $0x1  }
0x1c3: {  	s10 =	simm.s32 $0x40;
	v19 =	vsub.s32 s1, v15;
	[tilespmem:s6+$0x10000] =	vst v2  }
0x1c4: {  	v17 =	vadd.s32 v17, v19;
	v13 =	vld [tilespmem:s10+$0x10000]  }
0x1c5: {  	v18, _, _ =	vpop (xrf0)  }
0x1c6: {  	s28 =	simm.s32 $0x50;
	[tilespmem:s10+$0x10000] =	vst v2;
	v15, _, _ =	vpop (xrf0)  }
0x1c7: {  	v16 =	vld [tilespmem:s28+$0x10000];
	[tilespmem:s2+$0x10800] =	vst v17;
	(v2sf) =	vpush v18, $0xF;
	v17, _, _ =	vpop (xrf0)  }
0x1c8: {  	s3 =	spop (v2sf);
	(v2sf) =	vpush v17, $0xF  }
0x1c9: {  	(xrf0) =	vadd.scan.msk.s32 $0xffff, v13;
	_ =	sdelay $0x1  }
0x1ca: {  	v19 =	vxor.u32 $0x80000000, v15  }
0x1cb: {  	(xrf0) =	vmax.scan.msk.u32 $0xffff, v19;
	_ =	sdelay $0x2  }
0x1cc: {  	s1 =	simm.s32 $0x60;
	[tilespmem:s28+$0x10000] =	vst v2;
	v18, _, _ =	vpop (xrf0)  }
0x1cd: {  	s2 =	simm.s32 $0x1C0;
	(xrf0) =	vadd.scan.msk.s32 $0xffff, v16;
	v19 =	vxor.u32 $0x80000000, v18;
	v17 =	vld [tilespmem:s1+$0x10000];
	s3 =	sadd.s32 $0x0, s3  }
.LBB2_20:
0x1ce: {  	p0 =	seq.s32 s2, $0xFC0  }
0x1cf: {  	(xrf0) =	vmax.scan.msk.u32 $0xffff, v19;
	v19, _, _ =	vpop (xrf0);
	s3 =	sadd.s32 $0x80000000, s3;
	s4 =	smov.u32 s2;
	s2 =	sadd.s32 $0x40, s2  }
.Ltmp13:
0x1d0: {  	(v2sf) =	vpush v19, $0xF;
	v19 =	vsub.s32 s3, v9;
	v9 =	vmovc v10;
	v10 =	vmovc v11;
	v11 =	vmov v13;
	(pc) =	sbr.rel @!p0 .LBB2_20-.Ltmp13, $4  }
0x1d1: {  	v13 =	vmovc v16;
	v19 =	vadd.s32 v12, v19;
	v12 =	vmovc v14;
	v14 =	vmov v15;
	v15 =	vmov v18  }
0x1d2: {  	[tilespmem:s31+$0x10800] =	vst v19;
	s31 =	smov.u32 s0;
	s0 =	smov.u32 s6;
	s6 =	smov.u32 s10  }
0x1d3: {  	s4 =	sshra.s32 s4, $0x2;
	s10 =	smov.u32 s28;
	[tilespmem:s1+$0x10000] =	vst v2;
	(xrf0) =	vadd.scan.msk.s32 $0xffff, v17;
	v18, _, _ =	vpop (xrf0);
	s16 =	spop (v2sf);
	v16 =	vmov v17  }
0x1d4: {  	s28 =	smov.u32 s1;
	s1 =	smov.u32 s4;
	v17 =	vld [tilespmem:s4+$0x10000];
	v19 =	vxor.u32 $0x80000000, v18;
	s3 =	sadd.s32 s16, s3  }
0x1d5: {  	_ =	sdelay $0x2  }
0x1d6: {  	v59, _, _ =	vpop (xrf0)  }
0x1d7: {  	(xrf0) =	vmax.scan.msk.u32 $0xffff, v19;
	v20, _, _ =	vpop (xrf0)  }
0x1d8: {  	(xrf0) =	vadd.scan.msk.s32 $0xffff, v17;
	v21 =	vxor.u32 $0x80000000, v20  }
0x1d9: {  	(xrf0) =	vmax.scan.msk.u32 $0xffff, v21;
	_ =	sdelay $0x2  }
0x1da: {  	(v2sf) =	vpush v59, $0xF  }
0x1db: {  	v60, _, _ =	vpop (xrf0)  }
0x1dc: {  	(v2sf) =	vpush v60, $0xF;
	v61, _, _ =	vpop (xrf0)  }
0x1dd: {  	v62, _, _ =	vpop (xrf0)  }
0x1de: {  	(v2sf) =	vpush v62, $0xF;
	_ =	sdelay $0x6  }
0x1df: {  	s2 =	spop (v2sf);
	s3 =	sadd.s32 $0x80000000, s3  }
0x1e0: {  	s2 =	sadd.s32 s2, s3  }
0x1e1: {  	s2 =	sadd.s32 $0x80000000, s2;
	s4 =	spop (v2sf)  }
0x1e2: {  	s4 =	sadd.s32 s4, s2  }
0x1e3: {  	s4 =	sadd.s32 $0x80000000, s4;
	s16 =	spop (v2sf)  }
0x1e4: {  	v9 =	vsub.s32 s3, v9;
	s16 =	sadd.s32 s16, s4  }
0x1e5: {  	v9 =	vadd.s32 v12, v9;
	s3 =	sadd.s32 $0x80000000, s16;
	s7 =	spop (v2sf)  }
0x1e6: {  	[tilespmem:s31+$0x10800] =	vst v9;
	v9 =	vsub.s32 s2, v10;
	v22 =	vxor.u32 $0x80000000, v61;
	s31 =	sadd.s32 s7, s3  }
0x1e7: {  	[tilespmem:s1+$0x10000] =	vst v2;
	v9 =	vadd.s32 v14, v9;
	(xrf0) =	vmax.scan.msk.u32 $0xffff, v22;
	v10 =	vsub.s32 s4, v11;
	s2 =	sadd.s32 $0x80000000, s31;
	s7 =	spop (v2sf)  }
0x1e8: {  	[tilespmem:s0+$0x10800] =	vst v9;
	v9 =	vadd.s32 v15, v10;
	v10 =	vsub.s32 s3, v13;
	s16 =	sadd.s32 s7, s2  }
0x1e9: {  	[tilespmem:s6+$0x10800] =	vst v9;
	v9 =	vadd.s32 v18, v10;
	v10 =	vsub.s32 s2, v16;
	s0 =	sadd.s32 $0x80000000, s16  }
0x1ea: {  	[tilespmem:s10+$0x10800] =	vst v9;
	v9 =	vadd.s32 v20, v10;
	v10 =	vsub.s32 s0, v17  }
0x1eb: {  	[tilespmem:s28+$0x10800] =	vst v9;
	v9 =	vadd.s32 v61, v10  }
0x1ec: {  	[tilespmem:s1+$0x10800] =	vst v9;
	v9 =	vadd.s32 v6, v8  }
0x1ed: {  	v63, _, _ =	vpop (xrf0);
	(xrf0) =	vadd.scan.msk.s32 $0xffff, v9;
	v8 =	vxor.u32 $0x80000000, v9  }
0x1ee: {  	(xrf0) =	vmax.scan.msk.u32 $0xffff, v8;
	_ =	sdelay $0x4  }
0x1ef: {  	(v2sf) =	vpush v63, $0xF;
	v8, _, _ =	vpop (xrf0)  }
0x1f0: {  	(v2sf) =	vpush v8, $0xF;
	v10, _, _ =	vpop (xrf0)  }
0x1f1: {  	(v2sf) =	vpush v10, $0xF;
	_ =	sdelay $0xc  }
0x1f2: {  	s28 =	spop (v2sf)  }
0x1f3: {  	s0 =	spop (v2sf)  }
0x1f4: {  	s31 =	spop (v2sf)  }
0x1f5: {  	s1 =	sxor.u32 $0x80000000, s31  }
0x1f6: {  	p0 =	sgt.s32 s1, $0x0  }
.Ltmp14:
0x1f7: {  	_ = 	snop;
	(pc) =	sbr.rel @!p0 .LBB2_25-.Ltmp14, $2  }
0x1f8: {  	_ =	sdelay $0x2  }
0x1f9: {  	s2 =	simm.s32 $0x0  }
0x1fa: {  	v11 =	vadd.s32 s2, v5;
	_ =	sdelay $0x4  }
0x1fb: {  	v10 =	vld.idx.msk [tilespmem:v11+s18+$0x0], $0xffff;
	_ =	sdelay $0x4  }
0x1fc: {  	v12 =	vshll.u32 v10, $0x4  }
0x1fd: {  	v12 =	vor.u32 v0, v12  }
0x1fe: {  	p0 =	sne.s32 s1, $0x1;
	v12 =	vand.u32 $0x3FF, v12  }
.Ltmp15:
0x1ff: {  	_ = 	snop;
	(pc) =	sbr.rel @!p0 .LBB2_24-.Ltmp15, $3  }
0x200: {  	_ =	sdelay $0x1  }
0x201: {  	v14 =	vmov s2;
	v11 =	vld.idx.msk [tilespmem:v11+s19+$0x0], $0xffff  }
0x202: {  	s2 =	simm.s32 $0x1;
	vm0 =	vlt.s32 v14, v9;
	v13 =	vld.idx.msk [tilespmem:v12+s21+$0x0], $0xffff  }
.LBB2_23:
0x203: {  	_ =	sdelay $0x2  }
0x204: {  	v14 =	vadd.s32 s2, v5;
	s3 =	smov.u32 s2  }
0x205: {  	s2 =	sadd.s32 $0x1, s2;
	v15 =	vadd.s32 $0x1, v13  }
0x206: {  	p0 =	sne.s32 s1, s2;
	[tilespmem:v12+s21+$0x0] =	vst.idx.msk vm0, v15  }
0x207: {  	[tilespmem:v13+s22+$0x0] =	vst.idx.msk vm0, v10  }
0x208: {  	[tilespmem:v13+s23+$0x0] =	vst.idx.msk vm0, v11  }
0x209: {  	v10 =	vld.idx.msk [tilespmem:v14+s18+$0x0], $0xffff  }
0x20a: {  	v11 =	vld.idx.msk [tilespmem:v14+s19+$0x0], $0xffff;
	_ =	sdelay $0x4  }
0x20b: {  	v12 =	vshll.u32 v10, $0x4  }
0x20c: {  	v12 =	vor.u32 v0, v12  }
0x20d: {  	v12 =	vand.u32 $0x3FF, v12;
	_ =	sdelay $0x1  }
.Ltmp16:
0x20e: {  	(pc) =	sbr.rel @p0 .LBB2_23-.Ltmp16, $3  }
0x20f: {  	_ =	sdelay $0x1  }
0x210: {  	v14 =	vmov s3;
	v13 =	vld.idx.msk [tilespmem:v12+s21+$0x0], $0xffff  }
0x211: {  	vm0 =	vlt.s32 v14, v9  }
.LBB2_24:
0x212: {  	_ =	sdelay $0x5  }
0x213: {  	v9 =	vadd.s32 $0x1, v13  }
0x214: {  	[tilespmem:v12+s21+$0x0] =	vst.idx.msk vm0, v9  }
0x215: {  	[tilespmem:v13+s22+$0x0] =	vst.idx.msk vm0, v10  }
0x216: {  	[tilespmem:v13+s23+$0x0] =	vst.idx.msk vm0, v11  }
.LBB2_25:
0x217: {  	s0 =	sadd.s32 $0xF, s0  }
0x218: {  	s1 =	sand.u32 $0xF, s0  }
0x219: {  	s28 =	sshra.s32 s0, $0x1F;
	p1 =	slt.s32 s0, $0x1;
	p0 =	sne.s32 s1, $0x0  }
0x21a: {  	s1 =	sshrl.u32 s28, $0x1C;
	p0 =	por !p1, !p0  }
0x21b: {  	s0 =	sadd.s32 s1, s0;
	s1 =	simm.s32 $0x1;
	p0 =	por !p0, !p0  }
0x21c: {  	v8 =	vbroadcast v8, $0xF;
	s0 =	sshra.s32 s0, $0x4;
	s1 =	simm.s32 @!p0 $0x0  }
0x21d: {  	s31 =	ssub.s32 s0, s1  }
0x21e: {  	v8 =	vadd.s32 v0, v8;
	s0 =	sshll.u32 s31, $0x4  }
0x21f: {  	vm0 =	vlt.s32 v8, s0;
	_ =	sdelay $0x2  }
0x220: {  	p0 =	sgt.s32 s31, $0x0  }
.Ltmp17:
0x221: {  	_ = 	snop;
	(pc) =	sbr.rel @!p0 .LBB2_26-.Ltmp17, $3  }
0x222: {  	_ = 	snop  }
0x223: {  	[tilespmem:v8+s22+$0x0] =	vst.idx.msk vm0, v7  }
0x224: {  	[tilespmem:v8+s23+$0x0] =	vst.idx.msk vm0, v2;
	v8 =	vmul.u32 s31, v0;
	_ =	sdelay $0x1  }
0x225: {  	_ =	sdelay $0x3  }
0x226: {  	v9 =	vld.idx.msk [tilespmem:v8+s22+$0x0], $0xffff;
	_ =	sdelay $0x2  }
0x227: {  	p1 =	seq.s32 s31, $0x1  }
.Ltmp18:
0x228: {  	_ = 	snop;
	(pc) =	sbr.rel @p1 .LBB2_45-.Ltmp18, $4  }
0x229: {  	v10 =	vshrl.u32 v9, $0x2  }
0x22a: {  	v10 =	vand.u32 $0x1F0, v10  }
0x22b: {  	s1 =	simm.s32 $0x0;
	v9 =	vadd.s32 $0x1, v8;
	v10 =	vor.u32 v0, v10  }
0x22c: {  	s0 =	simm.s32 $0x1;
	v11 =	vadd.s32 s1, v9  }
.LBB2_44:
0x22d: {  	_ =	sdelay $0x2  }
0x22e: {  	[tilespmem:v10+s24+$0x0] =	vst.idx.add.s32.msk $0xffff, v4;
	s1 =	smov.u32 s0;
	s0 =	sadd.s32 $0x1, s0  }
0x22f: {  	v10 =	vld.idx.msk [tilespmem:v11+s22+$0x0], $0xffff;
	p1 =	seq.s32 s31, s0;
	_ =	sdelay $0x4  }
.Ltmp19:
0x230: {  	(pc) =	sbr.rel @!p1 .LBB2_44-.Ltmp19, $4  }
0x231: {  	v10 =	vshrl.u32 v10, $0x2  }
0x232: {  	v10 =	vand.u32 $0x1F0, v10  }
0x233: {  	v10 =	vor.u32 v0, v10  }
0x234: {  	v11 =	vadd.s32 s1, v9  }
.LBB2_45:
0x235: {  	_ =	sdelay $0x3  }
0x236: {  	[tilespmem:v10+s24+$0x0] =	vst.idx.add.s32.msk $0xffff, v4  }
.LBB2_26:
0x237: {  	s3 =	simm.s32 $0x0  }
0x238: {  	v15 =	vld [tilespmem:s3+$0x10400];
	_ =	sdelay $0x4  }
0x239: {  	(xrf0) =	vadd.scan.msk.s32 $0xffff, v15  }
0x23a: {  	s6 =	simm.s32 $0x10;
	[tilespmem:s3+$0x10400] =	vst v2  }
0x23b: {  	v9 =	vld [tilespmem:s6+$0x10400];
	_ =	sdelay $0x3  }
0x23c: {  	v17, _, _ =	vpop (xrf0)  }
0x23d: {  	(xrf0) =	vadd.scan.msk.s32 $0xffff, v9;
	v10 =	vxor.u32 $0x80000000, v17  }
0x23e: {  	(xrf0) =	vmax.scan.msk.u32 $0xffff, v10  }
0x23f: {  	s0 =	simm.s32 $0x20;
	[tilespmem:s6+$0x10400] =	vst v2  }
0x240: {  	v10 =	vld [tilespmem:s0+$0x10400];
	_ =	sdelay $0x2  }
0x241: {  	v12, _, _ =	vpop (xrf0)  }
0x242: {  	v11, _, _ =	vpop (xrf0)  }
0x243: {  	(xrf0) =	vadd.scan.msk.s32 $0xffff, v10;
	(v2sf) =	vpush v11, $0xF  }
0x244: {  	s10 =	simm.s32 $0x30;
	[tilespmem:s0+$0x10400] =	vst v2  }
0x245: {  	v11 =	vld [tilespmem:s10+$0x10400]  }
0x246: {  	v14 =	vxor.u32 $0x80000000, v12;
	_ =	sdelay $0x2  }
0x247: {  	(xrf0) =	vmax.scan.msk.u32 $0xffff, v14;
	v14, _, _ =	vpop (xrf0)  }
0x248: {  	(xrf0) =	vadd.scan.msk.s32 $0xffff, v11;
	v16 =	vxor.u32 $0x80000000, v14  }
0x249: {  	(xrf0) =	vmax.scan.msk.u32 $0xffff, v16  }
0x24a: {  	s2 =	simm.s32 $0x0  }
0x24b: {  	s28 =	simm.s32 $0x40;
	v19 =	vsub.s32 s2, v15;
	[tilespmem:s10+$0x10400] =	vst v2  }
0x24c: {  	v17 =	vadd.s32 v17, v19;
	v13 =	vld [tilespmem:s28+$0x10400]  }
0x24d: {  	v18, _, _ =	vpop (xrf0)  }
0x24e: {  	s1 =	simm.s32 $0x50;
	[tilespmem:s28+$0x10400] =	vst v2;
	v15, _, _ =	vpop (xrf0)  }
0x24f: {  	v16 =	vld [tilespmem:s1+$0x10400];
	[tilespmem:s3+$0x10800] =	vst v17;
	(v2sf) =	vpush v18, $0xF;
	v17, _, _ =	vpop (xrf0)  }
0x250: {  	s4 =	spop (v2sf);
	(v2sf) =	vpush v17, $0xF  }
0x251: {  	(xrf0) =	vadd.scan.msk.s32 $0xffff, v13;
	_ =	sdelay $0x1  }
0x252: {  	v19 =	vxor.u32 $0x80000000, v15  }
0x253: {  	(xrf0) =	vmax.scan.msk.u32 $0xffff, v19;
	_ =	sdelay $0x2  }
0x254: {  	s2 =	simm.s32 $0x60;
	[tilespmem:s1+$0x10400] =	vst v2;
	v18, _, _ =	vpop (xrf0)  }
0x255: {  	s3 =	simm.s32 $0x1C0;
	(xrf0) =	vadd.scan.msk.s32 $0xffff, v16;
	v19 =	vxor.u32 $0x80000000, v18;
	v17 =	vld [tilespmem:s2+$0x10400];
	s4 =	sadd.s32 $0x0, s4  }
.LBB2_27:
0x256: {  	p1 =	seq.s32 s3, $0x7C0  }
0x257: {  	(xrf0) =	vmax.scan.msk.u32 $0xffff, v19;
	v19, _, _ =	vpop (xrf0);
	s4 =	sadd.s32 $0x80000000, s4;
	s16 =	smov.u32 s3;
	s3 =	sadd.s32 $0x40, s3  }
.Ltmp20:
0x258: {  	(v2sf) =	vpush v19, $0xF;
	v19 =	vsub.s32 s4, v9;
	v9 =	vmovc v10;
	v10 =	vmovc v11;
	v11 =	vmov v13;
	(pc) =	sbr.rel @!p1 .LBB2_27-.Ltmp20, $4  }
0x259: {  	v13 =	vmovc v16;
	v19 =	vadd.s32 v12, v19;
	v12 =	vmovc v14;
	v14 =	vmov v15;
	v15 =	vmov v18  }
0x25a: {  	[tilespmem:s6+$0x10800] =	vst v19;
	s6 =	smov.u32 s0;
	s0 =	smov.u32 s10;
	s10 =	smov.u32 s28  }
0x25b: {  	s16 =	sshra.s32 s16, $0x2;
	s28 =	smov.u32 s1;
	[tilespmem:s2+$0x10400] =	vst v2;
	(xrf0) =	vadd.scan.msk.s32 $0xffff, v17;
	v18, _, _ =	vpop (xrf0);
	s7 =	spop (v2sf);
	v16 =	vmov v17  }
0x25c: {  	s1 =	smov.u32 s2;
	s2 =	smov.u32 s16;
	v17 =	vld [tilespmem:s16+$0x10400];
	v19 =	vxor.u32 $0x80000000, v18;
	s4 =	sadd.s32 s7, s4  }
0x25d: {  	_ =	sdelay $0x2  }
0x25e: {  	(xrf0) =	vmax.scan.msk.u32 $0xffff, v19  }
0x25f: {  	v59, _, _ =	vpop (xrf0);
	(xrf0) =	vadd.scan.msk.s32 $0xffff, v17  }
0x260: {  	v20, _, _ =	vpop (xrf0)  }
0x261: {  	v21 =	vxor.u32 $0x80000000, v20  }
0x262: {  	(xrf0) =	vmax.scan.msk.u32 $0xffff, v21;
	_ =	sdelay $0x1  }
0x263: {  	v60, _, _ =	vpop (xrf0)  }
0x264: {  	(v2sf) =	vpush v59, $0xF;
	v61, _, _ =	vpop (xrf0)  }
0x265: {  	v22 =	vxor.u32 $0x80000000, v61  }
0x266: {  	(v2sf) =	vpush v60, $0xF;
	(xrf0) =	vmax.scan.msk.u32 $0xffff, v22  }
0x267: {  	v62, _, _ =	vpop (xrf0)  }
0x268: {  	(v2sf) =	vpush v62, $0xF;
	_ =	sdelay $0x3  }
0x269: {  	v63, _, _ =	vpop (xrf0)  }
0x26a: {  	(v2sf) =	vpush v63, $0xF;
	_ =	sdelay $0x1  }
0x26b: {  	s3 =	spop (v2sf);
	s4 =	sadd.s32 $0x80000000, s4  }
0x26c: {  	s3 =	sadd.s32 s3, s4  }
0x26d: {  	s3 =	sadd.s32 $0x80000000, s3;
	s7 =	spop (v2sf)  }
0x26e: {  	s7 =	sadd.s32 s7, s3  }
0x26f: {  	s7 =	sadd.s32 $0x80000000, s7;
	s16 =	spop (v2sf)  }
0x270: {  	v9 =	vsub.s32 s4, v9;
	s16 =	sadd.s32 s16, s7  }
0x271: {  	v9 =	vadd.s32 v12, v9;
	s4 =	sadd.s32 $0x80000000, s16;
	s16 =	spop (v2sf)  }
0x272: {  	[tilespmem:s6+$0x10800] =	vst v9;
	v9 =	vsub.s32 s3, v10;
	s6 =	sadd.s32 s16, s4  }
0x273: {  	[tilespmem:s2+$0x10400] =	vst v2;
	v9 =	vadd.s32 v14, v9;
	v10 =	vsub.s32 s7, v11;
	s3 =	sadd.s32 $0x80000000, s6;
	s7 =	spop (v2sf)  }
.Ltmp21:
0x274: {  	[tilespmem:s0+$0x10800] =	vst v9;
	v9 =	vadd.s32 v15, v10;
	v10 =	vsub.s32 s4, v13;
	s16 =	sadd.s32 s7, s3;
	(pc) =	sbr.rel @!p0 .LBB2_29-.Ltmp21, $4  }
0x275: {  	[tilespmem:s10+$0x10800] =	vst v9;
	v9 =	vadd.s32 v18, v10;
	v10 =	vsub.s32 s3, v16;
	s0 =	sadd.s32 $0x80000000, s16  }
0x276: {  	[tilespmem:s28+$0x10800] =	vst v9;
	v9 =	vadd.s32 v20, v10;
	v10 =	vsub.s32 s0, v17  }
0x277: {  	[tilespmem:s1+$0x10800] =	vst v9;
	v9 =	vadd.s32 v61, v10  }
0x278: {  	[tilespmem:s2+$0x10800] =	vst v9;
	s28 =	spop (v2sf)  }
0x279: {  	s0 =	simm.s32 $0x0  }
0x27a: {  	v9 =	vadd.s32 s0, v8;
	_ =	sdelay $0x4  }
0x27b: {  	v10 =	vld.idx.msk [tilespmem:v9+s22+$0x0], $0xffff;
	_ =	sdelay $0x4  }
0x27c: {  	v11 =	vshrl.u32 v10, $0x2  }
0x27d: {  	v11 =	vand.u32 $0x1F0, v11  }
0x27e: {  	p1 =	sne.s32 s31, $0x1;
	v12 =	vor.u32 v0, v11  }
.Ltmp22:
0x27f: {  	_ = 	snop;
	(pc) =	sbr.rel @!p1 .LBB2_48-.Ltmp22, $3  }
0x280: {  	_ =	sdelay $0x1  }
0x281: {  	v11 =	vld.idx.msk [tilespmem:v9+s23+$0x0], $0xffff  }
0x282: {  	s0 =	simm.s32 $0x1;
	v13 =	vld.idx.msk [tilespmem:v12+s21+$0x0], $0xffff  }
.LBB2_47:
0x283: {  	_ =	sdelay $0x3  }
0x284: {  	v14 =	vadd.s32 s0, v8  }
0x285: {  	s0 =	sadd.s32 $0x1, s0;
	v15 =	vadd.s32 $0x1, v13  }
0x286: {  	p1 =	sne.s32 s31, s0;
	[tilespmem:v12+s21+$0x0] =	vst.idx.msk $0xffff, v15  }
0x287: {  	[tilespmem:v13+s18+$0x0] =	vst.idx.msk $0xffff, v10  }
0x288: {  	[tilespmem:v13+s19+$0x0] =	vst.idx.msk $0xffff, v11  }
0x289: {  	v10 =	vld.idx.msk [tilespmem:v14+s22+$0x0], $0xffff  }
0x28a: {  	v11 =	vld.idx.msk [tilespmem:v14+s23+$0x0], $0xffff;
	_ =	sdelay $0x4  }
0x28b: {  	v12 =	vshrl.u32 v10, $0x2  }
0x28c: {  	v12 =	vand.u32 $0x1F0, v12  }
0x28d: {  	v12 =	vor.u32 v0, v12  }
.Ltmp23:
0x28e: {  	(pc) =	sbr.rel @p1 .LBB2_47-.Ltmp23, $2  }
0x28f: {  	_ =	sdelay $0x2  }
0x290: {  	v13 =	vld.idx.msk [tilespmem:v12+s21+$0x0], $0xffff  }
.LBB2_48:
0x291: {  	_ =	sdelay $0x5  }
0x292: {  	v14 =	vadd.s32 $0x1, v13  }
0x293: {  	[tilespmem:v12+s21+$0x0] =	vst.idx.msk $0xffff, v14  }
0x294: {  	[tilespmem:v13+s18+$0x0] =	vst.idx.msk $0xffff, v10  }
0x295: {  	[tilespmem:v13+s19+$0x0] =	vst.idx.msk $0xffff, v11  }
0x296: {  	v9 =	vld.idx.msk [tilespmem:v9+s18+$0x0], $0xffff;
	_ =	sdelay $0x1  }
0x297: {  	p1 =	seq.s32 s31, $0x1  }
.Ltmp24:
0x298: {  	_ = 	snop;
	(pc) =	sbr.rel @p1 .LBB2_50-.Ltmp24, $4  }
0x299: {  	_ = 	snop  }
0x29a: {  	v9 =	vshrl.u32 v9, $0x7  }
0x29b: {  	v9 =	vand.u32 $0x1F0, v9  }
0x29c: {  	s0 =	simm.s32 $0x1;
	v9 =	vor.u32 v0, v9  }
.LBB2_49:
0x29d: {  	v10 =	vadd.s32 s0, v8;
	s0 =	sadd.s32 $0x1, s0  }
0x29e: {  	p1 =	seq.s32 s31, s0;
	_ =	sdelay $0x2  }
0x29f: {  	[tilespmem:v9+s20+$0x0] =	vst.idx.add.s32.msk $0xffff, v4  }
0x2a0: {  	v9 =	vld.idx.msk [tilespmem:v10+s18+$0x0], $0xffff;
	_ =	sdelay $0x3  }
.Ltmp25:
0x2a1: {  	(pc) =	sbr.rel @!p1 .LBB2_49-.Ltmp25, $4  }
0x2a2: {  	_ = 	snop  }
0x2a3: {  	v9 =	vshrl.u32 v9, $0x7  }
0x2a4: {  	v9 =	vand.u32 $0x1F0, v9  }
0x2a5: {  	v9 =	vor.u32 v0, v9  }
.LBB2_50:
0x2a6: {  	_ =	sdelay $0x3  }
0x2a7: {  	[tilespmem:v9+s20+$0x0] =	vst.idx.add.s32.msk $0xffff, v4  }
.LBB2_29:
0x2a8: {  	s3 =	simm.s32 $0x0  }
0x2a9: {  	v15 =	vld [tilespmem:s3+$0x10000];
	_ =	sdelay $0x4  }
0x2aa: {  	(xrf0) =	vadd.scan.msk.s32 $0xffff, v15  }
0x2ab: {  	s6 =	simm.s32 $0x10;
	[tilespmem:s3+$0x10000] =	vst v2  }
0x2ac: {  	v9 =	vld [tilespmem:s6+$0x10000];
	_ =	sdelay $0x3  }
0x2ad: {  	v17, _, _ =	vpop (xrf0)  }
0x2ae: {  	(xrf0) =	vadd.scan.msk.s32 $0xffff, v9;
	v10 =	vxor.u32 $0x80000000, v17  }
0x2af: {  	(xrf0) =	vmax.scan.msk.u32 $0xffff, v10  }
0x2b0: {  	s0 =	simm.s32 $0x20;
	[tilespmem:s6+$0x10000] =	vst v2  }
0x2b1: {  	v10 =	vld [tilespmem:s0+$0x10000];
	_ =	sdelay $0x2  }
0x2b2: {  	v12, _, _ =	vpop (xrf0)  }
0x2b3: {  	v11, _, _ =	vpop (xrf0)  }
0x2b4: {  	(xrf0) =	vadd.scan.msk.s32 $0xffff, v10;
	(v2sf) =	vpush v11, $0xF  }
0x2b5: {  	s10 =	simm.s32 $0x30;
	[tilespmem:s0+$0x10000] =	vst v2  }
0x2b6: {  	v11 =	vld [tilespmem:s10+$0x10000]  }
0x2b7: {  	v14 =	vxor.u32 $0x80000000, v12;
	_ =	sdelay $0x2  }
0x2b8: {  	(xrf0) =	vmax.scan.msk.u32 $0xffff, v14;
	v14, _, _ =	vpop (xrf0)  }
0x2b9: {  	(xrf0) =	vadd.scan.msk.s32 $0xffff, v11;
	v16 =	vxor.u32 $0x80000000, v14  }
0x2ba: {  	(xrf0) =	vmax.scan.msk.u32 $0xffff, v16  }
0x2bb: {  	s2 =	simm.s32 $0x0  }
0x2bc: {  	s28 =	simm.s32 $0x40;
	v19 =	vsub.s32 s2, v15;
	[tilespmem:s10+$0x10000] =	vst v2  }
0x2bd: {  	v17 =	vadd.s32 v17, v19;
	v13 =	vld [tilespmem:s28+$0x10000]  }
0x2be: {  	v18, _, _ =	vpop (xrf0)  }
0x2bf: {  	s1 =	simm.s32 $0x50;
	[tilespmem:s28+$0x10000] =	vst v2;
	v15, _, _ =	vpop (xrf0)  }
0x2c0: {  	v16 =	vld [tilespmem:s1+$0x10000];
	[tilespmem:s3+$0x10800] =	vst v17;
	(v2sf) =	vpush v18, $0xF;
	v17, _, _ =	vpop (xrf0)  }
0x2c1: {  	s4 =	spop (v2sf);
	(v2sf) =	vpush v17, $0xF  }
0x2c2: {  	(xrf0) =	vadd.scan.msk.s32 $0xffff, v13;
	_ =	sdelay $0x1  }
0x2c3: {  	v19 =	vxor.u32 $0x80000000, v15  }
0x2c4: {  	(xrf0) =	vmax.scan.msk.u32 $0xffff, v19;
	_ =	sdelay $0x2  }
0x2c5: {  	s2 =	simm.s32 $0x60;
	[tilespmem:s1+$0x10000] =	vst v2;
	v18, _, _ =	vpop (xrf0)  }
0x2c6: {  	s3 =	simm.s32 $0x1C0;
	(xrf0) =	vadd.scan.msk.s32 $0xffff, v16;
	v19 =	vxor.u32 $0x80000000, v18;
	v17 =	vld [tilespmem:s2+$0x10000];
	s4 =	sadd.s32 $0x0, s4  }
.LBB2_30:
0x2c7: {  	p1 =	seq.s32 s3, $0x7C0  }
0x2c8: {  	(xrf0) =	vmax.scan.msk.u32 $0xffff, v19;
	v19, _, _ =	vpop (xrf0);
	s4 =	sadd.s32 $0x80000000, s4;
	s7 =	smov.u32 s3;
	s3 =	sadd.s32 $0x40, s3  }
.Ltmp26:
0x2c9: {  	(v2sf) =	vpush v19, $0xF;
	v19 =	vsub.s32 s4, v9;
	v9 =	vmovc v10;
	v10 =	vmovc v11;
	v11 =	vmov v13;
	(pc) =	sbr.rel @!p1 .LBB2_30-.Ltmp26, $4  }
0x2ca: {  	v13 =	vmovc v16;
	v19 =	vadd.s32 v12, v19;
	v12 =	vmovc v14;
	v14 =	vmov v15;
	v15 =	vmov v18  }
0x2cb: {  	[tilespmem:s6+$0x10800] =	vst v19;
	s6 =	smov.u32 s0;
	s0 =	smov.u32 s10;
	s10 =	smov.u32 s28  }
0x2cc: {  	s7 =	sshra.s32 s7, $0x2;
	s28 =	smov.u32 s1;
	[tilespmem:s2+$0x10000] =	vst v2;
	(xrf0) =	vadd.scan.msk.s32 $0xffff, v17;
	v18, _, _ =	vpop (xrf0);
	s16 =	spop (v2sf);
	v16 =	vmov v17  }
0x2cd: {  	s1 =	smov.u32 s2;
	s2 =	smov.u32 s7;
	v17 =	vld [tilespmem:s7+$0x10000];
	v19 =	vxor.u32 $0x80000000, v18;
	s4 =	sadd.s32 s16, s4  }
0x2ce: {  	_ =	sdelay $0x2  }
0x2cf: {  	(xrf0) =	vmax.scan.msk.u32 $0xffff, v19  }
0x2d0: {  	v59, _, _ =	vpop (xrf0);
	(xrf0) =	vadd.scan.msk.s32 $0xffff, v17  }
0x2d1: {  	v20, _, _ =	vpop (xrf0)  }
0x2d2: {  	v21 =	vxor.u32 $0x80000000, v20  }
0x2d3: {  	(xrf0) =	vmax.scan.msk.u32 $0xffff, v21;
	_ =	sdelay $0x1  }
0x2d4: {  	v60, _, _ =	vpop (xrf0)  }
0x2d5: {  	(v2sf) =	vpush v59, $0xF;
	v61, _, _ =	vpop (xrf0)  }
0x2d6: {  	v22 =	vxor.u32 $0x80000000, v61  }
0x2d7: {  	(v2sf) =	vpush v60, $0xF;
	(xrf0) =	vmax.scan.msk.u32 $0xffff, v22  }
0x2d8: {  	v62, _, _ =	vpop (xrf0)  }
0x2d9: {  	(v2sf) =	vpush v62, $0xF;
	_ =	sdelay $0x3  }
0x2da: {  	v63, _, _ =	vpop (xrf0)  }
0x2db: {  	(v2sf) =	vpush v63, $0xF;
	_ =	sdelay $0x1  }
0x2dc: {  	s3 =	spop (v2sf);
	s4 =	sadd.s32 $0x80000000, s4  }
0x2dd: {  	s3 =	sadd.s32 s3, s4  }
0x2de: {  	s3 =	sadd.s32 $0x80000000, s3;
	s7 =	spop (v2sf)  }
0x2df: {  	s7 =	sadd.s32 s7, s3  }
0x2e0: {  	s7 =	sadd.s32 $0x80000000, s7;
	s16 =	spop (v2sf)  }
0x2e1: {  	v9 =	vsub.s32 s4, v9;
	s16 =	sadd.s32 s16, s7  }
0x2e2: {  	v9 =	vadd.s32 v12, v9;
	s4 =	sadd.s32 $0x80000000, s16;
	s16 =	spop (v2sf)  }
0x2e3: {  	[tilespmem:s6+$0x10800] =	vst v9;
	v9 =	vsub.s32 s3, v10;
	s6 =	sadd.s32 s16, s4  }
0x2e4: {  	[tilespmem:s2+$0x10000] =	vst v2;
	v9 =	vadd.s32 v14, v9;
	v10 =	vsub.s32 s7, v11;
	s3 =	sadd.s32 $0x80000000, s6;
	s7 =	spop (v2sf)  }
.Ltmp27:
0x2e5: {  	[tilespmem:s0+$0x10800] =	vst v9;
	v9 =	vadd.s32 v15, v10;
	v10 =	vsub.s32 s4, v13;
	s16 =	sadd.s32 s7, s3;
	(pc) =	sbr.rel @!p0 .LBB2_32-.Ltmp27, $4  }
0x2e6: {  	[tilespmem:s10+$0x10800] =	vst v9;
	v9 =	vadd.s32 v18, v10;
	v10 =	vsub.s32 s3, v16;
	s0 =	sadd.s32 $0x80000000, s16  }
0x2e7: {  	[tilespmem:s28+$0x10800] =	vst v9;
	v9 =	vadd.s32 v20, v10;
	v10 =	vsub.s32 s0, v17  }
0x2e8: {  	[tilespmem:s1+$0x10800] =	vst v9;
	v9 =	vadd.s32 v61, v10  }
0x2e9: {  	[tilespmem:s2+$0x10800] =	vst v9;
	s28 =	spop (v2sf)  }
0x2ea: {  	s0 =	simm.s32 $0x0  }
0x2eb: {  	v9 =	vadd.s32 s0, v8;
	_ =	sdelay $0x4  }
0x2ec: {  	v10 =	vld.idx.msk [tilespmem:v9+s18+$0x0], $0xffff;
	_ =	sdelay $0x4  }
0x2ed: {  	v11 =	vshrl.u32 v10, $0x7  }
0x2ee: {  	v11 =	vand.u32 $0x1F0, v11  }
0x2ef: {  	p1 =	sne.s32 s31, $0x1;
	v12 =	vor.u32 v0, v11  }
.Ltmp28:
0x2f0: {  	_ = 	snop;
	(pc) =	sbr.rel @!p1 .LBB2_53-.Ltmp28, $3  }
0x2f1: {  	_ =	sdelay $0x1  }
0x2f2: {  	v11 =	vld.idx.msk [tilespmem:v9+s19+$0x0], $0xffff  }
0x2f3: {  	s0 =	simm.s32 $0x1;
	v13 =	vld.idx.msk [tilespmem:v12+s21+$0x0], $0xffff  }
.LBB2_52:
0x2f4: {  	_ =	sdelay $0x3  }
0x2f5: {  	v14 =	vadd.s32 s0, v8  }
0x2f6: {  	s0 =	sadd.s32 $0x1, s0;
	v15 =	vadd.s32 $0x1, v13  }
0x2f7: {  	p1 =	sne.s32 s31, s0;
	[tilespmem:v12+s21+$0x0] =	vst.idx.msk $0xffff, v15  }
0x2f8: {  	[tilespmem:v13+s22+$0x0] =	vst.idx.msk $0xffff, v10  }
0x2f9: {  	[tilespmem:v13+s23+$0x0] =	vst.idx.msk $0xffff, v11  }
0x2fa: {  	v10 =	vld.idx.msk [tilespmem:v14+s18+$0x0], $0xffff  }
0x2fb: {  	v11 =	vld.idx.msk [tilespmem:v14+s19+$0x0], $0xffff;
	_ =	sdelay $0x4  }
0x2fc: {  	v12 =	vshrl.u32 v10, $0x7  }
0x2fd: {  	v12 =	vand.u32 $0x1F0, v12  }
0x2fe: {  	v12 =	vor.u32 v0, v12  }
.Ltmp29:
0x2ff: {  	(pc) =	sbr.rel @p1 .LBB2_52-.Ltmp29, $2  }
0x300: {  	_ =	sdelay $0x2  }
0x301: {  	v13 =	vld.idx.msk [tilespmem:v12+s21+$0x0], $0xffff  }
.LBB2_53:
0x302: {  	_ =	sdelay $0x5  }
0x303: {  	v14 =	vadd.s32 $0x1, v13  }
0x304: {  	[tilespmem:v12+s21+$0x0] =	vst.idx.msk $0xffff, v14  }
0x305: {  	[tilespmem:v13+s22+$0x0] =	vst.idx.msk $0xffff, v10  }
0x306: {  	[tilespmem:v13+s23+$0x0] =	vst.idx.msk $0xffff, v11  }
0x307: {  	v9 =	vld.idx.msk [tilespmem:v9+s22+$0x0], $0xffff;
	_ =	sdelay $0x1  }
0x308: {  	p1 =	seq.s32 s31, $0x1  }
.Ltmp30:
0x309: {  	_ = 	snop;
	(pc) =	sbr.rel @p1 .LBB2_55-.Ltmp30, $4  }
0x30a: {  	_ = 	snop  }
0x30b: {  	v9 =	vshrl.u32 v9, $0xC  }
0x30c: {  	v9 =	vand.u32 $0x1F0, v9  }
0x30d: {  	s0 =	simm.s32 $0x1;
	v9 =	vor.u32 v0, v9  }
.LBB2_54:
0x30e: {  	v10 =	vadd.s32 s0, v8;
	s0 =	sadd.s32 $0x1, s0  }
0x30f: {  	p1 =	seq.s32 s31, s0;
	_ =	sdelay $0x2  }
0x310: {  	[tilespmem:v9+s24+$0x0] =	vst.idx.add.s32.msk $0xffff, v4  }
0x311: {  	v9 =	vld.idx.msk [tilespmem:v10+s22+$0x0], $0xffff;
	_ =	sdelay $0x3  }
.Ltmp31:
0x312: {  	(pc) =	sbr.rel @!p1 .LBB2_54-.Ltmp31, $4  }
0x313: {  	_ = 	snop  }
0x314: {  	v9 =	vshrl.u32 v9, $0xC  }
0x315: {  	v9 =	vand.u32 $0x1F0, v9  }
0x316: {  	v9 =	vor.u32 v0, v9  }
.LBB2_55:
0x317: {  	_ =	sdelay $0x3  }
0x318: {  	[tilespmem:v9+s24+$0x0] =	vst.idx.add.s32.msk $0xffff, v4  }
.LBB2_32:
0x319: {  	s3 =	simm.s32 $0x0  }
0x31a: {  	v15 =	vld [tilespmem:s3+$0x10400];
	_ =	sdelay $0x4  }
0x31b: {  	(xrf0) =	vadd.scan.msk.s32 $0xffff, v15  }
0x31c: {  	s6 =	simm.s32 $0x10;
	[tilespmem:s3+$0x10400] =	vst v2  }
0x31d: {  	v9 =	vld [tilespmem:s6+$0x10400];
	_ =	sdelay $0x3  }
0x31e: {  	v17, _, _ =	vpop (xrf0)  }
0x31f: {  	(xrf0) =	vadd.scan.msk.s32 $0xffff, v9;
	v10 =	vxor.u32 $0x80000000, v17  }
0x320: {  	(xrf0) =	vmax.scan.msk.u32 $0xffff, v10  }
0x321: {  	s0 =	simm.s32 $0x20;
	[tilespmem:s6+$0x10400] =	vst v2  }
0x322: {  	v10 =	vld [tilespmem:s0+$0x10400];
	_ =	sdelay $0x2  }
0x323: {  	v12, _, _ =	vpop (xrf0)  }
0x324: {  	v11, _, _ =	vpop (xrf0)  }
0x325: {  	(xrf0) =	vadd.scan.msk.s32 $0xffff, v10;
	(v2sf) =	vpush v11, $0xF  }
0x326: {  	s10 =	simm.s32 $0x30;
	[tilespmem:s0+$0x10400] =	vst v2  }
0x327: {  	v11 =	vld [tilespmem:s10+$0x10400]  }
0x328: {  	v14 =	vxor.u32 $0x80000000, v12;
	_ =	sdelay $0x2  }
0x329: {  	(xrf0) =	vmax.scan.msk.u32 $0xffff, v14;
	v14, _, _ =	vpop (xrf0)  }
0x32a: {  	(xrf0) =	vadd.scan.msk.s32 $0xffff, v11;
	v16 =	vxor.u32 $0x80000000, v14  }
0x32b: {  	(xrf0) =	vmax.scan.msk.u32 $0xffff, v16  }
0x32c: {  	s2 =	simm.s32 $0x0  }
0x32d: {  	s28 =	simm.s32 $0x40;
	v19 =	vsub.s32 s2, v15;
	[tilespmem:s10+$0x10400] =	vst v2  }
0x32e: {  	v17 =	vadd.s32 v17, v19;
	v13 =	vld [tilespmem:s28+$0x10400]  }
0x32f: {  	v18, _, _ =	vpop (xrf0)  }
0x330: {  	s1 =	simm.s32 $0x50;
	[tilespmem:s28+$0x10400] =	vst v2;
	v15, _, _ =	vpop (xrf0)  }
0x331: {  	v16 =	vld [tilespmem:s1+$0x10400];
	[tilespmem:s3+$0x10800] =	vst v17;
	(v2sf) =	vpush v18, $0xF;
	v17, _, _ =	vpop (xrf0)  }
0x332: {  	s4 =	spop (v2sf);
	(v2sf) =	vpush v17, $0xF  }
0x333: {  	(xrf0) =	vadd.scan.msk.s32 $0xffff, v13;
	_ =	sdelay $0x1  }
0x334: {  	v19 =	vxor.u32 $0x80000000, v15  }
0x335: {  	(xrf0) =	vmax.scan.msk.u32 $0xffff, v19;
	_ =	sdelay $0x2  }
0x336: {  	s2 =	simm.s32 $0x60;
	[tilespmem:s1+$0x10400] =	vst v2;
	v18, _, _ =	vpop (xrf0)  }
0x337: {  	s3 =	simm.s32 $0x1C0;
	(xrf0) =	vadd.scan.msk.s32 $0xffff, v16;
	v19 =	vxor.u32 $0x80000000, v18;
	v17 =	vld [tilespmem:s2+$0x10400];
	s4 =	sadd.s32 $0x0, s4  }
.LBB2_33:
0x338: {  	p1 =	seq.s32 s3, $0x7C0  }
0x339: {  	(xrf0) =	vmax.scan.msk.u32 $0xffff, v19;
	v19, _, _ =	vpop (xrf0);
	s4 =	sadd.s32 $0x80000000, s4;
	s7 =	smov.u32 s3;
	s3 =	sadd.s32 $0x40, s3  }
.Ltmp32:
0x33a: {  	(v2sf) =	vpush v19, $0xF;
	v19 =	vsub.s32 s4, v9;
	v9 =	vmovc v10;
	v10 =	vmovc v11;
	v11 =	vmov v13;
	(pc) =	sbr.rel @!p1 .LBB2_33-.Ltmp32, $4  }
0x33b: {  	v13 =	vmovc v16;
	v19 =	vadd.s32 v12, v19;
	v12 =	vmovc v14;
	v14 =	vmov v15;
	v15 =	vmov v18  }
0x33c: {  	[tilespmem:s6+$0x10800] =	vst v19;
	s6 =	smov.u32 s0;
	s0 =	smov.u32 s10;
	s10 =	smov.u32 s28  }
0x33d: {  	s7 =	sshra.s32 s7, $0x2;
	s28 =	smov.u32 s1;
	[tilespmem:s2+$0x10400] =	vst v2;
	(xrf0) =	vadd.scan.msk.s32 $0xffff, v17;
	v18, _, _ =	vpop (xrf0);
	s16 =	spop (v2sf);
	v16 =	vmov v17  }
0x33e: {  	s1 =	smov.u32 s2;
	s2 =	smov.u32 s7;
	v17 =	vld [tilespmem:s7+$0x10400];
	v19 =	vxor.u32 $0x80000000, v18;
	s4 =	sadd.s32 s16, s4  }
0x33f: {  	_ =	sdelay $0x2  }
0x340: {  	(xrf0) =	vmax.scan.msk.u32 $0xffff, v19  }
0x341: {  	v59, _, _ =	vpop (xrf0);
	(xrf0) =	vadd.scan.msk.s32 $0xffff, v17  }
0x342: {  	v20, _, _ =	vpop (xrf0)  }
0x343: {  	v21 =	vxor.u32 $0x80000000, v20  }
0x344: {  	(xrf0) =	vmax.scan.msk.u32 $0xffff, v21;
	_ =	sdelay $0x1  }
0x345: {  	v60, _, _ =	vpop (xrf0)  }
0x346: {  	(v2sf) =	vpush v59, $0xF;
	v61, _, _ =	vpop (xrf0)  }
0x347: {  	v22 =	vxor.u32 $0x80000000, v61  }
0x348: {  	(v2sf) =	vpush v60, $0xF;
	(xrf0) =	vmax.scan.msk.u32 $0xffff, v22  }
0x349: {  	v62, _, _ =	vpop (xrf0)  }
0x34a: {  	(v2sf) =	vpush v62, $0xF;
	_ =	sdelay $0x3  }
0x34b: {  	v63, _, _ =	vpop (xrf0)  }
0x34c: {  	(v2sf) =	vpush v63, $0xF;
	_ =	sdelay $0x1  }
0x34d: {  	s3 =	spop (v2sf);
	s4 =	sadd.s32 $0x80000000, s4  }
0x34e: {  	s3 =	sadd.s32 s3, s4  }
0x34f: {  	s3 =	sadd.s32 $0x80000000, s3;
	s7 =	spop (v2sf)  }
0x350: {  	s7 =	sadd.s32 s7, s3  }
0x351: {  	s7 =	sadd.s32 $0x80000000, s7;
	s16 =	spop (v2sf)  }
0x352: {  	v9 =	vsub.s32 s4, v9;
	s16 =	sadd.s32 s16, s7  }
0x353: {  	v9 =	vadd.s32 v12, v9;
	s4 =	sadd.s32 $0x80000000, s16;
	s16 =	spop (v2sf)  }
0x354: {  	[tilespmem:s6+$0x10800] =	vst v9;
	v9 =	vsub.s32 s3, v10;
	s6 =	sadd.s32 s16, s4  }
0x355: {  	[tilespmem:s2+$0x10400] =	vst v2;
	v9 =	vadd.s32 v14, v9;
	v10 =	vsub.s32 s7, v11;
	s3 =	sadd.s32 $0x80000000, s6;
	s7 =	spop (v2sf)  }
.Ltmp33:
0x356: {  	[tilespmem:s0+$0x10800] =	vst v9;
	v9 =	vadd.s32 v15, v10;
	v10 =	vsub.s32 s4, v13;
	s16 =	sadd.s32 s7, s3;
	(pc) =	sbr.rel @!p0 .LBB2_35-.Ltmp33, $4  }
0x357: {  	[tilespmem:s10+$0x10800] =	vst v9;
	v9 =	vadd.s32 v18, v10;
	v10 =	vsub.s32 s3, v16;
	s0 =	sadd.s32 $0x80000000, s16  }
0x358: {  	[tilespmem:s28+$0x10800] =	vst v9;
	v9 =	vadd.s32 v20, v10;
	v10 =	vsub.s32 s0, v17  }
0x359: {  	[tilespmem:s1+$0x10800] =	vst v9;
	v9 =	vadd.s32 v61, v10  }
0x35a: {  	[tilespmem:s2+$0x10800] =	vst v9;
	s28 =	spop (v2sf)  }
0x35b: {  	s0 =	simm.s32 $0x0  }
0x35c: {  	v9 =	vadd.s32 s0, v8;
	_ =	sdelay $0x4  }
0x35d: {  	v10 =	vld.idx.msk [tilespmem:v9+s22+$0x0], $0xffff;
	_ =	sdelay $0x4  }
0x35e: {  	v11 =	vshrl.u32 v10, $0xC  }
0x35f: {  	v11 =	vand.u32 $0x1F0, v11  }
0x360: {  	p1 =	sne.s32 s31, $0x1;
	v12 =	vor.u32 v0, v11  }
.Ltmp34:
0x361: {  	_ = 	snop;
	(pc) =	sbr.rel @!p1 .LBB2_58-.Ltmp34, $3  }
0x362: {  	_ =	sdelay $0x1  }
0x363: {  	v11 =	vld.idx.msk [tilespmem:v9+s23+$0x0], $0xffff  }
0x364: {  	s0 =	simm.s32 $0x1;
	v13 =	vld.idx.msk [tilespmem:v12+s21+$0x0], $0xffff  }
.LBB2_57:
0x365: {  	_ =	sdelay $0x3  }
0x366: {  	v14 =	vadd.s32 s0, v8  }
0x367: {  	s0 =	sadd.s32 $0x1, s0;
	v15 =	vadd.s32 $0x1, v13  }
0x368: {  	p1 =	sne.s32 s31, s0;
	[tilespmem:v12+s21+$0x0] =	vst.idx.msk $0xffff, v15  }
0x369: {  	[tilespmem:v13+s18+$0x0] =	vst.idx.msk $0xffff, v10  }
0x36a: {  	[tilespmem:v13+s19+$0x0] =	vst.idx.msk $0xffff, v11  }
0x36b: {  	v10 =	vld.idx.msk [tilespmem:v14+s22+$0x0], $0xffff  }
0x36c: {  	v11 =	vld.idx.msk [tilespmem:v14+s23+$0x0], $0xffff;
	_ =	sdelay $0x4  }
0x36d: {  	v12 =	vshrl.u32 v10, $0xC  }
0x36e: {  	v12 =	vand.u32 $0x1F0, v12  }
0x36f: {  	v12 =	vor.u32 v0, v12  }
.Ltmp35:
0x370: {  	(pc) =	sbr.rel @p1 .LBB2_57-.Ltmp35, $2  }
0x371: {  	_ =	sdelay $0x2  }
0x372: {  	v13 =	vld.idx.msk [tilespmem:v12+s21+$0x0], $0xffff  }
.LBB2_58:
0x373: {  	_ =	sdelay $0x5  }
0x374: {  	v14 =	vadd.s32 $0x1, v13  }
0x375: {  	[tilespmem:v12+s21+$0x0] =	vst.idx.msk $0xffff, v14  }
0x376: {  	[tilespmem:v13+s18+$0x0] =	vst.idx.msk $0xffff, v10  }
0x377: {  	[tilespmem:v13+s19+$0x0] =	vst.idx.msk $0xffff, v11  }
0x378: {  	v9 =	vld.idx.msk [tilespmem:v9+s18+$0x0], $0xffff;
	_ =	sdelay $0x1  }
0x379: {  	p1 =	seq.s32 s31, $0x1  }
.Ltmp36:
0x37a: {  	_ = 	snop;
	(pc) =	sbr.rel @p1 .LBB2_60-.Ltmp36, $4  }
0x37b: {  	_ = 	snop  }
0x37c: {  	v9 =	vshrl.u32 v9, $0x11  }
0x37d: {  	v9 =	vand.u32 $0x1F0, v9  }
0x37e: {  	s0 =	simm.s32 $0x1;
	v9 =	vor.u32 v0, v9  }
.LBB2_59:
0x37f: {  	v10 =	vadd.s32 s0, v8;
	s0 =	sadd.s32 $0x1, s0  }
0x380: {  	p1 =	seq.s32 s31, s0;
	_ =	sdelay $0x2  }
0x381: {  	[tilespmem:v9+s20+$0x0] =	vst.idx.add.s32.msk $0xffff, v4  }
0x382: {  	v9 =	vld.idx.msk [tilespmem:v10+s18+$0x0], $0xffff;
	_ =	sdelay $0x3  }
.Ltmp37:
0x383: {  	(pc) =	sbr.rel @!p1 .LBB2_59-.Ltmp37, $4  }
0x384: {  	_ = 	snop  }
0x385: {  	v9 =	vshrl.u32 v9, $0x11  }
0x386: {  	v9 =	vand.u32 $0x1F0, v9  }
0x387: {  	v9 =	vor.u32 v0, v9  }
.LBB2_60:
0x388: {  	_ =	sdelay $0x3  }
0x389: {  	[tilespmem:v9+s20+$0x0] =	vst.idx.add.s32.msk $0xffff, v4  }
.LBB2_35:
0x38a: {  	s3 =	simm.s32 $0x0  }
0x38b: {  	v15 =	vld [tilespmem:s3+$0x10000];
	_ =	sdelay $0x4  }
0x38c: {  	(xrf0) =	vadd.scan.msk.s32 $0xffff, v15  }
0x38d: {  	s6 =	simm.s32 $0x10;
	[tilespmem:s3+$0x10000] =	vst v2  }
0x38e: {  	v9 =	vld [tilespmem:s6+$0x10000];
	_ =	sdelay $0x3  }
0x38f: {  	v17, _, _ =	vpop (xrf0)  }
0x390: {  	(xrf0) =	vadd.scan.msk.s32 $0xffff, v9;
	v10 =	vxor.u32 $0x80000000, v17  }
0x391: {  	(xrf0) =	vmax.scan.msk.u32 $0xffff, v10  }
0x392: {  	s0 =	simm.s32 $0x20;
	[tilespmem:s6+$0x10000] =	vst v2  }
0x393: {  	v10 =	vld [tilespmem:s0+$0x10000];
	_ =	sdelay $0x2  }
0x394: {  	v12, _, _ =	vpop (xrf0)  }
0x395: {  	v11, _, _ =	vpop (xrf0)  }
0x396: {  	(xrf0) =	vadd.scan.msk.s32 $0xffff, v10;
	(v2sf) =	vpush v11, $0xF  }
0x397: {  	s10 =	simm.s32 $0x30;
	[tilespmem:s0+$0x10000] =	vst v2  }
0x398: {  	v11 =	vld [tilespmem:s10+$0x10000]  }
0x399: {  	v14 =	vxor.u32 $0x80000000, v12;
	_ =	sdelay $0x2  }
0x39a: {  	(xrf0) =	vmax.scan.msk.u32 $0xffff, v14;
	v14, _, _ =	vpop (xrf0)  }
0x39b: {  	(xrf0) =	vadd.scan.msk.s32 $0xffff, v11;
	v16 =	vxor.u32 $0x80000000, v14  }
0x39c: {  	(xrf0) =	vmax.scan.msk.u32 $0xffff, v16  }
0x39d: {  	s2 =	simm.s32 $0x0  }
0x39e: {  	s28 =	simm.s32 $0x40;
	v19 =	vsub.s32 s2, v15;
	[tilespmem:s10+$0x10000] =	vst v2  }
0x39f: {  	v17 =	vadd.s32 v17, v19;
	v13 =	vld [tilespmem:s28+$0x10000]  }
0x3a0: {  	v18, _, _ =	vpop (xrf0)  }
0x3a1: {  	s1 =	simm.s32 $0x50;
	[tilespmem:s28+$0x10000] =	vst v2;
	v15, _, _ =	vpop (xrf0)  }
0x3a2: {  	v16 =	vld [tilespmem:s1+$0x10000];
	[tilespmem:s3+$0x10800] =	vst v17;
	(v2sf) =	vpush v18, $0xF;
	v17, _, _ =	vpop (xrf0)  }
0x3a3: {  	s4 =	spop (v2sf);
	(v2sf) =	vpush v17, $0xF  }
0x3a4: {  	(xrf0) =	vadd.scan.msk.s32 $0xffff, v13;
	_ =	sdelay $0x1  }
0x3a5: {  	v19 =	vxor.u32 $0x80000000, v15  }
0x3a6: {  	(xrf0) =	vmax.scan.msk.u32 $0xffff, v19;
	_ =	sdelay $0x2  }
0x3a7: {  	s2 =	simm.s32 $0x60;
	[tilespmem:s1+$0x10000] =	vst v2;
	v18, _, _ =	vpop (xrf0)  }
0x3a8: {  	s3 =	simm.s32 $0x1C0;
	(xrf0) =	vadd.scan.msk.s32 $0xffff, v16;
	v19 =	vxor.u32 $0x80000000, v18;
	v17 =	vld [tilespmem:s2+$0x10000];
	s4 =	sadd.s32 $0x0, s4  }
.LBB2_36:
0x3a9: {  	p1 =	seq.s32 s3, $0x7C0  }
0x3aa: {  	(xrf0) =	vmax.scan.msk.u32 $0xffff, v19;
	v19, _, _ =	vpop (xrf0);
	s4 =	sadd.s32 $0x80000000, s4;
	s7 =	smov.u32 s3;
	s3 =	sadd.s32 $0x40, s3  }
.Ltmp38:
0x3ab: {  	(v2sf) =	vpush v19, $0xF;
	v19 =	vsub.s32 s4, v9;
	v9 =	vmovc v10;
	v10 =	vmovc v11;
	v11 =	vmov v13;
	(pc) =	sbr.rel @!p1 .LBB2_36-.Ltmp38, $4  }
0x3ac: {  	v13 =	vmovc v16;
	v19 =	vadd.s32 v12, v19;
	v12 =	vmovc v14;
	v14 =	vmov v15;
	v15 =	vmov v18  }
0x3ad: {  	[tilespmem:s6+$0x10800] =	vst v19;
	s6 =	smov.u32 s0;
	s0 =	smov.u32 s10;
	s10 =	smov.u32 s28  }
0x3ae: {  	s7 =	sshra.s32 s7, $0x2;
	s28 =	smov.u32 s1;
	[tilespmem:s2+$0x10000] =	vst v2;
	(xrf0) =	vadd.scan.msk.s32 $0xffff, v17;
	v18, _, _ =	vpop (xrf0);
	s16 =	spop (v2sf);
	v16 =	vmov v17  }
0x3af: {  	s1 =	smov.u32 s2;
	s2 =	smov.u32 s7;
	v17 =	vld [tilespmem:s7+$0x10000];
	v19 =	vxor.u32 $0x80000000, v18;
	s4 =	sadd.s32 s16, s4  }
0x3b0: {  	_ =	sdelay $0x2  }
0x3b1: {  	(xrf0) =	vmax.scan.msk.u32 $0xffff, v19  }
0x3b2: {  	v59, _, _ =	vpop (xrf0);
	(xrf0) =	vadd.scan.msk.s32 $0xffff, v17  }
0x3b3: {  	v20, _, _ =	vpop (xrf0)  }
0x3b4: {  	v21 =	vxor.u32 $0x80000000, v20  }
0x3b5: {  	(xrf0) =	vmax.scan.msk.u32 $0xffff, v21;
	_ =	sdelay $0x1  }
0x3b6: {  	v60, _, _ =	vpop (xrf0)  }
0x3b7: {  	(v2sf) =	vpush v59, $0xF;
	v61, _, _ =	vpop (xrf0)  }
0x3b8: {  	v22 =	vxor.u32 $0x80000000, v61  }
0x3b9: {  	(v2sf) =	vpush v60, $0xF;
	(xrf0) =	vmax.scan.msk.u32 $0xffff, v22  }
0x3ba: {  	v62, _, _ =	vpop (xrf0)  }
0x3bb: {  	(v2sf) =	vpush v62, $0xF;
	_ =	sdelay $0x3  }
0x3bc: {  	v63, _, _ =	vpop (xrf0)  }
0x3bd: {  	(v2sf) =	vpush v63, $0xF;
	_ =	sdelay $0x1  }
0x3be: {  	s3 =	spop (v2sf);
	s4 =	sadd.s32 $0x80000000, s4  }
0x3bf: {  	s3 =	sadd.s32 s3, s4  }
0x3c0: {  	s3 =	sadd.s32 $0x80000000, s3;
	s7 =	spop (v2sf)  }
0x3c1: {  	s7 =	sadd.s32 s7, s3  }
0x3c2: {  	s7 =	sadd.s32 $0x80000000, s7;
	s16 =	spop (v2sf)  }
0x3c3: {  	v9 =	vsub.s32 s4, v9;
	s16 =	sadd.s32 s16, s7  }
0x3c4: {  	v9 =	vadd.s32 v12, v9;
	s4 =	sadd.s32 $0x80000000, s16;
	s16 =	spop (v2sf)  }
0x3c5: {  	[tilespmem:s6+$0x10800] =	vst v9;
	v9 =	vsub.s32 s3, v10;
	s6 =	sadd.s32 s16, s4  }
0x3c6: {  	[tilespmem:s2+$0x10000] =	vst v2;
	v9 =	vadd.s32 v14, v9;
	v10 =	vsub.s32 s7, v11;
	s3 =	sadd.s32 $0x80000000, s6;
	s7 =	spop (v2sf)  }
.Ltmp39:
0x3c7: {  	[tilespmem:s0+$0x10800] =	vst v9;
	v9 =	vadd.s32 v15, v10;
	v10 =	vsub.s32 s4, v13;
	s16 =	sadd.s32 s7, s3;
	(pc) =	sbr.rel @!p0 .LBB2_38-.Ltmp39, $4  }
0x3c8: {  	[tilespmem:s10+$0x10800] =	vst v9;
	v9 =	vadd.s32 v18, v10;
	v10 =	vsub.s32 s3, v16;
	s0 =	sadd.s32 $0x80000000, s16  }
0x3c9: {  	[tilespmem:s28+$0x10800] =	vst v9;
	v9 =	vadd.s32 v20, v10;
	v10 =	vsub.s32 s0, v17  }
0x3ca: {  	[tilespmem:s1+$0x10800] =	vst v9;
	v9 =	vadd.s32 v61, v10  }
0x3cb: {  	[tilespmem:s2+$0x10800] =	vst v9;
	s28 =	spop (v2sf)  }
0x3cc: {  	s0 =	simm.s32 $0x0  }
0x3cd: {  	v9 =	vadd.s32 s0, v8;
	_ =	sdelay $0x4  }
0x3ce: {  	v10 =	vld.idx.msk [tilespmem:v9+s18+$0x0], $0xffff;
	_ =	sdelay $0x4  }
0x3cf: {  	v11 =	vshrl.u32 v10, $0x11  }
0x3d0: {  	v11 =	vand.u32 $0x1F0, v11  }
0x3d1: {  	p0 =	sne.s32 s31, $0x1;
	v12 =	vor.u32 v0, v11  }
.Ltmp40:
0x3d2: {  	_ = 	snop;
	(pc) =	sbr.rel @!p0 .LBB2_63-.Ltmp40, $3  }
0x3d3: {  	_ =	sdelay $0x1  }
0x3d4: {  	v11 =	vld.idx.msk [tilespmem:v9+s19+$0x0], $0xffff  }
0x3d5: {  	s0 =	simm.s32 $0x1;
	v13 =	vld.idx.msk [tilespmem:v12+s21+$0x0], $0xffff  }
.LBB2_62:
0x3d6: {  	_ =	sdelay $0x3  }
0x3d7: {  	v14 =	vadd.s32 s0, v8  }
0x3d8: {  	s0 =	sadd.s32 $0x1, s0;
	v15 =	vadd.s32 $0x1, v13  }
0x3d9: {  	p0 =	sne.s32 s31, s0;
	[tilespmem:v12+s21+$0x0] =	vst.idx.msk $0xffff, v15  }
0x3da: {  	[tilespmem:v13+s22+$0x0] =	vst.idx.msk $0xffff, v10  }
0x3db: {  	[tilespmem:v13+s23+$0x0] =	vst.idx.msk $0xffff, v11  }
0x3dc: {  	v10 =	vld.idx.msk [tilespmem:v14+s18+$0x0], $0xffff  }
0x3dd: {  	v11 =	vld.idx.msk [tilespmem:v14+s19+$0x0], $0xffff;
	_ =	sdelay $0x4  }
0x3de: {  	v12 =	vshrl.u32 v10, $0x11  }
0x3df: {  	v12 =	vand.u32 $0x1F0, v12  }
0x3e0: {  	v12 =	vor.u32 v0, v12  }
.Ltmp41:
0x3e1: {  	(pc) =	sbr.rel @p0 .LBB2_62-.Ltmp41, $2  }
0x3e2: {  	_ =	sdelay $0x2  }
0x3e3: {  	v13 =	vld.idx.msk [tilespmem:v12+s21+$0x0], $0xffff  }
.LBB2_63:
0x3e4: {  	_ =	sdelay $0x5  }
0x3e5: {  	v14 =	vadd.s32 $0x1, v13  }
0x3e6: {  	[tilespmem:v12+s21+$0x0] =	vst.idx.msk $0xffff, v14  }
0x3e7: {  	[tilespmem:v13+s22+$0x0] =	vst.idx.msk $0xffff, v10  }
0x3e8: {  	[tilespmem:v13+s23+$0x0] =	vst.idx.msk $0xffff, v11  }
0x3e9: {  	v9 =	vld.idx.msk [tilespmem:v9+s22+$0x0], $0xffff;
	_ =	sdelay $0x1  }
0x3ea: {  	p0 =	seq.s32 s31, $0x1  }
.Ltmp42:
0x3eb: {  	_ = 	snop;
	(pc) =	sbr.rel @p0 .LBB2_65-.Ltmp42, $4  }
0x3ec: {  	_ = 	snop  }
0x3ed: {  	v9 =	vshrl.u32 v9, $0x16  }
0x3ee: {  	v10 =	vand.u32 $0x3F0, v9;
	v9 =	vor.u32 $0x200, v0  }
0x3ef: {  	s0 =	simm.s32 $0x1;
	v10 =	vxor.u32 v9, v10  }
.LBB2_64:
0x3f0: {  	v11 =	vadd.s32 s0, v8;
	s0 =	sadd.s32 $0x1, s0  }
0x3f1: {  	p0 =	seq.s32 s31, s0;
	_ =	sdelay $0x2  }
0x3f2: {  	[tilespmem:v10+s24+$0x0] =	vst.idx.add.s32.msk $0xffff, v4  }
0x3f3: {  	v10 =	vld.idx.msk [tilespmem:v11+s22+$0x0], $0xffff;
	_ =	sdelay $0x3  }
.Ltmp43:
0x3f4: {  	(pc) =	sbr.rel @!p0 .LBB2_64-.Ltmp43, $4  }
0x3f5: {  	_ = 	snop  }
0x3f6: {  	v10 =	vshrl.u32 v10, $0x16  }
0x3f7: {  	v10 =	vand.u32 $0x3F0, v10  }
0x3f8: {  	v10 =	vxor.u32 v9, v10  }
.LBB2_65:
0x3f9: {  	_ =	sdelay $0x3  }
0x3fa: {  	[tilespmem:v10+s24+$0x0] =	vst.idx.add.s32.msk $0xffff, v4  }
.LBB2_38:
0x3fb: {  	s3 =	simm.s32 $0x0  }
0x3fc: {  	v15 =	vld [tilespmem:s3+$0x10400];
	_ =	sdelay $0x4  }
0x3fd: {  	(xrf0) =	vadd.scan.msk.s32 $0xffff, v15  }
0x3fe: {  	s6 =	simm.s32 $0x10;
	[tilespmem:s3+$0x10400] =	vst v2  }
0x3ff: {  	v9 =	vld [tilespmem:s6+$0x10400];
	_ =	sdelay $0x3  }
0x400: {  	v17, _, _ =	vpop (xrf0)  }
0x401: {  	(xrf0) =	vadd.scan.msk.s32 $0xffff, v9;
	v10 =	vxor.u32 $0x80000000, v17  }
0x402: {  	(xrf0) =	vmax.scan.msk.u32 $0xffff, v10  }
0x403: {  	s0 =	simm.s32 $0x20;
	[tilespmem:s6+$0x10400] =	vst v2  }
0x404: {  	v10 =	vld [tilespmem:s0+$0x10400];
	_ =	sdelay $0x2  }
0x405: {  	v12, _, _ =	vpop (xrf0)  }
0x406: {  	v11, _, _ =	vpop (xrf0)  }
0x407: {  	(xrf0) =	vadd.scan.msk.s32 $0xffff, v10;
	(v2sf) =	vpush v11, $0xF  }
0x408: {  	s10 =	simm.s32 $0x30;
	[tilespmem:s0+$0x10400] =	vst v2  }
0x409: {  	v11 =	vld [tilespmem:s10+$0x10400]  }
0x40a: {  	v14 =	vxor.u32 $0x80000000, v12;
	_ =	sdelay $0x2  }
0x40b: {  	(xrf0) =	vmax.scan.msk.u32 $0xffff, v14;
	v14, _, _ =	vpop (xrf0)  }
0x40c: {  	(xrf0) =	vadd.scan.msk.s32 $0xffff, v11;
	v16 =	vxor.u32 $0x80000000, v14  }
0x40d: {  	(xrf0) =	vmax.scan.msk.u32 $0xffff, v16  }
0x40e: {  	s2 =	simm.s32 $0x0  }
0x40f: {  	s28 =	simm.s32 $0x40;
	v19 =	vsub.s32 s2, v15;
	[tilespmem:s10+$0x10400] =	vst v2  }
0x410: {  	v17 =	vadd.s32 v17, v19;
	v13 =	vld [tilespmem:s28+$0x10400]  }
0x411: {  	v18, _, _ =	vpop (xrf0)  }
0x412: {  	s1 =	simm.s32 $0x50;
	[tilespmem:s28+$0x10400] =	vst v2;
	v15, _, _ =	vpop (xrf0)  }
0x413: {  	v16 =	vld [tilespmem:s1+$0x10400];
	[tilespmem:s3+$0x10800] =	vst v17;
	(v2sf) =	vpush v18, $0xF;
	v17, _, _ =	vpop (xrf0)  }
0x414: {  	s4 =	spop (v2sf);
	(v2sf) =	vpush v17, $0xF  }
0x415: {  	(xrf0) =	vadd.scan.msk.s32 $0xffff, v13;
	_ =	sdelay $0x1  }
0x416: {  	v19 =	vxor.u32 $0x80000000, v15  }
0x417: {  	(xrf0) =	vmax.scan.msk.u32 $0xffff, v19;
	_ =	sdelay $0x2  }
0x418: {  	s2 =	simm.s32 $0x60;
	[tilespmem:s1+$0x10400] =	vst v2;
	v18, _, _ =	vpop (xrf0)  }
0x419: {  	s3 =	simm.s32 $0x1C0;
	(xrf0) =	vadd.scan.msk.s32 $0xffff, v16;
	v19 =	vxor.u32 $0x80000000, v18;
	v17 =	vld [tilespmem:s2+$0x10400];
	s4 =	sadd.s32 $0x0, s4  }
.LBB2_39:
0x41a: {  	p0 =	seq.s32 s3, $0xFC0  }
0x41b: {  	(xrf0) =	vmax.scan.msk.u32 $0xffff, v19;
	v19, _, _ =	vpop (xrf0);
	s4 =	sadd.s32 $0x80000000, s4;
	s7 =	smov.u32 s3;
	s3 =	sadd.s32 $0x40, s3  }
.Ltmp44:
0x41c: {  	(v2sf) =	vpush v19, $0xF;
	v19 =	vsub.s32 s4, v9;
	v9 =	vmovc v10;
	v10 =	vmovc v11;
	v11 =	vmov v13;
	(pc) =	sbr.rel @!p0 .LBB2_39-.Ltmp44, $4  }
0x41d: {  	v13 =	vmovc v16;
	v19 =	vadd.s32 v12, v19;
	v12 =	vmovc v14;
	v14 =	vmov v15;
	v15 =	vmov v18  }
0x41e: {  	[tilespmem:s6+$0x10800] =	vst v19;
	s6 =	smov.u32 s0;
	s0 =	smov.u32 s10;
	s10 =	smov.u32 s28  }
0x41f: {  	s7 =	sshra.s32 s7, $0x2;
	s28 =	smov.u32 s1;
	[tilespmem:s2+$0x10400] =	vst v2;
	(xrf0) =	vadd.scan.msk.s32 $0xffff, v17;
	v18, _, _ =	vpop (xrf0);
	s16 =	spop (v2sf);
	v16 =	vmov v17  }
0x420: {  	s1 =	smov.u32 s2;
	s2 =	smov.u32 s7;
	v17 =	vld [tilespmem:s7+$0x10400];
	v19 =	vxor.u32 $0x80000000, v18;
	s4 =	sadd.s32 s16, s4  }
0x421: {  	_ =	sdelay $0x2  }
0x422: {  	(xrf0) =	vmax.scan.msk.u32 $0xffff, v19  }
0x423: {  	v59, _, _ =	vpop (xrf0);
	(xrf0) =	vadd.scan.msk.s32 $0xffff, v17  }
0x424: {  	v20, _, _ =	vpop (xrf0)  }
0x425: {  	v21 =	vxor.u32 $0x80000000, v20  }
0x426: {  	(xrf0) =	vmax.scan.msk.u32 $0xffff, v21;
	_ =	sdelay $0x1  }
0x427: {  	v60, _, _ =	vpop (xrf0)  }
0x428: {  	(v2sf) =	vpush v59, $0xF;
	v61, _, _ =	vpop (xrf0)  }
0x429: {  	v22 =	vxor.u32 $0x80000000, v61  }
0x42a: {  	(v2sf) =	vpush v60, $0xF;
	(xrf0) =	vmax.scan.msk.u32 $0xffff, v22  }
0x42b: {  	v62, _, _ =	vpop (xrf0)  }
0x42c: {  	(v2sf) =	vpush v62, $0xF;
	_ =	sdelay $0x3  }
0x42d: {  	v63, _, _ =	vpop (xrf0)  }
0x42e: {  	(v2sf) =	vpush v63, $0xF;
	_ =	sdelay $0x1  }
0x42f: {  	s3 =	spop (v2sf);
	s4 =	sadd.s32 $0x80000000, s4  }
0x430: {  	s3 =	sadd.s32 s3, s4  }
0x431: {  	s3 =	sadd.s32 $0x80000000, s3;
	s7 =	spop (v2sf)  }
0x432: {  	s7 =	sadd.s32 s7, s3  }
0x433: {  	s7 =	sadd.s32 $0x80000000, s7;
	s16 =	spop (v2sf)  }
0x434: {  	v9 =	vsub.s32 s4, v9;
	s16 =	sadd.s32 s16, s7  }
0x435: {  	v9 =	vadd.s32 v12, v9;
	s4 =	sadd.s32 $0x80000000, s16;
	s16 =	spop (v2sf)  }
0x436: {  	[tilespmem:s6+$0x10800] =	vst v9;
	v9 =	vsub.s32 s3, v10;
	s6 =	sadd.s32 s16, s4  }
0x437: {  	p0 =	slt.s32 s31, $0x1;
	[tilespmem:s2+$0x10400] =	vst v2;
	v9 =	vadd.s32 v14, v9;
	v10 =	vsub.s32 s7, v11;
	s3 =	sadd.s32 $0x80000000, s6;
	s7 =	spop (v2sf)  }
.Ltmp45:
0x438: {  	[tilespmem:s0+$0x10800] =	vst v9;
	v9 =	vadd.s32 v15, v10;
	v10 =	vsub.s32 s4, v13;
	s16 =	sadd.s32 s7, s3;
	(pc) =	sbr.rel @p0 .LBB2_69-.Ltmp45, $4  }
0x439: {  	[tilespmem:s10+$0x10800] =	vst v9;
	v9 =	vadd.s32 v18, v10;
	v10 =	vsub.s32 s3, v16;
	s0 =	sadd.s32 $0x80000000, s16  }
0x43a: {  	[tilespmem:s28+$0x10800] =	vst v9;
	v9 =	vadd.s32 v20, v10;
	v10 =	vsub.s32 s0, v17  }
0x43b: {  	[tilespmem:s1+$0x10800] =	vst v9;
	v9 =	vadd.s32 v61, v10  }
0x43c: {  	[tilespmem:s2+$0x10800] =	vst v9;
	s28 =	spop (v2sf)  }
0x43d: {  	p1 =	sne.s32 s31, $0x1  }
.Ltmp46:
0x43e: {  	_ = 	snop;
	(pc) =	sbr.rel @!p1 .LBB2_42-.Ltmp46, $3  }
0x43f: {  	_ =	sdelay $0x1  }
0x440: {  	s0 =	simm.s32 $0x0  }
0x441: {  	s1 =	simm.s32 $0x1;
	p0 =	por $0x0, $0x0;
	v10 =	vadd.s32 s0, v8  }
0x442: {  	_ =	sdelay $0x3  }
0x443: {  	v9 =	vld.idx.msk [tilespmem:v10+s22+$0x0], $0xffff;
	_ =	sdelay $0x4  }
0x444: {  	v9 =	vshrl.u32 v9, $0x16  }
0x445: {  	v11 =	vand.u32 $0x3F0, v9;
	v9 =	vor.u32 $0x200, v0  }
0x446: {  	v12 =	vxor.u32 v9, v11;
	_ =	sdelay $0x3  }
0x447: {  	v10 =	vld.idx.msk [tilespmem:v10+s23+$0x0], $0xffff  }
0x448: {  	v11 =	vld.idx.msk [tilespmem:v12+s21+$0x0], $0xffff;
	_ =	sdelay $0x4  }
0x449: {  	v13 =	vadd.s32 $0x1, v11  }
0x44a: {  	vm0 =	vlt.s32 v11, $0x400;
	[tilespmem:v12+s21+$0x0] =	vst.idx.msk $0xffff, v13  }
0x44b: {  	p1 =	sne.s32 s31, $0x2;
	v13 =	vld.idx.msk [tilespmem:v10+s5+$0x0], $0xffff  }
.Ltmp47:
0x44c: {  	v12 =	vld.idx.msk [tilespmem:v10+s14+$0x0], $0xffff;
	(pc) =	sbr.rel @!p1 .LBB2_68-.Ltmp47, $2  }
0x44d: {  	v10 =	vadd.s32 s1, v8;
	_ =	sdelay $0x2  }
0x44e: {  	s0 =	simm.s32 $0x2;
	p0 =	por $0x1, $0x1;
	[tilespmem:v11+s25+$0x0] =	vst.idx.msk vm0, v13  }
.LBB2_67:
0x44f: {  	[tilespmem:v11+s26+$0x0] =	vst.idx.msk vm0, v12;
	s1 =	smov.u32 s0;
	s0 =	sadd.s32 $0x1, s0  }
0x450: {  	p1 =	sne.s32 s31, s0;
	v11 =	vld.idx.msk [tilespmem:v10+s22+$0x0], $0xffff;
	_ =	sdelay $0x5  }
0x451: {  	v11 =	vshrl.u32 v11, $0x16  }
0x452: {  	v11 =	vand.u32 $0x3F0, v11  }
0x453: {  	v12 =	vxor.u32 v9, v11;
	_ =	sdelay $0x3  }
0x454: {  	v10 =	vld.idx.msk [tilespmem:v10+s23+$0x0], $0xffff  }
0x455: {  	v11 =	vld.idx.msk [tilespmem:v12+s21+$0x0], $0xffff;
	_ =	sdelay $0x5  }
0x456: {  	v13 =	vadd.s32 $0x1, v11  }
0x457: {  	[tilespmem:v12+s21+$0x0] =	vst.idx.msk $0xffff, v13  }
0x458: {  	vm0 =	vlt.s32 v11, $0x400;
	v13 =	vld.idx.msk [tilespmem:v10+s5+$0x0], $0xffff  }
0x459: {  	v12 =	vld.idx.msk [tilespmem:v10+s14+$0x0], $0xffff  }
.Ltmp48:
0x45a: {  	(pc) =	sbr.rel @p1 .LBB2_67-.Ltmp48, $2  }
0x45b: {  	v10 =	vadd.s32 s1, v8;
	_ =	sdelay $0x2  }
0x45c: {  	[tilespmem:v11+s25+$0x0] =	vst.idx.msk vm0, v13  }
.Ltmp49:
0x45d: {  	_ = 	snop;
	(pc) =	sbr.rel .LBB2_68-.Ltmp49, $1  }
0x45e: {  	_ =	sdelay $0x3  }
.LBB2_71:
0x45f: {  	_ =	sfence.sel $0x180000  }
0x460: {  	[bflag:$0x0] =	sbarrier.arrive $0xFFFF  }
0x461: {  	_ =	strace $0x90000047  }
0x462: {  	s0 =	stileid.u32;
	[bflag:$0x2] =	sbarrier.arrive $0xFFFF  }
0x463: {  	p0 =	sne.s32 s0, $0x0;
	s0 =	rddreg [dreg:$0x4]  }
0x464: {  	s0 =	sadd.s32 @!p0 $0x100000, s0  }
0x465: {  	[sflag:s0] =	ssyncadd.tile.s32 @!p0 $0x1;
	_ =	shalt  }
.Lfunc_end2:
_tile_overlayer_lowered:
.L_overlay_start_2:
0x466: {  	(tag) =	ssettag $0x2  }
0x467: {  	s0 =	rddreg [dreg:$0x0];
	s2 =	stileid.u32  }
0x468: {  	s1 =	rddreg [dreg:$0x1];
	p0 =	sne.s32 s2, $0x0  }
0x469: {  	s3 =	rddreg [dreg:$0x2];
	[bflag:$0x3] =	sbarrier.arrive $0xFFFF;
	s2 =	simm.s32 @!p0 $0x1C01  }
0x46a: {  	[timem:s3], [sflag:s2] =	dma.local @!p0 [hbm:s0], s1  }
0x46b: {  	s0 =	simm.s32 @!p0 $0x1  }
0x46c: {  	_ =	swait.ge @!p0 [sflag:s0], s1  }
0x46d: {  	s1 =	ssub.s32 @!p0 $0x0, s1;
	[sflag:s0] =	ssyncset.done @!p0 $0x0  }
0x46e: {  	[sflag:s0] =	ssyncadd.s32 @!p0 s1  }
0x46f: {  	[bflag:$0x3] =	sbarrier.arrive $0xFFFF  }
0x470: {  	_ =	shalt  }

</sc_bundles>
